<compile_context>
chip_gen: v7x
topology: tpu7x:2x2x1
jax: 0.10.2.dev20260603
libtpu: 0.0.44.dev20260713+nightly
codegen_flags: <defaults>
</compile_context>

<pallas_src>
import functools

import jax
import jax.numpy as jnp
from jax import lax
from jax.experimental import pallas as pl
from jax.experimental.pallas import tpu as pltpu
from jax.experimental.pallas import tpu_sc as plsc

_B = 4096
_HW = 225
_SROW = 2 * _HW
_TROWS = 2380

_info = plsc.get_sparse_core_info()
_NC = _info.num_cores
_NS = _info.num_subcores
_NW = _NC * _NS
_SPW = _B // _NW
_NB = 16
_NG = _SPW // _NB

_f32 = jnp.float32
_i32 = jnp.int32


def _body(pcode_hbm, board_hbm, table_hbm, coef_hbm, val_hbm, pol_hbm,
          table_v, coef_v, pc0, pc1, bd0, bd1, po0, po1, val_v,
          sp0, sp1, sb0, sb1, so0, so1):
    cid = lax.axis_index("c")
    sid = lax.axis_index("s")
    wid = sid * _NC + cid
    base = wid * _SPW
    pcs = (pc0, pc1)
    bds = (bd0, bd1)
    pols = (po0, po1)
    sps = (sp0, sp1)
    sbs = (sb0, sb1)
    sos = (so0, so1)

    def start_in(g, par):
        s0 = base + g * _NB
        pltpu.async_copy(
            pcode_hbm.at[pl.ds(s0 * _SROW, _NB * _SROW)], pcs[par], sps[par])
        pltpu.async_copy(
            board_hbm.at[pl.ds(s0 * 2 * _HW, _NB * 2 * _HW)], bds[par], sbs[par])

    def wait_in(g, par):
        s0 = base + g * _NB
        pltpu.make_async_copy(
            pcode_hbm.at[pl.ds(s0 * _SROW, _NB * _SROW)], pcs[par], sps[par]).wait()
        pltpu.make_async_copy(
            board_hbm.at[pl.ds(s0 * 2 * _HW, _NB * 2 * _HW)], bds[par], sbs[par]).wait()

    start_in(0, 0)
    start_in(1, 1)
    pltpu.sync_copy(table_hbm, table_v)
    pltpu.sync_copy(coef_hbm, coef_v)
    c0 = coef_v[0, :]
    c1 = coef_v[1, :]
    lanes = lax.broadcasted_iota(_i32, (16,), 0)
    zero = jnp.zeros((16,), _f32)

    def pair(h, carry):
        for par in range(2):
            g = 2 * h + par
            pcode_v = pcs[par]
            board_v = bds[par]
            pol_v = pols[par]
            wait_in(g, par)

            @pl.when(h >= 1)
            def _():
                pltpu.make_async_copy(
                    pol_v, pol_hbm.at[pl.ds((base + (g - 2) * _NB) * _HW, _NB * _HW)],
                    sos[par]).wait()

            def samp(s, carry):
                winv, drawv = carry
                bv0 = s * _SROW + lanes
                bv1 = bv0 + _HW
                ov0 = s * (2 * _HW) + lanes
                ov1 = ov0 + _HW
                pb = s * _HW + lanes
                acc_w = zero
                acc_d = zero
                for j in range(14):
                    b0 = plsc.load_gather(board_v, [ov0 + 16 * j])
                    b1 = plsc.load_gather(board_v, [ov1 + 16 * j])
                    occ = (b0 + b1) > 0.0
                    i0 = plsc.load_gather(pcode_v, [bv0 + 16 * j]) * 3
                    i1 = plsc.load_gather(pcode_v, [bv1 + 16 * j]) * 3
                    p0 = plsc.load_gather(table_v, [i0])
                    v01 = plsc.load_gather(table_v, [i0 + 1])
                    v02 = plsc.load_gather(table_v, [i0 + 2])
                    p1 = plsc.load_gather(table_v, [i1])
                    v11 = plsc.load_gather(table_v, [i1 + 1])
                    v12 = plsc.load_gather(table_v, [i1 + 2])
                    acc_w = acc_w + jnp.where(occ, zero, v01 - v11)
                    acc_d = acc_d + jnp.where(occ, zero, v02 + v12)
                    pol = jnp.where(occ, zero, p0) * c0 + jnp.where(occ, zero, p1) * c1
                    plsc.store_scatter(pol_v, [pb + 16 * j], pol)
                win = jnp.sum(acc_w)
                draw = jnp.sum(acc_d)
                here = lanes == s
                winv = jnp.where(here, jnp.broadcast_to(win, (16,)), winv)
                drawv = jnp.where(here, jnp.broadcast_to(draw, (16,)), drawv)
                return winv, drawv

            winv, drawv = lax.fori_loop(0, _NB, samp, (zero, zero))

            ft0 = lanes * _SROW + 224
            ft1 = ft0 + _HW
            ob0 = lanes * (2 * _HW) + 224
            ob1 = ob0 + _HW
            b0 = plsc.load_gather(board_v, [ob0])
            b1 = plsc.load_gather(board_v, [ob1])
            occ = (b0 + b1) > 0.0
            i0 = plsc.load_gather(pcode_v, [ft0]) * 3
            i1 = plsc.load_gather(pcode_v, [ft1]) * 3
            p0 = plsc.load_gather(table_v, [i0])
            v01 = plsc.load_gather(table_v, [i0 + 1])
            v02 = plsc.load_gather(table_v, [i0 + 2])
            p1 = plsc.load_gather(table_v, [i1])
            v11 = plsc.load_gather(table_v, [i1 + 1])
            v12 = plsc.load_gather(table_v, [i1 + 2])
            winv = winv + jnp.where(occ, zero, v01 - v11)
            drawv = drawv + jnp.where(occ, zero, v02 + v12)
            polt = jnp.where(occ, zero, p0) * c0 + jnp.where(occ, zero, p1) * c1
            plsc.store_scatter(pol_v, [lanes * _HW + 224], polt)

            idx3 = (g * _NB + lanes) * 3
            plsc.store_scatter(val_v, [idx3], winv)
            plsc.store_scatter(val_v, [idx3 + 1], -winv)
            plsc.store_scatter(val_v, [idx3 + 2], drawv)

            @pl.when(h < (_NG // 2) - 1)
            def _():
                start_in(g + 2, par)

            pltpu.async_copy(
                pol_v, pol_hbm.at[pl.ds((base + g * _NB) * _HW, _NB * _HW)], sos[par])
        return 0

    lax.fori_loop(0, _NG // 2, pair, 0)
    for par in range(2):
        g = _NG - 2 + par
        pltpu.make_async_copy(
            pols[par], pol_hbm.at[pl.ds((base + g * _NB) * _HW, _NB * _HW)],
            sos[par]).wait()
    pltpu.sync_copy(val_v, val_hbm.at[pl.ds(base * 3, _SPW * 3)])


@jax.jit
def _run(pcode, board, table_flat, coef2):
    kfn = functools.partial(
        pl.kernel,
        out_type=[
            jax.ShapeDtypeStruct((_B * 3,), _f32),
            jax.ShapeDtypeStruct((_B * _HW,), _f32),
        ],
        mesh=plsc.VectorSubcoreMesh(core_axis_name="c", subcore_axis_name="s"),
        compiler_params=pltpu.CompilerParams(needs_layout_passes=False),
        scratch_types=[
            pltpu.VMEM((_TROWS * 3,), _f32),
            pltpu.VMEM((2, 16), _f32),
            pltpu.VMEM((_NB * _SROW,), _i32),
            pltpu.VMEM((_NB * _SROW,), _i32),
            pltpu.VMEM((_NB * 2 * _HW,), _f32),
            pltpu.VMEM((_NB * 2 * _HW,), _f32),
            pltpu.VMEM((_NB * _HW,), _f32),
            pltpu.VMEM((_NB * _HW,), _f32),
            pltpu.VMEM((_SPW * 3,), _f32),
            pltpu.SemaphoreType.DMA,
            pltpu.SemaphoreType.DMA,
            pltpu.SemaphoreType.DMA,
            pltpu.SemaphoreType.DMA,
            pltpu.SemaphoreType.DMA,
            pltpu.SemaphoreType.DMA,
        ],
    )(_body)
    return kfn(pcode, board, table_flat, coef2)


def kernel(sparse_feature_input, sparse_feature_dim, board_input, table, policy_stm_coef):
    del sparse_feature_dim
    pcode = sparse_feature_input[:, 10:12].reshape(_B * 2 * _HW)
    board = board_input.reshape(_B * 2 * _HW)
    table_flat = table.reshape(_TROWS * 3)
    coef2 = jnp.broadcast_to(policy_stm_coef.reshape(2, 1), (2, 16))
    value, policy = _run(pcode, board, table_flat, coef2)
    return value.reshape(_B, 3), policy.reshape(_B, 15, 15)

# --- scband reference (transcript-rebuilt; emitter-appended) ---
"""Pipeline reference for scband-linear-model-56633438765208 (READ-ONLY COPY).

The authoritative reference and input builder live on the scoring server;
editing this copy changes nothing except your own understanding.
"""

import jax, jax.numpy as jnp
import numpy as np

B = 4096
H = 15
W = 15
PCODE_DIM = 2380


def setup_inputs(seed: int = 0) -> dict:
    key = jax.random.key(seed)
    k1, k2, k3 = jax.random.split(key, 3)
    sparse_feature_input = jax.random.randint(k1, (B, 12, H, W), 0, PCODE_DIM, dtype=jnp.int32)
    # assert in forward requires cols 10:12 to equal pcode_dim exactly -> constant fill
    sparse_feature_dim = jnp.full((B, 12), PCODE_DIM, dtype=jnp.int32)
    # binary occupancy planes for black/white stones
    board_input = jax.random.randint(k2, (B, 2, H, W), 0, 2).astype(jnp.float32)
    # learned params: embedding table [pcode_dim, 2 + 1(draw)] and policy stm coefs
    table = jax.random.normal(k3, (PCODE_DIM, 3), dtype=jnp.float32) * 0.02
    policy_stm_coef = jnp.ones((2,), dtype=jnp.float32)
    return {
        "sparse_feature_input": sparse_feature_input,
        "sparse_feature_dim": sparse_feature_dim,
        "board_input": board_input,
        "table": table,
        "policy_stm_coef": policy_stm_coef,
    }


def reference(sparse_feature_input, sparse_feature_dim, board_input, table, policy_stm_coef):
    # (assert torch.all(pcode_dim == sparse_feature_dim[:, 10:12]) -- input constructed to satisfy)
    pcode = sparse_feature_input[:, jnp.array([10, 11])]  # [B, 2, H, W] int
    m = jnp.take(table, pcode, axis=0)  # embedding lookup -> [B, 2, H, W, 3]
    policy_map = m[..., 0]              # [B, 2, H, W]
    value_map = m[..., 1:]              # [B, 2, H, W, 2]
    non_empty = (board_input[:, 0] + board_input[:, 1]) > 0  # [B, H, W]
    nem = non_empty[:, None]            # [B, 1, H, W]
    value_map = jnp.where(nem[..., None], 0.0, value_map)
    policy_map = jnp.where(nem, 0.0, policy_map)
    value = jnp.sum(value_map, axis=(2, 3))  # [B, 2, 2]
    win = value[:, 0, 0] - value[:, 1, 0]
    loss = -win
    draw = value[:, 0, 1] + value[:, 1, 1]
    value = jnp.stack((win, loss, draw), axis=1)  # [B, 3]
    policy_self = policy_map[:, 0] * policy_stm_coef[0]
    policy_oppo = policy_map[:, 1] * policy_stm_coef[1]
    policy = policy_self + policy_oppo  # [B, H, W]
    return value, policy

if __name__ == "__main__":
    import jax
    _d = setup_inputs()
    print(jax.jit(kernel)(*tuple(_d.values())))

</pallas_src>

<mosaic_0001>
#map = affine_map<(d0, d1) -> (0)>
#map1 = affine_map<(d0, d1) -> (0, 0)>
module attributes {stable_mosaic.version = 14 : i64} {
  func.func @_body(%arg0: i32, %arg1: i32, %arg2: memref<1843200xi32, #tpu.memory_space<hbm>>, %arg3: memref<1843200xf32, #tpu.memory_space<hbm>>, %arg4: memref<7140xf32, #tpu.memory_space<hbm>>, %arg5: memref<2x16xf32, #tpu.memory_space<hbm>>, %arg6: memref<12288xf32, #tpu.memory_space<hbm>>, %arg7: memref<921600xf32, #tpu.memory_space<hbm>>, %arg8: memref<7140xf32, #tpu.memory_space<vmem>>, %arg9: memref<2x16xf32, #tpu.memory_space<vmem>>, %arg10: memref<7200xi32, #tpu.memory_space<vmem>>, %arg11: memref<7200xi32, #tpu.memory_space<vmem>>, %arg12: memref<7200xf32, #tpu.memory_space<vmem>>, %arg13: memref<7200xf32, #tpu.memory_space<vmem>>, %arg14: memref<3600xf32, #tpu.memory_space<vmem>>, %arg15: memref<3600xf32, #tpu.memory_space<vmem>>, %arg16: memref<384xf32, #tpu.memory_space<vmem>>, %arg17: memref<!tpu.dma_semaphore, #tpu.memory_space<semaphore_mem>>, %arg18: memref<!tpu.dma_semaphore, #tpu.memory_space<semaphore_mem>>, %arg19: memref<!tpu.dma_semaphore, #tpu.memory_space<semaphore_mem>>, %arg20: memref<!tpu.dma_semaphore, #tpu.memory_space<semaphore_mem>>, %arg21: memref<!tpu.dma_semaphore, #tpu.memory_space<semaphore_mem>>, %arg22: memref<!tpu.dma_semaphore, #tpu.memory_space<semaphore_mem>>) attributes {dimension_semantics = [#tpu.dimension_semantics<core_parallel>, #tpu.dimension_semantics<subcore_parallel>], iteration_bounds = array<i64: 2, 16>, scalar_prefetch = 0 : i64, scratch_operands = 15 : i64, tpu.core_type = #tpu.core_type<sc_vector_subcore>, window_params = [{transform_indices = #map}, {transform_indices = #map}, {transform_indices = #map}, {transform_indices = #map1}, {transform_indices = #map}, {transform_indices = #map}]} {
    %mul3A = arith.constant 2 : i32
    %mul3A_0 = arith.muli %arg1, %mul3A : i32
    %add3A = arith.addi %mul3A_0, %arg0 : i32
    %mul3A_1 = arith.constant 128 : i32
    %mul3A_2 = arith.muli %add3A, %mul3A_1 : i32
    %add3A_3 = arith.constant 0 : i32
    %add3A_4 = arith.addi %mul3A_2, %add3A_3 : i32
    %mul3A_5 = arith.constant 450 : i32
    %mul3A_6 = arith.muli %add3A_4, %mul3A_5 : i32
    %dma_start3A = tpu.memref_slice %arg2[%mul3A_6] : memref<1843200xi32, #tpu.memory_space<hbm>> -> memref<7200xi32, #tpu.memory_space<hbm>>
    %dma_start3A_7 = tpu.memref_slice %arg2[%mul3A_6] : memref<1843200xi32, #tpu.memory_space<hbm>> -> memref<7200xi32, #tpu.memory_space<hbm>>
    tpu.enqueue_dma source(%dma_start3A_7 : memref<7200xi32, #tpu.memory_space<hbm>>) target(%arg10 : memref<7200xi32, #tpu.memory_space<vmem>>) target_semaphore(%arg17 : memref<!tpu.dma_semaphore, #tpu.memory_space<semaphore_mem>>)
    %mul3A_8 = arith.constant 2 : i32
    %mul3A_9 = arith.muli %add3A_4, %mul3A_8 : i32
    %mul3A_10 = arith.constant 225 : i32
    %mul3A_11 = arith.muli %mul3A_9, %mul3A_10 : i32
    %dma_start3A_12 = tpu.memref_slice %arg3[%mul3A_11] : memref<1843200xf32, #tpu.memory_space<hbm>> -> memref<7200xf32, #tpu.memory_space<hbm>>
    %dma_start3A_13 = tpu.memref_slice %arg3[%mul3A_11] : memref<1843200xf32, #tpu.memory_space<hbm>> -> memref<7200xf32, #tpu.memory_space<hbm>>
    tpu.enqueue_dma source(%dma_start3A_13 : memref<7200xf32, #tpu.memory_space<hbm>>) target(%arg12 : memref<7200xf32, #tpu.memory_space<vmem>>) target_semaphore(%arg19 : memref<!tpu.dma_semaphore, #tpu.memory_space<semaphore_mem>>)
    %add3A_14 = arith.constant 16 : i32
    %add3A_15 = arith.addi %mul3A_2, %add3A_14 : i32
    %mul3A_16 = arith.constant 450 : i32
    %mul3A_17 = arith.muli %add3A_15, %mul3A_16 : i32
    %dma_start3A_18 = tpu.memref_slice %arg2[%mul3A_17] : memref<1843200xi32, #tpu.memory_space<hbm>> -> memref<7200xi32, #tpu.memory_space<hbm>>
    %dma_start3A_19 = tpu.memref_slice %arg2[%mul3A_17] : memref<1843200xi32, #tpu.memory_space<hbm>> -> memref<7200xi32, #tpu.memory_space<hbm>>
    tpu.enqueue_dma source(%dma_start3A_19 : memref<7200xi32, #tpu.memory_space<hbm>>) target(%arg11 : memref<7200xi32, #tpu.memory_space<vmem>>) target_semaphore(%arg18 : memref<!tpu.dma_semaphore, #tpu.memory_space<semaphore_mem>>)
    %mul3A_20 = arith.constant 2 : i32
    %mul3A_21 = arith.muli %add3A_15, %mul3A_20 : i32
    %mul3A_22 = arith.constant 225 : i32
    %mul3A_23 = arith.muli %mul3A_21, %mul3A_22 : i32
    %dma_start3A_24 = tpu.memref_slice %arg3[%mul3A_23] : memref<1843200xf32, #tpu.memory_space<hbm>> -> memref<7200xf32, #tpu.memory_space<hbm>>
    %dma_start3A_25 = tpu.memref_slice %arg3[%mul3A_23] : memref<1843200xf32, #tpu.memory_space<hbm>> -> memref<7200xf32, #tpu.memory_space<hbm>>
    tpu.enqueue_dma source(%dma_start3A_25 : memref<7200xf32, #tpu.memory_space<hbm>>) target(%arg13 : memref<7200xf32, #tpu.memory_space<vmem>>) target_semaphore(%arg20 : memref<!tpu.dma_semaphore, #tpu.memory_space<semaphore_mem>>)
    "tpu.region"() ({
      %run_scoped3A = tpu.sem_alloc : memref<!tpu.dma_semaphore, #tpu.memory_space<semaphore_mem>>
      tpu.enqueue_dma source(%arg4 : memref<7140xf32, #tpu.memory_space<hbm>>) target(%arg8 : memref<7140xf32, #tpu.memory_space<vmem>>) target_semaphore(%run_scoped3A : memref<!tpu.dma_semaphore, #tpu.memory_space<semaphore_mem>>)
      tpu.wait_dma2 semaphore(%run_scoped3A : memref<!tpu.dma_semaphore, #tpu.memory_space<semaphore_mem>>) src(%arg4 : memref<7140xf32, #tpu.memory_space<hbm>>) dst(%arg8 : memref<7140xf32, #tpu.memory_space<vmem>>)
      tpu.yield
    }) : () -> ()
    "tpu.region"() ({
      %run_scoped3A = tpu.sem_alloc : memref<!tpu.dma_semaphore, #tpu.memory_space<semaphore_mem>>
      tpu.enqueue_dma source(%arg5 : memref<2x16xf32, #tpu.memory_space<hbm>>) target(%arg9 : memref<2x16xf32, #tpu.memory_space<vmem>>) target_semaphore(%run_scoped3A : memref<!tpu.dma_semaphore, #tpu.memory_space<semaphore_mem>>)
      tpu.wait_dma2 semaphore(%run_scoped3A : memref<!tpu.dma_semaphore, #tpu.memory_space<semaphore_mem>>) src(%arg5 : memref<2x16xf32, #tpu.memory_space<hbm>>) dst(%arg9 : memref<2x16xf32, #tpu.memory_space<vmem>>)
      tpu.yield
    }) : () -> ()
    %get3A = arith.constant 0 : i32
    %get3A_26 = arith.index_cast %get3A : i32 to index
    %get3A_27 = arith.constant 0 : index
    %get3A_28 = tpu.vector_load %arg9[%get3A_26, %get3A_27] {strides = array<i32>} : memref<2x16xf32, #tpu.memory_space<vmem>>, vector<16xf32>,
    %get3A_29 = arith.constant 1 : i32
    %get3A_30 = arith.index_cast %get3A_29 : i32 to index
    %get3A_31 = arith.constant 0 : index
    %get3A_32 = tpu.vector_load %arg9[%get3A_30, %get3A_31] {strides = array<i32>} : memref<2x16xf32, #tpu.memory_space<vmem>>, vector<16xf32>,
    %iota3A = tpu.iota {dimensions = array<i32: 0>} : vector<16xi32>
    %broadcast_in_dim3A = arith.constant 0.000000e+00 : f32
    %broadcast_in_dim3A_33 = vector.broadcast %broadcast_in_dim3A : f32 to vector<16xf32>
    %scan3A = arith.constant 0 : i32
    %scan3A_34 = arith.constant 0 : i32
    %scan3A_35 = arith.constant 4 : i32
    %scan3A_36 = arith.addi %scan3A_34, %scan3A_35 : i32
    %scan3A_37 = arith.constant 1 : i32
    %scan3A_38 = scf.for %scan3A_53 = %scan3A_34 to %scan3A_36 step %scan3A_37 iter_args(%scan3A_54 = %scan3A) -> (i32)  : i32 {
      %mul3A_55 = arith.constant 2 : i32
      %mul3A_56 = arith.muli %mul3A_55, %scan3A_53 : i32
      %add3A_57 = arith.constant 0 : i32
      %add3A_58 = arith.addi %mul3A_56, %add3A_57 : i32
      %mul3A_59 = arith.constant 16 : i32
      %mul3A_60 = arith.muli %add3A_58, %mul3A_59 : i32
      %add3A_61 = arith.addi %mul3A_2, %mul3A_60 : i32
      %mul3A_62 = arith.constant 450 : i32
      %mul3A_63 = arith.muli %add3A_61, %mul3A_62 : i32
      %dma_wait3A_64 = tpu.memref_slice %arg2[%mul3A_63] : memref<1843200xi32, #tpu.memory_space<hbm>> -> memref<7200xi32, #tpu.memory_space<hbm>>
      %dma_wait3A_65 = tpu.memref_slice %arg2[%mul3A_63] : memref<1843200xi32, #tpu.memory_space<hbm>> -> memref<7200xi32, #tpu.memory_space<hbm>>
      tpu.wait_dma2 semaphore(%arg17 : memref<!tpu.dma_semaphore, #tpu.memory_space<semaphore_mem>>) src(%dma_wait3A_65 : memref<7200xi32, #tpu.memory_space<hbm>>) dst(%arg10 : memref<7200xi32, #tpu.memory_space<vmem>>)
      %mul3A_66 = arith.constant 2 : i32
      %mul3A_67 = arith.muli %add3A_61, %mul3A_66 : i32
      %mul3A_68 = arith.constant 225 : i32
      %mul3A_69 = arith.muli %mul3A_67, %mul3A_68 : i32
      %dma_wait3A_70 = tpu.memref_slice %arg3[%mul3A_69] : memref<1843200xf32, #tpu.memory_space<hbm>> -> memref<7200xf32, #tpu.memory_space<hbm>>
      %dma_wait3A_71 = tpu.memref_slice %arg3[%mul3A_69] : memref<1843200xf32, #tpu.memory_space<hbm>> -> memref<7200xf32, #tpu.memory_space<hbm>>
      tpu.wait_dma2 semaphore(%arg19 : memref<!tpu.dma_semaphore, #tpu.memory_space<semaphore_mem>>) src(%dma_wait3A_71 : memref<7200xf32, #tpu.memory_space<hbm>>) dst(%arg12 : memref<7200xf32, #tpu.memory_space<vmem>>)
      %ge3A = arith.constant 1 : i32
      %ge3A_72 = arith.cmpi sge, %scan3A_53, %ge3A : i32
      %convert_element_type3A = arith.extui %ge3A_72 : i1 to i32
      %cond3A = arith.constant 0 : i32
      %cond3A_73 = arith.cmpi ne, %convert_element_type3A, %cond3A : i32
      scf.if %cond3A_73 {
        %sub3A_293 = arith.constant 2 : i32
        %sub3A_294 = arith.subi %add3A_58, %sub3A_293 : i32
        %mul3A_295 = arith.constant 16 : i32
        %mul3A_296 = arith.muli %sub3A_294, %mul3A_295 : i32
        %add3A_297 = arith.addi %mul3A_2, %mul3A_296 : i32
        %mul3A_298 = arith.constant 225 : i32
        %mul3A_299 = arith.muli %add3A_297, %mul3A_298 : i32
        %dma_wait3A_300 = tpu.memref_slice %arg7[%mul3A_299] : memref<921600xf32, #tpu.memory_space<hbm>> -> memref<3600xf32, #tpu.memory_space<hbm>>
        %dma_wait3A_301 = tpu.memref_slice %arg7[%mul3A_299] : memref<921600xf32, #tpu.memory_space<hbm>> -> memref<3600xf32, #tpu.memory_space<hbm>>
        tpu.wait_dma2 semaphore(%arg21 : memref<!tpu.dma_semaphore, #tpu.memory_space<semaphore_mem>>) src(%arg14 : memref<3600xf32, #tpu.memory_space<vmem>>) dst(%dma_wait3A_301 : memref<3600xf32, #tpu.memory_space<hbm>>)
      } else {
      }
      %scan3A_74 = arith.constant 0 : i32
      %scan3A_75 = arith.constant 16 : i32
      %scan3A_76 = arith.addi %scan3A_74, %scan3A_75 : i32
      %scan3A_77 = arith.constant 1 : i32
      %scan3A_78:2 = scf.for %scan3A_293 = %scan3A_74 to %scan3A_76 step %scan3A_77 iter_args(%scan3A_294 = %broadcast_in_dim3A_33, %scan3A_295 = %broadcast_in_dim3A_33) -> (vector<16xf32>, vector<16xf32>)  : i32 {
        %mul3A_296 = arith.constant 450 : i32
        %mul3A_297 = arith.muli %scan3A_293, %mul3A_296 : i32
        %add3A_298 = vector.broadcast %mul3A_297 : i32 to vector<16xi32>
        %add3A_299 = arith.addi %add3A_298, %iota3A : vector<16xi32>
        %add3A_300 = arith.constant 225 : i32
        %add3A_301 = vector.broadcast %add3A_300 : i32 to vector<16xi32>
        %add3A_302 = arith.addi %add3A_299, %add3A_301 : vector<16xi32>
        %mul3A_303 = arith.constant 450 : i32
        %mul3A_304 = arith.muli %scan3A_293, %mul3A_303 : i32
        %add3A_305 = vector.broadcast %mul3A_304 : i32 to vector<16xi32>
        %add3A_306 = arith.addi %add3A_305, %iota3A : vector<16xi32>
        %add3A_307 = arith.constant 225 : i32
        %add3A_308 = vector.broadcast %add3A_307 : i32 to vector<16xi32>
        %add3A_309 = arith.addi %add3A_306, %add3A_308 : vector<16xi32>
        %mul3A_310 = arith.constant 225 : i32
        %mul3A_311 = arith.muli %scan3A_293, %mul3A_310 : i32
        %add3A_312 = vector.broadcast %mul3A_311 : i32 to vector<16xi32>
        %add3A_313 = arith.addi %add3A_312, %iota3A : vector<16xi32>
        %add3A_314 = arith.constant 0 : i32
        %add3A_315 = vector.broadcast %add3A_314 : i32 to vector<16xi32>
        %add3A_316 = arith.addi %add3A_306, %add3A_315 : vector<16xi32>
        %gather3A_317 = tpu.vector_load_idx %arg12[%add3A_316] : memref<7200xf32, #tpu.memory_space<vmem>>[vector<16xi32>], vector<16xf32>,
        %add3A_318 = arith.constant 0 : i32
        %add3A_319 = vector.broadcast %add3A_318 : i32 to vector<16xi32>
        %add3A_320 = arith.addi %add3A_309, %add3A_319 : vector<16xi32>
        %gather3A_321 = tpu.vector_load_idx %arg12[%add3A_320] : memref<7200xf32, #tpu.memory_space<vmem>>[vector<16xi32>], vector<16xf32>,
        %add3A_322 = arith.addf %gather3A_317, %gather3A_321 : vector<16xf32>
        %gt3A_323 = arith.constant 0.000000e+00 : f32
        %gt3A_324 = vector.broadcast %gt3A_323 : f32 to vector<16xf32>
        %gt3A_325 = arith.cmpf ogt, %add3A_322, %gt3A_324 : vector<16xf32>
        %add3A_326 = arith.constant 0 : i32
        %add3A_327 = vector.broadcast %add3A_326 : i32 to vector<16xi32>
        %add3A_328 = arith.addi %add3A_299, %add3A_327 : vector<16xi32>
        %gather3A_329 = tpu.vector_load_idx %arg10[%add3A_328] : memref<7200xi32, #tpu.memory_space<vmem>>[vector<16xi32>], vector<16xi32>,
        %mul3A_330 = arith.constant 3 : i32
        %mul3A_331 = vector.broadcast %mul3A_330 : i32 to vector<16xi32>
        %mul3A_332 = arith.muli %gather3A_329, %mul3A_331 : vector<16xi32>
        %add3A_333 = arith.constant 0 : i32
        %add3A_334 = vector.broadcast %add3A_333 : i32 to vector<16xi32>
        %add3A_335 = arith.addi %add3A_302, %add3A_334 : vector<16xi32>
        %gather3A_336 = tpu.vector_load_idx %arg10[%add3A_335] : memref<7200xi32, #tpu.memory_space<vmem>>[vector<16xi32>], vector<16xi32>,
        %mul3A_337 = arith.constant 3 : i32
        %mul3A_338 = vector.broadcast %mul3A_337 : i32 to vector<16xi32>
        %mul3A_339 = arith.muli %gather3A_336, %mul3A_338 : vector<16xi32>
        %gather3A_340 = tpu.vector_load_idx %arg8[%mul3A_332] : memref<7140xf32, #tpu.memory_space<vmem>>[vector<16xi32>], vector<16xf32>,
        %add3A_341 = arith.constant 1 : i32
        %add3A_342 = vector.broadcast %add3A_341 : i32 to vector<16xi32>
        %add3A_343 = arith.addi %mul3A_332, %add3A_342 : vector<16xi32>
        %gather3A_344 = tpu.vector_load_idx %arg8[%add3A_343] : memref<7140xf32, #tpu.memory_space<vmem>>[vector<16xi32>], vector<16xf32>,
        %add3A_345 = arith.constant 2 : i32
        %add3A_346 = vector.broadcast %add3A_345 : i32 to vector<16xi32>
        %add3A_347 = arith.addi %mul3A_332, %add3A_346 : vector<16xi32>
        %gather3A_348 = tpu.vector_load_idx %arg8[%add3A_347] : memref<7140xf32, #tpu.memory_space<vmem>>[vector<16xi32>], vector<16xf32>,
        %gather3A_349 = tpu.vector_load_idx %arg8[%mul3A_339] : memref<7140xf32, #tpu.memory_space<vmem>>[vector<16xi32>], vector<16xf32>,
        %add3A_350 = arith.constant 1 : i32
        %add3A_351 = vector.broadcast %add3A_350 : i32 to vector<16xi32>
        %add3A_352 = arith.addi %mul3A_339, %add3A_351 : vector<16xi32>
        %gather3A_353 = tpu.vector_load_idx %arg8[%add3A_352] : memref<7140xf32, #tpu.memory_space<vmem>>[vector<16xi32>], vector<16xf32>,
        %add3A_354 = arith.constant 2 : i32
        %add3A_355 = vector.broadcast %add3A_354 : i32 to vector<16xi32>
        %add3A_356 = arith.addi %mul3A_339, %add3A_355 : vector<16xi32>
        %gather3A_357 = tpu.vector_load_idx %arg8[%add3A_356] : memref<7140xf32, #tpu.memory_space<vmem>>[vector<16xi32>], vector<16xf32>,
        %sub3A_358 = arith.subf %gather3A_344, %gather3A_353 : vector<16xf32>
        %select_n3A_359 = arith.select %gt3A_325, %broadcast_in_dim3A_33, %sub3A_358 : vector<16xi1>, vector<16xf32>
        %add3A_360 = arith.addf %broadcast_in_dim3A_33, %select_n3A_359 : vector<16xf32>
        %add3A_361 = arith.addf %gather3A_348, %gather3A_357 : vector<16xf32>
        %select_n3A_362 = arith.select %gt3A_325, %broadcast_in_dim3A_33, %add3A_361 : vector<16xi1>, vector<16xf32>
        %add3A_363 = arith.addf %broadcast_in_dim3A_33, %select_n3A_362 : vector<16xf32>
        %select_n3A_364 = arith.select %gt3A_325, %broadcast_in_dim3A_33, %gather3A_340 : vector<16xi1>, vector<16xf32>
        %mul3A_365 = arith.mulf %select_n3A_364, %get3A_28 : vector<16xf32>
        %select_n3A_366 = arith.select %gt3A_325, %broadcast_in_dim3A_33, %gather3A_349 : vector<16xi1>, vector<16xf32>
        %mul3A_367 = arith.mulf %select_n3A_366, %get3A_32 : vector<16xf32>
        %add3A_368 = arith.addf %mul3A_365, %mul3A_367 : vector<16xf32>
        %add3A_369 = arith.constant 0 : i32
        %add3A_370 = vector.broadcast %add3A_369 : i32 to vector<16xi32>
        %add3A_371 = arith.addi %add3A_313, %add3A_370 : vector<16xi32>
        tpu.vector_store_idx %arg14[%add3A_371], %add3A_368 : memref<3600xf32, #tpu.memory_space<vmem>>[vector<16xi32>], vector<16xf32>,
        %add3A_372 = arith.constant 16 : i32
        %add3A_373 = vector.broadcast %add3A_372 : i32 to vector<16xi32>
        %add3A_374 = arith.addi %add3A_306, %add3A_373 : vector<16xi32>
        %gather3A_375 = tpu.vector_load_idx %arg12[%add3A_374] : memref<7200xf32, #tpu.memory_space<vmem>>[vector<16xi32>], vector<16xf32>,
        %add3A_376 = arith.constant 16 : i32
        %add3A_377 = vector.broadcast %add3A_376 : i32 to vector<16xi32>
        %add3A_378 = arith.addi %add3A_309, %add3A_377 : vector<16xi32>
        %gather3A_379 = tpu.vector_load_idx %arg12[%add3A_378] : memref<7200xf32, #tpu.memory_space<vmem>>[vector<16xi32>], vector<16xf32>,
        %add3A_380 = arith.addf %gather3A_375, %gather3A_379 : vector<16xf32>
        %gt3A_381 = arith.constant 0.000000e+00 : f32
        %gt3A_382 = vector.broadcast %gt3A_381 : f32 to vector<16xf32>
        %gt3A_383 = arith.cmpf ogt, %add3A_380, %gt3A_382 : vector<16xf32>
        %add3A_384 = arith.constant 16 : i32
        %add3A_385 = vector.broadcast %add3A_384 : i32 to vector<16xi32>
        %add3A_386 = arith.addi %add3A_299, %add3A_385 : vector<16xi32>
        %gather3A_387 = tpu.vector_load_idx %arg10[%add3A_386] : memref<7200xi32, #tpu.memory_space<vmem>>[vector<16xi32>], vector<16xi32>,
        %mul3A_388 = arith.constant 3 : i32
        %mul3A_389 = vector.broadcast %mul3A_388 : i32 to vector<16xi32>
        %mul3A_390 = arith.muli %gather3A_387, %mul3A_389 : vector<16xi32>
        %add3A_391 = arith.constant 16 : i32
        %add3A_392 = vector.broadcast %add3A_391 : i32 to vector<16xi32>
        %add3A_393 = arith.addi %add3A_302, %add3A_392 : vector<16xi32>
        %gather3A_394 = tpu.vector_load_idx %arg10[%add3A_393] : memref<7200xi32, #tpu.memory_space<vmem>>[vector<16xi32>], vector<16xi32>,
        %mul3A_395 = arith.constant 3 : i32
        %mul3A_396 = vector.broadcast %mul3A_395 : i32 to vector<16xi32>
        %mul3A_397 = arith.muli %gather3A_394, %mul3A_396 : vector<16xi32>
        %gather3A_398 = tpu.vector_load_idx %arg8[%mul3A_390] : memref<7140xf32, #tpu.memory_space<vmem>>[vector<16xi32>], vector<16xf32>,
        %add3A_399 = arith.constant 1 : i32
        %add3A_400 = vector.broadcast %add3A_399 : i32 to vector<16xi32>
        %add3A_401 = arith.addi %mul3A_390, %add3A_400 : vector<16xi32>
        %gather3A_402 = tpu.vector_load_idx %arg8[%add3A_401] : memref<7140xf32, #tpu.memory_space<vmem>>[vector<16xi32>], vector<16xf32>,
        %add3A_403 = arith.constant 2 : i32
        %add3A_404 = vector.broadcast %add3A_403 : i32 to vector<16xi32>
        %add3A_405 = arith.addi %mul3A_390, %add3A_404 : vector<16xi32>
        %gather3A_406 = tpu.vector_load_idx %arg8[%add3A_405] : memref<7140xf32, #tpu.memory_space<vmem>>[vector<16xi32>], vector<16xf32>,
        %gather3A_407 = tpu.vector_load_idx %arg8[%mul3A_397] : memref<7140xf32, #tpu.memory_space<vmem>>[vector<16xi32>], vector<16xf32>,
        %add3A_408 = arith.constant 1 : i32
        %add3A_409 = vector.broadcast %add3A_408 : i32 to vector<16xi32>
        %add3A_410 = arith.addi %mul3A_397, %add3A_409 : vector<16xi32>
        %gather3A_411 = tpu.vector_load_idx %arg8[%add3A_410] : memref<7140xf32, #tpu.memory_space<vmem>>[vector<16xi32>], vector<16xf32>,
        %add3A_412 = arith.constant 2 : i32
        %add3A_413 = vector.broadcast %add3A_412 : i32 to vector<16xi32>
        %add3A_414 = arith.addi %mul3A_397, %add3A_413 : vector<16xi32>
        %gather3A_415 = tpu.vector_load_idx %arg8[%add3A_414] : memref<7140xf32, #tpu.memory_space<vmem>>[vector<16xi32>], vector<16xf32>,
        %sub3A_416 = arith.subf %gather3A_402, %gather3A_411 : vector<16xf32>
        %select_n3A_417 = arith.select %gt3A_383, %broadcast_in_dim3A_33, %sub3A_416 : vector<16xi1>, vector<16xf32>
        %add3A_418 = arith.addf %add3A_360, %select_n3A_417 : vector<16xf32>
        %add3A_419 = arith.addf %gather3A_406, %gather3A_415 : vector<16xf32>
        %select_n3A_420 = arith.select %gt3A_383, %broadcast_in_dim3A_33, %add3A_419 : vector<16xi1>, vector<16xf32>
        %add3A_421 = arith.addf %add3A_363, %select_n3A_420 : vector<16xf32>
        %select_n3A_422 = arith.select %gt3A_383, %broadcast_in_dim3A_33, %gather3A_398 : vector<16xi1>, vector<16xf32>
        %mul3A_423 = arith.mulf %select_n3A_422, %get3A_28 : vector<16xf32>
        %select_n3A_424 = arith.select %gt3A_383, %broadcast_in_dim3A_33, %gather3A_407 : vector<16xi1>, vector<16xf32>
        %mul3A_425 = arith.mulf %select_n3A_424, %get3A_32 : vector<16xf32>
        %add3A_426 = arith.addf %mul3A_423, %mul3A_425 : vector<16xf32>
        %add3A_427 = arith.constant 16 : i32
        %add3A_428 = vector.broadcast %add3A_427 : i32 to vector<16xi32>
        %add3A_429 = arith.addi %add3A_313, %add3A_428 : vector<16xi32>
        tpu.vector_store_idx %arg14[%add3A_429], %add3A_426 : memref<3600xf32, #tpu.memory_space<vmem>>[vector<16xi32>], vector<16xf32>,
        %add3A_430 = arith.constant 32 : i32
        %add3A_431 = vector.broadcast %add3A_430 : i32 to vector<16xi32>
        %add3A_432 = arith.addi %add3A_306, %add3A_431 : vector<16xi32>
        %gather3A_433 = tpu.vector_load_idx %arg12[%add3A_432] : memref<7200xf32, #tpu.memory_space<vmem>>[vector<16xi32>], vector<16xf32>,
        %add3A_434 = arith.constant 32 : i32
        %add3A_435 = vector.broadcast %add3A_434 : i32 to vector<16xi32>
        %add3A_436 = arith.addi %add3A_309, %add3A_435 : vector<16xi32>
        %gather3A_437 = tpu.vector_load_idx %arg12[%add3A_436] : memref<7200xf32, #tpu.memory_space<vmem>>[vector<16xi32>], vector<16xf32>,
        %add3A_438 = arith.addf %gather3A_433, %gather3A_437 : vector<16xf32>
        %gt3A_439 = arith.constant 0.000000e+00 : f32
        %gt3A_440 = vector.broadcast %gt3A_439 : f32 to vector<16xf32>
        %gt3A_441 = arith.cmpf ogt, %add3A_438, %gt3A_440 : vector<16xf32>
        %add3A_442 = arith.constant 32 : i32
        %add3A_443 = vector.broadcast %add3A_442 : i32 to vector<16xi32>
        %add3A_444 = arith.addi %add3A_299, %add3A_443 : vector<16xi32>
        %gather3A_445 = tpu.vector_load_idx %arg10[%add3A_444] : memref<7200xi32, #tpu.memory_space<vmem>>[vector<16xi32>], vector<16xi32>,
        %mul3A_446 = arith.constant 3 : i32
        %mul3A_447 = vector.broadcast %mul3A_446 : i32 to vector<16xi32>
        %mul3A_448 = arith.muli %gather3A_445, %mul3A_447 : vector<16xi32>
        %add3A_449 = arith.constant 32 : i32
        %add3A_450 = vector.broadcast %add3A_449 : i32 to vector<16xi32>
        %add3A_451 = arith.addi %add3A_302, %add3A_450 : vector<16xi32>
        %gather3A_452 = tpu.vector_load_idx %arg10[%add3A_451] : memref<7200xi32, #tpu.memory_space<vmem>>[vector<16xi32>], vector<16xi32>,
        %mul3A_453 = arith.constant 3 : i32
        %mul3A_454 = vector.broadcast %mul3A_453 : i32 to vector<16xi32>
        %mul3A_455 = arith.muli %gather3A_452, %mul3A_454 : vector<16xi32>
        %gather3A_456 = tpu.vector_load_idx %arg8[%mul3A_448] : memref<7140xf32, #tpu.memory_space<vmem>>[vector<16xi32>], vector<16xf32>,
        %add3A_457 = arith.constant 1 : i32
        %add3A_458 = vector.broadcast %add3A_457 : i32 to vector<16xi32>
        %add3A_459 = arith.addi %mul3A_448, %add3A_458 : vector<16xi32>
        %gather3A_460 = tpu.vector_load_idx %arg8[%add3A_459] : memref<7140xf32, #tpu.memory_space<vmem>>[vector<16xi32>], vector<16xf32>,
        %add3A_461 = arith.constant 2 : i32
        %add3A_462 = vector.broadcast %add3A_461 : i32 to vector<16xi32>
        %add3A_463 = arith.addi %mul3A_448, %add3A_462 : vector<16xi32>
        %gather3A_464 = tpu.vector_load_idx %arg8[%add3A_463] : memref<7140xf32, #tpu.memory_space<vmem>>[vector<16xi32>], vector<16xf32>,
        %gather3A_465 = tpu.vector_load_idx %arg8[%mul3A_455] : memref<7140xf32, #tpu.memory_space<vmem>>[vector<16xi32>], vector<16xf32>,
        %add3A_466 = arith.constant 1 : i32
        %add3A_467 = vector.broadcast %add3A_466 : i32 to vector<16xi32>
        %add3A_468 = arith.addi %mul3A_455, %add3A_467 : vector<16xi32>
        %gather3A_469 = tpu.vector_load_idx %arg8[%add3A_468] : memref<7140xf32, #tpu.memory_space<vmem>>[vector<16xi32>], vector<16xf32>,
        %add3A_470 = arith.constant 2 : i32
        %add3A_471 = vector.broadcast %add3A_470 : i32 to vector<16xi32>
        %add3A_472 = arith.addi %mul3A_455, %add3A_471 : vector<16xi32>
        %gather3A_473 = tpu.vector_load_idx %arg8[%add3A_472] : memref<7140xf32, #tpu.memory_space<vmem>>[vector<16xi32>], vector<16xf32>,
        %sub3A_474 = arith.subf %gather3A_460, %gather3A_469 : vector<16xf32>
        %select_n3A_475 = arith.select %gt3A_441, %broadcast_in_dim3A_33, %sub3A_474 : vector<16xi1>, vector<16xf32>
        %add3A_476 = arith.addf %add3A_418, %select_n3A_475 : vector<16xf32>
        %add3A_477 = arith.addf %gather3A_464, %gather3A_473 : vector<16xf32>
        %select_n3A_478 = arith.select %gt3A_441, %broadcast_in_dim3A_33, %add3A_477 : vector<16xi1>, vector<16xf32>
        %add3A_479 = arith.addf %add3A_421, %select_n3A_478 : vector<16xf32>
        %select_n3A_480 = arith.select %gt3A_441, %broadcast_in_dim3A_33, %gather3A_456 : vector<16xi1>, vector<16xf32>
        %mul3A_481 = arith.mulf %select_n3A_480, %get3A_28 : vector<16xf32>
        %select_n3A_482 = arith.select %gt3A_441, %broadcast_in_dim3A_33, %gather3A_465 : vector<16xi1>, vector<16xf32>
        %mul3A_483 = arith.mulf %select_n3A_482, %get3A_32 : vector<16xf32>
        %add3A_484 = arith.addf %mul3A_481, %mul3A_483 : vector<16xf32>
        %add3A_485 = arith.constant 32 : i32
        %add3A_486 = vector.broadcast %add3A_485 : i32 to vector<16xi32>
        %add3A_487 = arith.addi %add3A_313, %add3A_486 : vector<16xi32>
        tpu.vector_store_idx %arg14[%add3A_487], %add3A_484 : memref<3600xf32, #tpu.memory_space<vmem>>[vector<16xi32>], vector<16xf32>,
        %add3A_488 = arith.constant 48 : i32
        %add3A_489 = vector.broadcast %add3A_488 : i32 to vector<16xi32>
        %add3A_490 = arith.addi %add3A_306, %add3A_489 : vector<16xi32>
        %gather3A_491 = tpu.vector_load_idx %arg12[%add3A_490] : memref<7200xf32, #tpu.memory_space<vmem>>[vector<16xi32>], vector<16xf32>,
        %add3A_492 = arith.constant 48 : i32
        %add3A_493 = vector.broadcast %add3A_492 : i32 to vector<16xi32>
        %add3A_494 = arith.addi %add3A_309, %add3A_493 : vector<16xi32>
        %gather3A_495 = tpu.vector_load_idx %arg12[%add3A_494] : memref<7200xf32, #tpu.memory_space<vmem>>[vector<16xi32>], vector<16xf32>,
        %add3A_496 = arith.addf %gather3A_491, %gather3A_495 : vector<16xf32>
        %gt3A_497 = arith.constant 0.000000e+00 : f32
        %gt3A_498 = vector.broadcast %gt3A_497 : f32 to vector<16xf32>
        %gt3A_499 = arith.cmpf ogt, %add3A_496, %gt3A_498 : vector<16xf32>
        %add3A_500 = arith.constant 48 : i32
        %add3A_501 = vector.broadcast %add3A_500 : i32 to vector<16xi32>
        %add3A_502 = arith.addi %add3A_299, %add3A_501 : vector<16xi32>
        %gather3A_503 = tpu.vector_load_idx %arg10[%add3A_502] : memref<7200xi32, #tpu.memory_space<vmem>>[vector<16xi32>], vector<16xi32>,
        %mul3A_504 = arith.constant 3 : i32
        %mul3A_505 = vector.broadcast %mul3A_504 : i32 to vector<16xi32>
        %mul3A_506 = arith.muli %gather3A_503, %mul3A_505 : vector<16xi32>
        %add3A_507 = arith.constant 48 : i32
        %add3A_508 = vector.broadcast %add3A_507 : i32 to vector<16xi32>
        %add3A_509 = arith.addi %add3A_302, %add3A_508 : vector<16xi32>
        %gather3A_510 = tpu.vector_load_idx %arg10[%add3A_509] : memref<7200xi32, #tpu.memory_space<vmem>>[vector<16xi32>], vector<16xi32>,
        %mul3A_511 = arith.constant 3 : i32
        %mul3A_512 = vector.broadcast %mul3A_511 : i32 to vector<16xi32>
        %mul3A_513 = arith.muli %gather3A_510, %mul3A_512 : vector<16xi32>
        %gather3A_514 = tpu.vector_load_idx %arg8[%mul3A_506] : memref<7140xf32, #tpu.memory_space<vmem>>[vector<16xi32>], vector<16xf32>,
        %add3A_515 = arith.constant 1 : i32
        %add3A_516 = vector.broadcast %add3A_515 : i32 to vector<16xi32>
        %add3A_517 = arith.addi %mul3A_506, %add3A_516 : vector<16xi32>
        %gather3A_518 = tpu.vector_load_idx %arg8[%add3A_517] : memref<7140xf32, #tpu.memory_space<vmem>>[vector<16xi32>], vector<16xf32>,
        %add3A_519 = arith.constant 2 : i32
        %add3A_520 = vector.broadcast %add3A_519 : i32 to vector<16xi32>
        %add3A_521 = arith.addi %mul3A_506, %add3A_520 : vector<16xi32>
        %gather3A_522 = tpu.vector_load_idx %arg8[%add3A_521] : memref<7140xf32, #tpu.memory_space<vmem>>[vector<16xi32>], vector<16xf32>,
        %gather3A_523 = tpu.vector_load_idx %arg8[%mul3A_513] : memref<7140xf32, #tpu.memory_space<vmem>>[vector<16xi32>], vector<16xf32>,
        %add3A_524 = arith.constant 1 : i32
        %add3A_525 = vector.broadcast %add3A_524 : i32 to vector<16xi32>
        %add3A_526 = arith.addi %mul3A_513, %add3A_525 : vector<16xi32>
        %gather3A_527 = tpu.vector_load_idx %arg8[%add3A_526] : memref<7140xf32, #tpu.memory_space<vmem>>[vector<16xi32>], vector<16xf32>,
        %add3A_528 = arith.constant 2 : i32
        %add3A_529 = vector.broadcast %add3A_528 : i32 to vector<16xi32>
        %add3A_530 = arith.addi %mul3A_513, %add3A_529 : vector<16xi32>
        %gather3A_531 = tpu.vector_load_idx %arg8[%add3A_530] : memref<7140xf32, #tpu.memory_space<vmem>>[vector<16xi32>], vector<16xf32>,
        %sub3A_532 = arith.subf %gather3A_518, %gather3A_527 : vector<16xf32>
        %select_n3A_533 = arith.select %gt3A_499, %broadcast_in_dim3A_33, %sub3A_532 : vector<16xi1>, vector<16xf32>
        %add3A_534 = arith.addf %add3A_476, %select_n3A_533 : vector<16xf32>
        %add3A_535 = arith.addf %gather3A_522, %gather3A_531 : vector<16xf32>
        %select_n3A_536 = arith.select %gt3A_499, %broadcast_in_dim3A_33, %add3A_535 : vector<16xi1>, vector<16xf32>
        %add3A_537 = arith.addf %add3A_479, %select_n3A_536 : vector<16xf32>
        %select_n3A_538 = arith.select %gt3A_499, %broadcast_in_dim3A_33, %gather3A_514 : vector<16xi1>, vector<16xf32>
        %mul3A_539 = arith.mulf %select_n3A_538, %get3A_28 : vector<16xf32>
        %select_n3A_540 = arith.select %gt3A_499, %broadcast_in_dim3A_33, %gather3A_523 : vector<16xi1>, vector<16xf32>
        %mul3A_541 = arith.mulf %select_n3A_540, %get3A_32 : vector<16xf32>
        %add3A_542 = arith.addf %mul3A_539, %mul3A_541 : vector<16xf32>
        %add3A_543 = arith.constant 48 : i32
        %add3A_544 = vector.broadcast %add3A_543 : i32 to vector<16xi32>
        %add3A_545 = arith.addi %add3A_313, %add3A_544 : vector<16xi32>
        tpu.vector_store_idx %arg14[%add3A_545], %add3A_542 : memref<3600xf32, #tpu.memory_space<vmem>>[vector<16xi32>], vector<16xf32>,
        %add3A_546 = arith.constant 64 : i32
        %add3A_547 = vector.broadcast %add3A_546 : i32 to vector<16xi32>
        %add3A_548 = arith.addi %add3A_306, %add3A_547 : vector<16xi32>
        %gather3A_549 = tpu.vector_load_idx %arg12[%add3A_548] : memref<7200xf32, #tpu.memory_space<vmem>>[vector<16xi32>], vector<16xf32>,
        %add3A_550 = arith.constant 64 : i32
        %add3A_551 = vector.broadcast %add3A_550 : i32 to vector<16xi32>
        %add3A_552 = arith.addi %add3A_309, %add3A_551 : vector<16xi32>
        %gather3A_553 = tpu.vector_load_idx %arg12[%add3A_552] : memref<7200xf32, #tpu.memory_space<vmem>>[vector<16xi32>], vector<16xf32>,
        %add3A_554 = arith.addf %gather3A_549, %gather3A_553 : vector<16xf32>
        %gt3A_555 = arith.constant 0.000000e+00 : f32
        %gt3A_556 = vector.broadcast %gt3A_555 : f32 to vector<16xf32>
        %gt3A_557 = arith.cmpf ogt, %add3A_554, %gt3A_556 : vector<16xf32>
        %add3A_558 = arith.constant 64 : i32
        %add3A_559 = vector.broadcast %add3A_558 : i32 to vector<16xi32>
        %add3A_560 = arith.addi %add3A_299, %add3A_559 : vector<16xi32>
        %gather3A_561 = tpu.vector_load_idx %arg10[%add3A_560] : memref<7200xi32, #tpu.memory_space<vmem>>[vector<16xi32>], vector<16xi32>,
        %mul3A_562 = arith.constant 3 : i32
        %mul3A_563 = vector.broadcast %mul3A_562 : i32 to vector<16xi32>
        %mul3A_564 = arith.muli %gather3A_561, %mul3A_563 : vector<16xi32>
        %add3A_565 = arith.constant 64 : i32
        %add3A_566 = vector.broadcast %add3A_565 : i32 to vector<16xi32>
        %add3A_567 = arith.addi %add3A_302, %add3A_566 : vector<16xi32>
        %gather3A_568 = tpu.vector_load_idx %arg10[%add3A_567] : memref<7200xi32, #tpu.memory_space<vmem>>[vector<16xi32>], vector<16xi32>,
        %mul3A_569 = arith.constant 3 : i32
        %mul3A_570 = vector.broadcast %mul3A_569 : i32 to vector<16xi32>
        %mul3A_571 = arith.muli %gather3A_568, %mul3A_570 : vector<16xi32>
        %gather3A_572 = tpu.vector_load_idx %arg8[%mul3A_564] : memref<7140xf32, #tpu.memory_space<vmem>>[vector<16xi32>], vector<16xf32>,
        %add3A_573 = arith.constant 1 : i32
        %add3A_574 = vector.broadcast %add3A_573 : i32 to vector<16xi32>
        %add3A_575 = arith.addi %mul3A_564, %add3A_574 : vector<16xi32>
        %gather3A_576 = tpu.vector_load_idx %arg8[%add3A_575] : memref<7140xf32, #tpu.memory_space<vmem>>[vector<16xi32>], vector<16xf32>,
        %add3A_577 = arith.constant 2 : i32
        %add3A_578 = vector.broadcast %add3A_577 : i32 to vector<16xi32>
        %add3A_579 = arith.addi %mul3A_564, %add3A_578 : vector<16xi32>
        %gather3A_580 = tpu.vector_load_idx %arg8[%add3A_579] : memref<7140xf32, #tpu.memory_space<vmem>>[vector<16xi32>], vector<16xf32>,
        %gather3A_581 = tpu.vector_load_idx %arg8[%mul3A_571] : memref<7140xf32, #tpu.memory_space<vmem>>[vector<16xi32>], vector<16xf32>,
        %add3A_582 = arith.constant 1 : i32
        %add3A_583 = vector.broadcast %add3A_582 : i32 to vector<16xi32>
        %add3A_584 = arith.addi %mul3A_571, %add3A_583 : vector<16xi32>
        %gather3A_585 = tpu.vector_load_idx %arg8[%add3A_584] : memref<7140xf32, #tpu.memory_space<vmem>>[vector<16xi32>], vector<16xf32>,
        %add3A_586 = arith.constant 2 : i32
        %add3A_587 = vector.broadcast %add3A_586 : i32 to vector<16xi32>
        %add3A_588 = arith.addi %mul3A_571, %add3A_587 : vector<16xi32>
        %gather3A_589 = tpu.vector_load_idx %arg8[%add3A_588] : memref<7140xf32, #tpu.memory_space<vmem>>[vector<16xi32>], vector<16xf32>,
        %sub3A_590 = arith.subf %gather3A_576, %gather3A_585 : vector<16xf32>
        %select_n3A_591 = arith.select %gt3A_557, %broadcast_in_dim3A_33, %sub3A_590 : vector<16xi1>, vector<16xf32>
        %add3A_592 = arith.addf %add3A_534, %select_n3A_591 : vector<16xf32>
        %add3A_593 = arith.addf %gather3A_580, %gather3A_589 : vector<16xf32>
        %select_n3A_594 = arith.select %gt3A_557, %broadcast_in_dim3A_33, %add3A_593 : vector<16xi1>, vector<16xf32>
        %add3A_595 = arith.addf %add3A_537, %select_n3A_594 : vector<16xf32>
        %select_n3A_596 = arith.select %gt3A_557, %broadcast_in_dim3A_33, %gather3A_572 : vector<16xi1>, vector<16xf32>
        %mul3A_597 = arith.mulf %select_n3A_596, %get3A_28 : vector<16xf32>
        %select_n3A_598 = arith.select %gt3A_557, %broadcast_in_dim3A_33, %gather3A_581 : vector<16xi1>, vector<16xf32>
        %mul3A_599 = arith.mulf %select_n3A_598, %get3A_32 : vector<16xf32>
        %add3A_600 = arith.addf %mul3A_597, %mul3A_599 : vector<16xf32>
        %add3A_601 = arith.constant 64 : i32
        %add3A_602 = vector.broadcast %add3A_601 : i32 to vector<16xi32>
        %add3A_603 = arith.addi %add3A_313, %add3A_602 : vector<16xi32>
        tpu.vector_store_idx %arg14[%add3A_603], %add3A_600 : memref<3600xf32, #tpu.memory_space<vmem>>[vector<16xi32>], vector<16xf32>,
        %add3A_604 = arith.constant 80 : i32
        %add3A_605 = vector.broadcast %add3A_604 : i32 to vector<16xi32>
        %add3A_606 = arith.addi %add3A_306, %add3A_605 : vector<16xi32>
        %gather3A_607 = tpu.vector_load_idx %arg12[%add3A_606] : memref<7200xf32, #tpu.memory_space<vmem>>[vector<16xi32>], vector<16xf32>,
        %add3A_608 = arith.constant 80 : i32
        %add3A_609 = vector.broadcast %add3A_608 : i32 to vector<16xi32>
        %add3A_610 = arith.addi %add3A_309, %add3A_609 : vector<16xi32>
        %gather3A_611 = tpu.vector_load_idx %arg12[%add3A_610] : memref<7200xf32, #tpu.memory_space<vmem>>[vector<16xi32>], vector<16xf32>,
        %add3A_612 = arith.addf %gather3A_607, %gather3A_611 : vector<16xf32>
        %gt3A_613 = arith.constant 0.000000e+00 : f32
        %gt3A_614 = vector.broadcast %gt3A_613 : f32 to vector<16xf32>
        %gt3A_615 = arith.cmpf ogt, %add3A_612, %gt3A_614 : vector<16xf32>
        %add3A_616 = arith.constant 80 : i32
        %add3A_617 = vector.broadcast %add3A_616 : i32 to vector<16xi32>
        %add3A_618 = arith.addi %add3A_299, %add3A_617 : vector<16xi32>
        %gather3A_619 = tpu.vector_load_idx %arg10[%add3A_618] : memref<7200xi32, #tpu.memory_space<vmem>>[vector<16xi32>], vector<16xi32>,
        %mul3A_620 = arith.constant 3 : i32
        %mul3A_621 = vector.broadcast %mul3A_620 : i32 to vector<16xi32>
        %mul3A_622 = arith.muli %gather3A_619, %mul3A_621 : vector<16xi32>
        %add3A_623 = arith.constant 80 : i32
        %add3A_624 = vector.broadcast %add3A_623 : i32 to vector<16xi32>
        %add3A_625 = arith.addi %add3A_302, %add3A_624 : vector<16xi32>
        %gather3A_626 = tpu.vector_load_idx %arg10[%add3A_625] : memref<7200xi32, #tpu.memory_space<vmem>>[vector<16xi32>], vector<16xi32>,
        %mul3A_627 = arith.constant 3 : i32
        %mul3A_628 = vector.broadcast %mul3A_627 : i32 to vector<16xi32>
        %mul3A_629 = arith.muli %gather3A_626, %mul3A_628 : vector<16xi32>
        %gather3A_630 = tpu.vector_load_idx %arg8[%mul3A_622] : memref<7140xf32, #tpu.memory_space<vmem>>[vector<16xi32>], vector<16xf32>,
        %add3A_631 = arith.constant 1 : i32
        %add3A_632 = vector.broadcast %add3A_631 : i32 to vector<16xi32>
        %add3A_633 = arith.addi %mul3A_622, %add3A_632 : vector<16xi32>
        %gather3A_634 = tpu.vector_load_idx %arg8[%add3A_633] : memref<7140xf32, #tpu.memory_space<vmem>>[vector<16xi32>], vector<16xf32>,
        %add3A_635 = arith.constant 2 : i32
        %add3A_636 = vector.broadcast %add3A_635 : i32 to vector<16xi32>
        %add3A_637 = arith.addi %mul3A_622, %add3A_636 : vector<16xi32>
        %gather3A_638 = tpu.vector_load_idx %arg8[%add3A_637] : memref<7140xf32, #tpu.memory_space<vmem>>[vector<16xi32>], vector<16xf32>,
        %gather3A_639 = tpu.vector_load_idx %arg8[%mul3A_629] : memref<7140xf32, #tpu.memory_space<vmem>>[vector<16xi32>], vector<16xf32>,
        %add3A_640 = arith.constant 1 : i32
        %add3A_641 = vector.broadcast %add3A_640 : i32 to vector<16xi32>
        %add3A_642 = arith.addi %mul3A_629, %add3A_641 : vector<16xi32>
        %gather3A_643 = tpu.vector_load_idx %arg8[%add3A_642] : memref<7140xf32, #tpu.memory_space<vmem>>[vector<16xi32>], vector<16xf32>,
        %add3A_644 = arith.constant 2 : i32
        %add3A_645 = vector.broadcast %add3A_644 : i32 to vector<16xi32>
        %add3A_646 = arith.addi %mul3A_629, %add3A_645 : vector<16xi32>
        %gather3A_647 = tpu.vector_load_idx %arg8[%add3A_646] : memref<7140xf32, #tpu.memory_space<vmem>>[vector<16xi32>], vector<16xf32>,
        %sub3A_648 = arith.subf %gather3A_634, %gather3A_643 : vector<16xf32>
        %select_n3A_649 = arith.select %gt3A_615, %broadcast_in_dim3A_33, %sub3A_648 : vector<16xi1>, vector<16xf32>
        %add3A_650 = arith.addf %add3A_592, %select_n3A_649 : vector<16xf32>
        %add3A_651 = arith.addf %gather3A_638, %gather3A_647 : vector<16xf32>
        %select_n3A_652 = arith.select %gt3A_615, %broadcast_in_dim3A_33, %add3A_651 : vector<16xi1>, vector<16xf32>
        %add3A_653 = arith.addf %add3A_595, %select_n3A_652 : vector<16xf32>
        %select_n3A_654 = arith.select %gt3A_615, %broadcast_in_dim3A_33, %gather3A_630 : vector<16xi1>, vector<16xf32>
        %mul3A_655 = arith.mulf %select_n3A_654, %get3A_28 : vector<16xf32>
        %select_n3A_656 = arith.select %gt3A_615, %broadcast_in_dim3A_33, %gather3A_639 : vector<16xi1>, vector<16xf32>
        %mul3A_657 = arith.mulf %select_n3A_656, %get3A_32 : vector<16xf32>
        %add3A_658 = arith.addf %mul3A_655, %mul3A_657 : vector<16xf32>
        %add3A_659 = arith.constant 80 : i32
        %add3A_660 = vector.broadcast %add3A_659 : i32 to vector<16xi32>
        %add3A_661 = arith.addi %add3A_313, %add3A_660 : vector<16xi32>
        tpu.vector_store_idx %arg14[%add3A_661], %add3A_658 : memref<3600xf32, #tpu.memory_space<vmem>>[vector<16xi32>], vector<16xf32>,
        %add3A_662 = arith.constant 96 : i32
        %add3A_663 = vector.broadcast %add3A_662 : i32 to vector<16xi32>
        %add3A_664 = arith.addi %add3A_306, %add3A_663 : vector<16xi32>
        %gather3A_665 = tpu.vector_load_idx %arg12[%add3A_664] : memref<7200xf32, #tpu.memory_space<vmem>>[vector<16xi32>], vector<16xf32>,
        %add3A_666 = arith.constant 96 : i32
        %add3A_667 = vector.broadcast %add3A_666 : i32 to vector<16xi32>
        %add3A_668 = arith.addi %add3A_309, %add3A_667 : vector<16xi32>
        %gather3A_669 = tpu.vector_load_idx %arg12[%add3A_668] : memref<7200xf32, #tpu.memory_space<vmem>>[vector<16xi32>], vector<16xf32>,
        %add3A_670 = arith.addf %gather3A_665, %gather3A_669 : vector<16xf32>
        %gt3A_671 = arith.constant 0.000000e+00 : f32
        %gt3A_672 = vector.broadcast %gt3A_671 : f32 to vector<16xf32>
        %gt3A_673 = arith.cmpf ogt, %add3A_670, %gt3A_672 : vector<16xf32>
        %add3A_674 = arith.constant 96 : i32
        %add3A_675 = vector.broadcast %add3A_674 : i32 to vector<16xi32>
        %add3A_676 = arith.addi %add3A_299, %add3A_675 : vector<16xi32>
        %gather3A_677 = tpu.vector_load_idx %arg10[%add3A_676] : memref<7200xi32, #tpu.memory_space<vmem>>[vector<16xi32>], vector<16xi32>,
        %mul3A_678 = arith.constant 3 : i32
        %mul3A_679 = vector.broadcast %mul3A_678 : i32 to vector<16xi32>
        %mul3A_680 = arith.muli %gather3A_677, %mul3A_679 : vector<16xi32>
        %add3A_681 = arith.constant 96 : i32
        %add3A_682 = vector.broadcast %add3A_681 : i32 to vector<16xi32>
        %add3A_683 = arith.addi %add3A_302, %add3A_682 : vector<16xi32>
        %gather3A_684 = tpu.vector_load_idx %arg10[%add3A_683] : memref<7200xi32, #tpu.memory_space<vmem>>[vector<16xi32>], vector<16xi32>,
        %mul3A_685 = arith.constant 3 : i32
        %mul3A_686 = vector.broadcast %mul3A_685 : i32 to vector<16xi32>
        %mul3A_687 = arith.muli %gather3A_684, %mul3A_686 : vector<16xi32>
        %gather3A_688 = tpu.vector_load_idx %arg8[%mul3A_680] : memref<7140xf32, #tpu.memory_space<vmem>>[vector<16xi32>], vector<16xf32>,
        %add3A_689 = arith.constant 1 : i32
        %add3A_690 = vector.broadcast %add3A_689 : i32 to vector<16xi32>
        %add3A_691 = arith.addi %mul3A_680, %add3A_690 : vector<16xi32>
        %gather3A_692 = tpu.vector_load_idx %arg8[%add3A_691] : memref<7140xf32, #tpu.memory_space<vmem>>[vector<16xi32>], vector<16xf32>,
        %add3A_693 = arith.constant 2 : i32
        %add3A_694 = vector.broadcast %add3A_693 : i32 to vector<16xi32>
        %add3A_695 = arith.addi %mul3A_680, %add3A_694 : vector<16xi32>
        %gather3A_696 = tpu.vector_load_idx %arg8[%add3A_695] : memref<7140xf32, #tpu.memory_space<vmem>>[vector<16xi32>], vector<16xf32>,
        %gather3A_697 = tpu.vector_load_idx %arg8[%mul3A_687] : memref<7140xf32, #tpu.memory_space<vmem>>[vector<16xi32>], vector<16xf32>,
        %add3A_698 = arith.constant 1 : i32
        %add3A_699 = vector.broadcast %add3A_698 : i32 to vector<16xi32>
        %add3A_700 = arith.addi %mul3A_687, %add3A_699 : vector<16xi32>
        %gather3A_701 = tpu.vector_load_idx %arg8[%add3A_700] : memref<7140xf32, #tpu.memory_space<vmem>>[vector<16xi32>], vector<16xf32>,
        %add3A_702 = arith.constant 2 : i32
        %add3A_703 = vector.broadcast %add3A_702 : i32 to vector<16xi32>
        %add3A_704 = arith.addi %mul3A_687, %add3A_703 : vector<16xi32>
        %gather3A_705 = tpu.vector_load_idx %arg8[%add3A_704] : memref<7140xf32, #tpu.memory_space<vmem>>[vector<16xi32>], vector<16xf32>,
        %sub3A_706 = arith.subf %gather3A_692, %gather3A_701 : vector<16xf32>
        %select_n3A_707 = arith.select %gt3A_673, %broadcast_in_dim3A_33, %sub3A_706 : vector<16xi1>, vector<16xf32>
        %add3A_708 = arith.addf %add3A_650, %select_n3A_707 : vector<16xf32>
        %add3A_709 = arith.addf %gather3A_696, %gather3A_705 : vector<16xf32>
        %select_n3A_710 = arith.select %gt3A_673, %broadcast_in_dim3A_33, %add3A_709 : vector<16xi1>, vector<16xf32>
        %add3A_711 = arith.addf %add3A_653, %select_n3A_710 : vector<16xf32>
        %select_n3A_712 = arith.select %gt3A_673, %broadcast_in_dim3A_33, %gather3A_688 : vector<16xi1>, vector<16xf32>
        %mul3A_713 = arith.mulf %select_n3A_712, %get3A_28 : vector<16xf32>
        %select_n3A_714 = arith.select %gt3A_673, %broadcast_in_dim3A_33, %gather3A_697 : vector<16xi1>, vector<16xf32>
        %mul3A_715 = arith.mulf %select_n3A_714, %get3A_32 : vector<16xf32>
        %add3A_716 = arith.addf %mul3A_713, %mul3A_715 : vector<16xf32>
        %add3A_717 = arith.constant 96 : i32
        %add3A_718 = vector.broadcast %add3A_717 : i32 to vector<16xi32>
        %add3A_719 = arith.addi %add3A_313, %add3A_718 : vector<16xi32>
        tpu.vector_store_idx %arg14[%add3A_719], %add3A_716 : memref<3600xf32, #tpu.memory_space<vmem>>[vector<16xi32>], vector<16xf32>,
        %add3A_720 = arith.constant 112 : i32
        %add3A_721 = vector.broadcast %add3A_720 : i32 to vector<16xi32>
        %add3A_722 = arith.addi %add3A_306, %add3A_721 : vector<16xi32>
        %gather3A_723 = tpu.vector_load_idx %arg12[%add3A_722] : memref<7200xf32, #tpu.memory_space<vmem>>[vector<16xi32>], vector<16xf32>,
        %add3A_724 = arith.constant 112 : i32
        %add3A_725 = vector.broadcast %add3A_724 : i32 to vector<16xi32>
        %add3A_726 = arith.addi %add3A_309, %add3A_725 : vector<16xi32>
        %gather3A_727 = tpu.vector_load_idx %arg12[%add3A_726] : memref<7200xf32, #tpu.memory_space<vmem>>[vector<16xi32>], vector<16xf32>,
        %add3A_728 = arith.addf %gather3A_723, %gather3A_727 : vector<16xf32>
        %gt3A_729 = arith.constant 0.000000e+00 : f32
        %gt3A_730 = vector.broadcast %gt3A_729 : f32 to vector<16xf32>
        %gt3A_731 = arith.cmpf ogt, %add3A_728, %gt3A_730 : vector<16xf32>
        %add3A_732 = arith.constant 112 : i32
        %add3A_733 = vector.broadcast %add3A_732 : i32 to vector<16xi32>
        %add3A_734 = arith.addi %add3A_299, %add3A_733 : vector<16xi32>
        %gather3A_735 = tpu.vector_load_idx %arg10[%add3A_734] : memref<7200xi32, #tpu.memory_space<vmem>>[vector<16xi32>], vector<16xi32>,
        %mul3A_736 = arith.constant 3 : i32
        %mul3A_737 = vector.broadcast %mul3A_736 : i32 to vector<16xi32>
        %mul3A_738 = arith.muli %gather3A_735, %mul3A_737 : vector<16xi32>
        %add3A_739 = arith.constant 112 : i32
        %add3A_740 = vector.broadcast %add3A_739 : i32 to vector<16xi32>
        %add3A_741 = arith.addi %add3A_302, %add3A_740 : vector<16xi32>
        %gather3A_742 = tpu.vector_load_idx %arg10[%add3A_741] : memref<7200xi32, #tpu.memory_space<vmem>>[vector<16xi32>], vector<16xi32>,
        %mul3A_743 = arith.constant 3 : i32
        %mul3A_744 = vector.broadcast %mul3A_743 : i32 to vector<16xi32>
        %mul3A_745 = arith.muli %gather3A_742, %mul3A_744 : vector<16xi32>
        %gather3A_746 = tpu.vector_load_idx %arg8[%mul3A_738] : memref<7140xf32, #tpu.memory_space<vmem>>[vector<16xi32>], vector<16xf32>,
        %add3A_747 = arith.constant 1 : i32
        %add3A_748 = vector.broadcast %add3A_747 : i32 to vector<16xi32>
        %add3A_749 = arith.addi %mul3A_738, %add3A_748 : vector<16xi32>
        %gather3A_750 = tpu.vector_load_idx %arg8[%add3A_749] : memref<7140xf32, #tpu.memory_space<vmem>>[vector<16xi32>], vector<16xf32>,
        %add3A_751 = arith.constant 2 : i32
        %add3A_752 = vector.broadcast %add3A_751 : i32 to vector<16xi32>
        %add3A_753 = arith.addi %mul3A_738, %add3A_752 : vector<16xi32>
        %gather3A_754 = tpu.vector_load_idx %arg8[%add3A_753] : memref<7140xf32, #tpu.memory_space<vmem>>[vector<16xi32>], vector<16xf32>,
        %gather3A_755 = tpu.vector_load_idx %arg8[%mul3A_745] : memref<7140xf32, #tpu.memory_space<vmem>>[vector<16xi32>], vector<16xf32>,
        %add3A_756 = arith.constant 1 : i32
        %add3A_757 = vector.broadcast %add3A_756 : i32 to vector<16xi32>
        %add3A_758 = arith.addi %mul3A_745, %add3A_757 : vector<16xi32>
        %gather3A_759 = tpu.vector_load_idx %arg8[%add3A_758] : memref<7140xf32, #tpu.memory_space<vmem>>[vector<16xi32>], vector<16xf32>,
        %add3A_760 = arith.constant 2 : i32
        %add3A_761 = vector.broadcast %add3A_760 : i32 to vector<16xi32>
        %add3A_762 = arith.addi %mul3A_745, %add3A_761 : vector<16xi32>
        %gather3A_763 = tpu.vector_load_idx %arg8[%add3A_762] : memref<7140xf32, #tpu.memory_space<vmem>>[vector<16xi32>], vector<16xf32>,
        %sub3A_764 = arith.subf %gather3A_750, %gather3A_759 : vector<16xf32>
        %select_n3A_765 = arith.select %gt3A_731, %broadcast_in_dim3A_33, %sub3A_764 : vector<16xi1>, vector<16xf32>
        %add3A_766 = arith.addf %add3A_708, %select_n3A_765 : vector<16xf32>
        %add3A_767 = arith.addf %gather3A_754, %gather3A_763 : vector<16xf32>
        %select_n3A_768 = arith.select %gt3A_731, %broadcast_in_dim3A_33, %add3A_767 : vector<16xi1>, vector<16xf32>
        %add3A_769 = arith.addf %add3A_711, %select_n3A_768 : vector<16xf32>
        %select_n3A_770 = arith.select %gt3A_731, %broadcast_in_dim3A_33, %gather3A_746 : vector<16xi1>, vector<16xf32>
        %mul3A_771 = arith.mulf %select_n3A_770, %get3A_28 : vector<16xf32>
        %select_n3A_772 = arith.select %gt3A_731, %broadcast_in_dim3A_33, %gather3A_755 : vector<16xi1>, vector<16xf32>
        %mul3A_773 = arith.mulf %select_n3A_772, %get3A_32 : vector<16xf32>
        %add3A_774 = arith.addf %mul3A_771, %mul3A_773 : vector<16xf32>
        %add3A_775 = arith.constant 112 : i32
        %add3A_776 = vector.broadcast %add3A_775 : i32 to vector<16xi32>
        %add3A_777 = arith.addi %add3A_313, %add3A_776 : vector<16xi32>
        tpu.vector_store_idx %arg14[%add3A_777], %add3A_774 : memref<3600xf32, #tpu.memory_space<vmem>>[vector<16xi32>], vector<16xf32>,
        %add3A_778 = arith.constant 128 : i32
        %add3A_779 = vector.broadcast %add3A_778 : i32 to vector<16xi32>
        %add3A_780 = arith.addi %add3A_306, %add3A_779 : vector<16xi32>
        %gather3A_781 = tpu.vector_load_idx %arg12[%add3A_780] : memref<7200xf32, #tpu.memory_space<vmem>>[vector<16xi32>], vector<16xf32>,
        %add3A_782 = arith.constant 128 : i32
        %add3A_783 = vector.broadcast %add3A_782 : i32 to vector<16xi32>
        %add3A_784 = arith.addi %add3A_309, %add3A_783 : vector<16xi32>
        %gather3A_785 = tpu.vector_load_idx %arg12[%add3A_784] : memref<7200xf32, #tpu.memory_space<vmem>>[vector<16xi32>], vector<16xf32>,
        %add3A_786 = arith.addf %gather3A_781, %gather3A_785 : vector<16xf32>
        %gt3A_787 = arith.constant 0.000000e+00 : f32
        %gt3A_788 = vector.broadcast %gt3A_787 : f32 to vector<16xf32>
        %gt3A_789 = arith.cmpf ogt, %add3A_786, %gt3A_788 : vector<16xf32>
        %add3A_790 = arith.constant 128 : i32
        %add3A_791 = vector.broadcast %add3A_790 : i32 to vector<16xi32>
        %add3A_792 = arith.addi %add3A_299, %add3A_791 : vector<16xi32>
        %gather3A_793 = tpu.vector_load_idx %arg10[%add3A_792] : memref<7200xi32, #tpu.memory_space<vmem>>[vector<16xi32>], vector<16xi32>,
        %mul3A_794 = arith.constant 3 : i32
        %mul3A_795 = vector.broadcast %mul3A_794 : i32 to vector<16xi32>
        %mul3A_796 = arith.muli %gather3A_793, %mul3A_795 : vector<16xi32>
        %add3A_797 = arith.constant 128 : i32
        %add3A_798 = vector.broadcast %add3A_797 : i32 to vector<16xi32>
        %add3A_799 = arith.addi %add3A_302, %add3A_798 : vector<16xi32>
        %gather3A_800 = tpu.vector_load_idx %arg10[%add3A_799] : memref<7200xi32, #tpu.memory_space<vmem>>[vector<16xi32>], vector<16xi32>,
        %mul3A_801 = arith.constant 3 : i32
        %mul3A_802 = vector.broadcast %mul3A_801 : i32 to vector<16xi32>
        %mul3A_803 = arith.muli %gather3A_800, %mul3A_802 : vector<16xi32>
        %gather3A_804 = tpu.vector_load_idx %arg8[%mul3A_796] : memref<7140xf32, #tpu.memory_space<vmem>>[vector<16xi32>], vector<16xf32>,
        %add3A_805 = arith.constant 1 : i32
        %add3A_806 = vector.broadcast %add3A_805 : i32 to vector<16xi32>
        %add3A_807 = arith.addi %mul3A_796, %add3A_806 : vector<16xi32>
        %gather3A_808 = tpu.vector_load_idx %arg8[%add3A_807] : memref<7140xf32, #tpu.memory_space<vmem>>[vector<16xi32>], vector<16xf32>,
        %add3A_809 = arith.constant 2 : i32
        %add3A_810 = vector.broadcast %add3A_809 : i32 to vector<16xi32>
        %add3A_811 = arith.addi %mul3A_796, %add3A_810 : vector<16xi32>
        %gather3A_812 = tpu.vector_load_idx %arg8[%add3A_811] : memref<7140xf32, #tpu.memory_space<vmem>>[vector<16xi32>], vector<16xf32>,
        %gather3A_813 = tpu.vector_load_idx %arg8[%mul3A_803] : memref<7140xf32, #tpu.memory_space<vmem>>[vector<16xi32>], vector<16xf32>,
        %add3A_814 = arith.constant 1 : i32
        %add3A_815 = vector.broadcast %add3A_814 : i32 to vector<16xi32>
        %add3A_816 = arith.addi %mul3A_803, %add3A_815 : vector<16xi32>
        %gather3A_817 = tpu.vector_load_idx %arg8[%add3A_816] : memref<7140xf32, #tpu.memory_space<vmem>>[vector<16xi32>], vector<16xf32>,
        %add3A_818 = arith.constant 2 : i32
        %add3A_819 = vector.broadcast %add3A_818 : i32 to vector<16xi32>
        %add3A_820 = arith.addi %mul3A_803, %add3A_819 : vector<16xi32>
        %gather3A_821 = tpu.vector_load_idx %arg8[%add3A_820] : memref<7140xf32, #tpu.memory_space<vmem>>[vector<16xi32>], vector<16xf32>,
        %sub3A_822 = arith.subf %gather3A_808, %gather3A_817 : vector<16xf32>
        %select_n3A_823 = arith.select %gt3A_789, %broadcast_in_dim3A_33, %sub3A_822 : vector<16xi1>, vector<16xf32>
        %add3A_824 = arith.addf %add3A_766, %select_n3A_823 : vector<16xf32>
        %add3A_825 = arith.addf %gather3A_812, %gather3A_821 : vector<16xf32>
        %select_n3A_826 = arith.select %gt3A_789, %broadcast_in_dim3A_33, %add3A_825 : vector<16xi1>, vector<16xf32>
        %add3A_827 = arith.addf %add3A_769, %select_n3A_826 : vector<16xf32>
        %select_n3A_828 = arith.select %gt3A_789, %broadcast_in_dim3A_33, %gather3A_804 : vector<16xi1>, vector<16xf32>
        %mul3A_829 = arith.mulf %select_n3A_828, %get3A_28 : vector<16xf32>
        %select_n3A_830 = arith.select %gt3A_789, %broadcast_in_dim3A_33, %gather3A_813 : vector<16xi1>, vector<16xf32>
        %mul3A_831 = arith.mulf %select_n3A_830, %get3A_32 : vector<16xf32>
        %add3A_832 = arith.addf %mul3A_829, %mul3A_831 : vector<16xf32>
        %add3A_833 = arith.constant 128 : i32
        %add3A_834 = vector.broadcast %add3A_833 : i32 to vector<16xi32>
        %add3A_835 = arith.addi %add3A_313, %add3A_834 : vector<16xi32>
        tpu.vector_store_idx %arg14[%add3A_835], %add3A_832 : memref<3600xf32, #tpu.memory_space<vmem>>[vector<16xi32>], vector<16xf32>,
        %add3A_836 = arith.constant 144 : i32
        %add3A_837 = vector.broadcast %add3A_836 : i32 to vector<16xi32>
        %add3A_838 = arith.addi %add3A_306, %add3A_837 : vector<16xi32>
        %gather3A_839 = tpu.vector_load_idx %arg12[%add3A_838] : memref<7200xf32, #tpu.memory_space<vmem>>[vector<16xi32>], vector<16xf32>,
        %add3A_840 = arith.constant 144 : i32
        %add3A_841 = vector.broadcast %add3A_840 : i32 to vector<16xi32>
        %add3A_842 = arith.addi %add3A_309, %add3A_841 : vector<16xi32>
        %gather3A_843 = tpu.vector_load_idx %arg12[%add3A_842] : memref<7200xf32, #tpu.memory_space<vmem>>[vector<16xi32>], vector<16xf32>,
        %add3A_844 = arith.addf %gather3A_839, %gather3A_843 : vector<16xf32>
        %gt3A_845 = arith.constant 0.000000e+00 : f32
        %gt3A_846 = vector.broadcast %gt3A_845 : f32 to vector<16xf32>
        %gt3A_847 = arith.cmpf ogt, %add3A_844, %gt3A_846 : vector<16xf32>
        %add3A_848 = arith.constant 144 : i32
        %add3A_849 = vector.broadcast %add3A_848 : i32 to vector<16xi32>
        %add3A_850 = arith.addi %add3A_299, %add3A_849 : vector<16xi32>
        %gather3A_851 = tpu.vector_load_idx %arg10[%add3A_850] : memref<7200xi32, #tpu.memory_space<vmem>>[vector<16xi32>], vector<16xi32>,
        %mul3A_852 = arith.constant 3 : i32
        %mul3A_853 = vector.broadcast %mul3A_852 : i32 to vector<16xi32>
        %mul3A_854 = arith.muli %gather3A_851, %mul3A_853 : vector<16xi32>
        %add3A_855 = arith.constant 144 : i32
        %add3A_856 = vector.broadcast %add3A_855 : i32 to vector<16xi32>
        %add3A_857 = arith.addi %add3A_302, %add3A_856 : vector<16xi32>
        %gather3A_858 = tpu.vector_load_idx %arg10[%add3A_857] : memref<7200xi32, #tpu.memory_space<vmem>>[vector<16xi32>], vector<16xi32>,
        %mul3A_859 = arith.constant 3 : i32
        %mul3A_860 = vector.broadcast %mul3A_859 : i32 to vector<16xi32>
        %mul3A_861 = arith.muli %gather3A_858, %mul3A_860 : vector<16xi32>
        %gather3A_862 = tpu.vector_load_idx %arg8[%mul3A_854] : memref<7140xf32, #tpu.memory_space<vmem>>[vector<16xi32>], vector<16xf32>,
        %add3A_863 = arith.constant 1 : i32
        %add3A_864 = vector.broadcast %add3A_863 : i32 to vector<16xi32>
        %add3A_865 = arith.addi %mul3A_854, %add3A_864 : vector<16xi32>
        %gather3A_866 = tpu.vector_load_idx %arg8[%add3A_865] : memref<7140xf32, #tpu.memory_space<vmem>>[vector<16xi32>], vector<16xf32>,
        %add3A_867 = arith.constant 2 : i32
        %add3A_868 = vector.broadcast %add3A_867 : i32 to vector<16xi32>
        %add3A_869 = arith.addi %mul3A_854, %add3A_868 : vector<16xi32>
        %gather3A_870 = tpu.vector_load_idx %arg8[%add3A_869] : memref<7140xf32, #tpu.memory_space<vmem>>[vector<16xi32>], vector<16xf32>,
        %gather3A_871 = tpu.vector_load_idx %arg8[%mul3A_861] : memref<7140xf32, #tpu.memory_space<vmem>>[vector<16xi32>], vector<16xf32>,
        %add3A_872 = arith.constant 1 : i32
        %add3A_873 = vector.broadcast %add3A_872 : i32 to vector<16xi32>
        %add3A_874 = arith.addi %mul3A_861, %add3A_873 : vector<16xi32>
        %gather3A_875 = tpu.vector_load_idx %arg8[%add3A_874] : memref<7140xf32, #tpu.memory_space<vmem>>[vector<16xi32>], vector<16xf32>,
        %add3A_876 = arith.constant 2 : i32
        %add3A_877 = vector.broadcast %add3A_876 : i32 to vector<16xi32>
        %add3A_878 = arith.addi %mul3A_861, %add3A_877 : vector<16xi32>
        %gather3A_879 = tpu.vector_load_idx %arg8[%add3A_878] : memref<7140xf32, #tpu.memory_space<vmem>>[vector<16xi32>], vector<16xf32>,
        %sub3A_880 = arith.subf %gather3A_866, %gather3A_875 : vector<16xf32>
        %select_n3A_881 = arith.select %gt3A_847, %broadcast_in_dim3A_33, %sub3A_880 : vector<16xi1>, vector<16xf32>
        %add3A_882 = arith.addf %add3A_824, %select_n3A_881 : vector<16xf32>
        %add3A_883 = arith.addf %gather3A_870, %gather3A_879 : vector<16xf32>
        %select_n3A_884 = arith.select %gt3A_847, %broadcast_in_dim3A_33, %add3A_883 : vector<16xi1>, vector<16xf32>
        %add3A_885 = arith.addf %add3A_827, %select_n3A_884 : vector<16xf32>
        %select_n3A_886 = arith.select %gt3A_847, %broadcast_in_dim3A_33, %gather3A_862 : vector<16xi1>, vector<16xf32>
        %mul3A_887 = arith.mulf %select_n3A_886, %get3A_28 : vector<16xf32>
        %select_n3A_888 = arith.select %gt3A_847, %broadcast_in_dim3A_33, %gather3A_871 : vector<16xi1>, vector<16xf32>
        %mul3A_889 = arith.mulf %select_n3A_888, %get3A_32 : vector<16xf32>
        %add3A_890 = arith.addf %mul3A_887, %mul3A_889 : vector<16xf32>
        %add3A_891 = arith.constant 144 : i32
        %add3A_892 = vector.broadcast %add3A_891 : i32 to vector<16xi32>
        %add3A_893 = arith.addi %add3A_313, %add3A_892 : vector<16xi32>
        tpu.vector_store_idx %arg14[%add3A_893], %add3A_890 : memref<3600xf32, #tpu.memory_space<vmem>>[vector<16xi32>], vector<16xf32>,
        %add3A_894 = arith.constant 160 : i32
        %add3A_895 = vector.broadcast %add3A_894 : i32 to vector<16xi32>
        %add3A_896 = arith.addi %add3A_306, %add3A_895 : vector<16xi32>
        %gather3A_897 = tpu.vector_load_idx %arg12[%add3A_896] : memref<7200xf32, #tpu.memory_space<vmem>>[vector<16xi32>], vector<16xf32>,
        %add3A_898 = arith.constant 160 : i32
        %add3A_899 = vector.broadcast %add3A_898 : i32 to vector<16xi32>
        %add3A_900 = arith.addi %add3A_309, %add3A_899 : vector<16xi32>
        %gather3A_901 = tpu.vector_load_idx %arg12[%add3A_900] : memref<7200xf32, #tpu.memory_space<vmem>>[vector<16xi32>], vector<16xf32>,
        %add3A_902 = arith.addf %gather3A_897, %gather3A_901 : vector<16xf32>
        %gt3A_903 = arith.constant 0.000000e+00 : f32
        %gt3A_904 = vector.broadcast %gt3A_903 : f32 to vector<16xf32>
        %gt3A_905 = arith.cmpf ogt, %add3A_902, %gt3A_904 : vector<16xf32>
        %add3A_906 = arith.constant 160 : i32
        %add3A_907 = vector.broadcast %add3A_906 : i32 to vector<16xi32>
        %add3A_908 = arith.addi %add3A_299, %add3A_907 : vector<16xi32>
        %gather3A_909 = tpu.vector_load_idx %arg10[%add3A_908] : memref<7200xi32, #tpu.memory_space<vmem>>[vector<16xi32>], vector<16xi32>,
        %mul3A_910 = arith.constant 3 : i32
        %mul3A_911 = vector.broadcast %mul3A_910 : i32 to vector<16xi32>
        %mul3A_912 = arith.muli %gather3A_909, %mul3A_911 : vector<16xi32>
        %add3A_913 = arith.constant 160 : i32
        %add3A_914 = vector.broadcast %add3A_913 : i32 to vector<16xi32>
        %add3A_915 = arith.addi %add3A_302, %add3A_914 : vector<16xi32>
        %gather3A_916 = tpu.vector_load_idx %arg10[%add3A_915] : memref<7200xi32, #tpu.memory_space<vmem>>[vector<16xi32>], vector<16xi32>,
        %mul3A_917 = arith.constant 3 : i32
        %mul3A_918 = vector.broadcast %mul3A_917 : i32 to vector<16xi32>
        %mul3A_919 = arith.muli %gather3A_916, %mul3A_918 : vector<16xi32>
        %gather3A_920 = tpu.vector_load_idx %arg8[%mul3A_912] : memref<7140xf32, #tpu.memory_space<vmem>>[vector<16xi32>], vector<16xf32>,
        %add3A_921 = arith.constant 1 : i32
        %add3A_922 = vector.broadcast %add3A_921 : i32 to vector<16xi32>
        %add3A_923 = arith.addi %mul3A_912, %add3A_922 : vector<16xi32>
        %gather3A_924 = tpu.vector_load_idx %arg8[%add3A_923] : memref<7140xf32, #tpu.memory_space<vmem>>[vector<16xi32>], vector<16xf32>,
        %add3A_925 = arith.constant 2 : i32
        %add3A_926 = vector.broadcast %add3A_925 : i32 to vector<16xi32>
        %add3A_927 = arith.addi %mul3A_912, %add3A_926 : vector<16xi32>
        %gather3A_928 = tpu.vector_load_idx %arg8[%add3A_927] : memref<7140xf32, #tpu.memory_space<vmem>>[vector<16xi32>], vector<16xf32>,
        %gather3A_929 = tpu.vector_load_idx %arg8[%mul3A_919] : memref<7140xf32, #tpu.memory_space<vmem>>[vector<16xi32>], vector<16xf32>,
        %add3A_930 = arith.constant 1 : i32
        %add3A_931 = vector.broadcast %add3A_930 : i32 to vector<16xi32>
        %add3A_932 = arith.addi %mul3A_919, %add3A_931 : vector<16xi32>
        %gather3A_933 = tpu.vector_load_idx %arg8[%add3A_932] : memref<7140xf32, #tpu.memory_space<vmem>>[vector<16xi32>], vector<16xf32>,
        %add3A_934 = arith.constant 2 : i32
        %add3A_935 = vector.broadcast %add3A_934 : i32 to vector<16xi32>
        %add3A_936 = arith.addi %mul3A_919, %add3A_935 : vector<16xi32>
        %gather3A_937 = tpu.vector_load_idx %arg8[%add3A_936] : memref<7140xf32, #tpu.memory_space<vmem>>[vector<16xi32>], vector<16xf32>,
        %sub3A_938 = arith.subf %gather3A_924, %gather3A_933 : vector<16xf32>
        %select_n3A_939 = arith.select %gt3A_905, %broadcast_in_dim3A_33, %sub3A_938 : vector<16xi1>, vector<16xf32>
        %add3A_940 = arith.addf %add3A_882, %select_n3A_939 : vector<16xf32>
        %add3A_941 = arith.addf %gather3A_928, %gather3A_937 : vector<16xf32>
        %select_n3A_942 = arith.select %gt3A_905, %broadcast_in_dim3A_33, %add3A_941 : vector<16xi1>, vector<16xf32>
        %add3A_943 = arith.addf %add3A_885, %select_n3A_942 : vector<16xf32>
        %select_n3A_944 = arith.select %gt3A_905, %broadcast_in_dim3A_33, %gather3A_920 : vector<16xi1>, vector<16xf32>
        %mul3A_945 = arith.mulf %select_n3A_944, %get3A_28 : vector<16xf32>
        %select_n3A_946 = arith.select %gt3A_905, %broadcast_in_dim3A_33, %gather3A_929 : vector<16xi1>, vector<16xf32>
        %mul3A_947 = arith.mulf %select_n3A_946, %get3A_32 : vector<16xf32>
        %add3A_948 = arith.addf %mul3A_945, %mul3A_947 : vector<16xf32>
        %add3A_949 = arith.constant 160 : i32
        %add3A_950 = vector.broadcast %add3A_949 : i32 to vector<16xi32>
        %add3A_951 = arith.addi %add3A_313, %add3A_950 : vector<16xi32>
        tpu.vector_store_idx %arg14[%add3A_951], %add3A_948 : memref<3600xf32, #tpu.memory_space<vmem>>[vector<16xi32>], vector<16xf32>,
        %add3A_952 = arith.constant 176 : i32
        %add3A_953 = vector.broadcast %add3A_952 : i32 to vector<16xi32>
        %add3A_954 = arith.addi %add3A_306, %add3A_953 : vector<16xi32>
        %gather3A_955 = tpu.vector_load_idx %arg12[%add3A_954] : memref<7200xf32, #tpu.memory_space<vmem>>[vector<16xi32>], vector<16xf32>,
        %add3A_956 = arith.constant 176 : i32
        %add3A_957 = vector.broadcast %add3A_956 : i32 to vector<16xi32>
        %add3A_958 = arith.addi %add3A_309, %add3A_957 : vector<16xi32>
        %gather3A_959 = tpu.vector_load_idx %arg12[%add3A_958] : memref<7200xf32, #tpu.memory_space<vmem>>[vector<16xi32>], vector<16xf32>,
        %add3A_960 = arith.addf %gather3A_955, %gather3A_959 : vector<16xf32>
        %gt3A_961 = arith.constant 0.000000e+00 : f32
        %gt3A_962 = vector.broadcast %gt3A_961 : f32 to vector<16xf32>
        %gt3A_963 = arith.cmpf ogt, %add3A_960, %gt3A_962 : vector<16xf32>
        %add3A_964 = arith.constant 176 : i32
        %add3A_965 = vector.broadcast %add3A_964 : i32 to vector<16xi32>
        %add3A_966 = arith.addi %add3A_299, %add3A_965 : vector<16xi32>
        %gather3A_967 = tpu.vector_load_idx %arg10[%add3A_966] : memref<7200xi32, #tpu.memory_space<vmem>>[vector<16xi32>], vector<16xi32>,
        %mul3A_968 = arith.constant 3 : i32
        %mul3A_969 = vector.broadcast %mul3A_968 : i32 to vector<16xi32>
        %mul3A_970 = arith.muli %gather3A_967, %mul3A_969 : vector<16xi32>
        %add3A_971 = arith.constant 176 : i32
        %add3A_972 = vector.broadcast %add3A_971 : i32 to vector<16xi32>
        %add3A_973 = arith.addi %add3A_302, %add3A_972 : vector<16xi32>
        %gather3A_974 = tpu.vector_load_idx %arg10[%add3A_973] : memref<7200xi32, #tpu.memory_space<vmem>>[vector<16xi32>], vector<16xi32>,
        %mul3A_975 = arith.constant 3 : i32
        %mul3A_976 = vector.broadcast %mul3A_975 : i32 to vector<16xi32>
        %mul3A_977 = arith.muli %gather3A_974, %mul3A_976 : vector<16xi32>
        %gather3A_978 = tpu.vector_load_idx %arg8[%mul3A_970] : memref<7140xf32, #tpu.memory_space<vmem>>[vector<16xi32>], vector<16xf32>,
        %add3A_979 = arith.constant 1 : i32
        %add3A_980 = vector.broadcast %add3A_979 : i32 to vector<16xi32>
        %add3A_981 = arith.addi %mul3A_970, %add3A_980 : vector<16xi32>
        %gather3A_982 = tpu.vector_load_idx %arg8[%add3A_981] : memref<7140xf32, #tpu.memory_space<vmem>>[vector<16xi32>], vector<16xf32>,
        %add3A_983 = arith.constant 2 : i32
        %add3A_984 = vector.broadcast %add3A_983 : i32 to vector<16xi32>
        %add3A_985 = arith.addi %mul3A_970, %add3A_984 : vector<16xi32>
        %gather3A_986 = tpu.vector_load_idx %arg8[%add3A_985] : memref<7140xf32, #tpu.memory_space<vmem>>[vector<16xi32>], vector<16xf32>,
        %gather3A_987 = tpu.vector_load_idx %arg8[%mul3A_977] : memref<7140xf32, #tpu.memory_space<vmem>>[vector<16xi32>], vector<16xf32>,
        %add3A_988 = arith.constant 1 : i32
        %add3A_989 = vector.broadcast %add3A_988 : i32 to vector<16xi32>
        %add3A_990 = arith.addi %mul3A_977, %add3A_989 : vector<16xi32>
        %gather3A_991 = tpu.vector_load_idx %arg8[%add3A_990] : memref<7140xf32, #tpu.memory_space<vmem>>[vector<16xi32>], vector<16xf32>,
        %add3A_992 = arith.constant 2 : i32
        %add3A_993 = vector.broadcast %add3A_992 : i32 to vector<16xi32>
        %add3A_994 = arith.addi %mul3A_977, %add3A_993 : vector<16xi32>
        %gather3A_995 = tpu.vector_load_idx %arg8[%add3A_994] : memref<7140xf32, #tpu.memory_space<vmem>>[vector<16xi32>], vector<16xf32>,
        %sub3A_996 = arith.subf %gather3A_982, %gather3A_991 : vector<16xf32>
        %select_n3A_997 = arith.select %gt3A_963, %broadcast_in_dim3A_33, %sub3A_996 : vector<16xi1>, vector<16xf32>
        %add3A_998 = arith.addf %add3A_940, %select_n3A_997 : vector<16xf32>
        %add3A_999 = arith.addf %gather3A_986, %gather3A_995 : vector<16xf32>
        %select_n3A_1000 = arith.select %gt3A_963, %broadcast_in_dim3A_33, %add3A_999 : vector<16xi1>, vector<16xf32>
        %add3A_1001 = arith.addf %add3A_943, %select_n3A_1000 : vector<16xf32>
        %select_n3A_1002 = arith.select %gt3A_963, %broadcast_in_dim3A_33, %gather3A_978 : vector<16xi1>, vector<16xf32>
        %mul3A_1003 = arith.mulf %select_n3A_1002, %get3A_28 : vector<16xf32>
        %select_n3A_1004 = arith.select %gt3A_963, %broadcast_in_dim3A_33, %gather3A_987 : vector<16xi1>, vector<16xf32>
        %mul3A_1005 = arith.mulf %select_n3A_1004, %get3A_32 : vector<16xf32>
        %add3A_1006 = arith.addf %mul3A_1003, %mul3A_1005 : vector<16xf32>
        %add3A_1007 = arith.constant 176 : i32
        %add3A_1008 = vector.broadcast %add3A_1007 : i32 to vector<16xi32>
        %add3A_1009 = arith.addi %add3A_313, %add3A_1008 : vector<16xi32>
        tpu.vector_store_idx %arg14[%add3A_1009], %add3A_1006 : memref<3600xf32, #tpu.memory_space<vmem>>[vector<16xi32>], vector<16xf32>,
        %add3A_1010 = arith.constant 192 : i32
        %add3A_1011 = vector.broadcast %add3A_1010 : i32 to vector<16xi32>
        %add3A_1012 = arith.addi %add3A_306, %add3A_1011 : vector<16xi32>
        %gather3A_1013 = tpu.vector_load_idx %arg12[%add3A_1012] : memref<7200xf32, #tpu.memory_space<vmem>>[vector<16xi32>], vector<16xf32>,
        %add3A_1014 = arith.constant 192 : i32
        %add3A_1015 = vector.broadcast %add3A_1014 : i32 to vector<16xi32>
        %add3A_1016 = arith.addi %add3A_309, %add3A_1015 : vector<16xi32>
        %gather3A_1017 = tpu.vector_load_idx %arg12[%add3A_1016] : memref<7200xf32, #tpu.memory_space<vmem>>[vector<16xi32>], vector<16xf32>,
        %add3A_1018 = arith.addf %gather3A_1013, %gather3A_1017 : vector<16xf32>
        %gt3A_1019 = arith.constant 0.000000e+00 : f32
        %gt3A_1020 = vector.broadcast %gt3A_1019 : f32 to vector<16xf32>
        %gt3A_1021 = arith.cmpf ogt, %add3A_1018, %gt3A_1020 : vector<16xf32>
        %add3A_1022 = arith.constant 192 : i32
        %add3A_1023 = vector.broadcast %add3A_1022 : i32 to vector<16xi32>
        %add3A_1024 = arith.addi %add3A_299, %add3A_1023 : vector<16xi32>
        %gather3A_1025 = tpu.vector_load_idx %arg10[%add3A_1024] : memref<7200xi32, #tpu.memory_space<vmem>>[vector<16xi32>], vector<16xi32>,
        %mul3A_1026 = arith.constant 3 : i32
        %mul3A_1027 = vector.broadcast %mul3A_1026 : i32 to vector<16xi32>
        %mul3A_1028 = arith.muli %gather3A_1025, %mul3A_1027 : vector<16xi32>
        %add3A_1029 = arith.constant 192 : i32
        %add3A_1030 = vector.broadcast %add3A_1029 : i32 to vector<16xi32>
        %add3A_1031 = arith.addi %add3A_302, %add3A_1030 : vector<16xi32>
        %gather3A_1032 = tpu.vector_load_idx %arg10[%add3A_1031] : memref<7200xi32, #tpu.memory_space<vmem>>[vector<16xi32>], vector<16xi32>,
        %mul3A_1033 = arith.constant 3 : i32
        %mul3A_1034 = vector.broadcast %mul3A_1033 : i32 to vector<16xi32>
        %mul3A_1035 = arith.muli %gather3A_1032, %mul3A_1034 : vector<16xi32>
        %gather3A_1036 = tpu.vector_load_idx %arg8[%mul3A_1028] : memref<7140xf32, #tpu.memory_space<vmem>>[vector<16xi32>], vector<16xf32>,
        %add3A_1037 = arith.constant 1 : i32
        %add3A_1038 = vector.broadcast %add3A_1037 : i32 to vector<16xi32>
        %add3A_1039 = arith.addi %mul3A_1028, %add3A_1038 : vector<16xi32>
        %gather3A_1040 = tpu.vector_load_idx %arg8[%add3A_1039] : memref<7140xf32, #tpu.memory_space<vmem>>[vector<16xi32>], vector<16xf32>,
        %add3A_1041 = arith.constant 2 : i32
        %add3A_1042 = vector.broadcast %add3A_1041 : i32 to vector<16xi32>
        %add3A_1043 = arith.addi %mul3A_1028, %add3A_1042 : vector<16xi32>
        %gather3A_1044 = tpu.vector_load_idx %arg8[%add3A_1043] : memref<7140xf32, #tpu.memory_space<vmem>>[vector<16xi32>], vector<16xf32>,
        %gather3A_1045 = tpu.vector_load_idx %arg8[%mul3A_1035] : memref<7140xf32, #tpu.memory_space<vmem>>[vector<16xi32>], vector<16xf32>,
        %add3A_1046 = arith.constant 1 : i32
        %add3A_1047 = vector.broadcast %add3A_1046 : i32 to vector<16xi32>
        %add3A_1048 = arith.addi %mul3A_1035, %add3A_1047 : vector<16xi32>
        %gather3A_1049 = tpu.vector_load_idx %arg8[%add3A_1048] : memref<7140xf32, #tpu.memory_space<vmem>>[vector<16xi32>], vector<16xf32>,
        %add3A_1050 = arith.constant 2 : i32
        %add3A_1051 = vector.broadcast %add3A_1050 : i32 to vector<16xi32>
        %add3A_1052 = arith.addi %mul3A_1035, %add3A_1051 : vector<16xi32>
        %gather3A_1053 = tpu.vector_load_idx %arg8[%add3A_1052] : memref<7140xf32, #tpu.memory_space<vmem>>[vector<16xi32>], vector<16xf32>,
        %sub3A_1054 = arith.subf %gather3A_1040, %gather3A_1049 : vector<16xf32>
        %select_n3A_1055 = arith.select %gt3A_1021, %broadcast_in_dim3A_33, %sub3A_1054 : vector<16xi1>, vector<16xf32>
        %add3A_1056 = arith.addf %add3A_998, %select_n3A_1055 : vector<16xf32>
        %add3A_1057 = arith.addf %gather3A_1044, %gather3A_1053 : vector<16xf32>
        %select_n3A_1058 = arith.select %gt3A_1021, %broadcast_in_dim3A_33, %add3A_1057 : vector<16xi1>, vector<16xf32>
        %add3A_1059 = arith.addf %add3A_1001, %select_n3A_1058 : vector<16xf32>
        %select_n3A_1060 = arith.select %gt3A_1021, %broadcast_in_dim3A_33, %gather3A_1036 : vector<16xi1>, vector<16xf32>
        %mul3A_1061 = arith.mulf %select_n3A_1060, %get3A_28 : vector<16xf32>
        %select_n3A_1062 = arith.select %gt3A_1021, %broadcast_in_dim3A_33, %gather3A_1045 : vector<16xi1>, vector<16xf32>
        %mul3A_1063 = arith.mulf %select_n3A_1062, %get3A_32 : vector<16xf32>
        %add3A_1064 = arith.addf %mul3A_1061, %mul3A_1063 : vector<16xf32>
        %add3A_1065 = arith.constant 192 : i32
        %add3A_1066 = vector.broadcast %add3A_1065 : i32 to vector<16xi32>
        %add3A_1067 = arith.addi %add3A_313, %add3A_1066 : vector<16xi32>
        tpu.vector_store_idx %arg14[%add3A_1067], %add3A_1064 : memref<3600xf32, #tpu.memory_space<vmem>>[vector<16xi32>], vector<16xf32>,
        %add3A_1068 = arith.constant 208 : i32
        %add3A_1069 = vector.broadcast %add3A_1068 : i32 to vector<16xi32>
        %add3A_1070 = arith.addi %add3A_306, %add3A_1069 : vector<16xi32>
        %gather3A_1071 = tpu.vector_load_idx %arg12[%add3A_1070] : memref<7200xf32, #tpu.memory_space<vmem>>[vector<16xi32>], vector<16xf32>,
        %add3A_1072 = arith.constant 208 : i32
        %add3A_1073 = vector.broadcast %add3A_1072 : i32 to vector<16xi32>
        %add3A_1074 = arith.addi %add3A_309, %add3A_1073 : vector<16xi32>
        %gather3A_1075 = tpu.vector_load_idx %arg12[%add3A_1074] : memref<7200xf32, #tpu.memory_space<vmem>>[vector<16xi32>], vector<16xf32>,
        %add3A_1076 = arith.addf %gather3A_1071, %gather3A_1075 : vector<16xf32>
        %gt3A_1077 = arith.constant 0.000000e+00 : f32
        %gt3A_1078 = vector.broadcast %gt3A_1077 : f32 to vector<16xf32>
        %gt3A_1079 = arith.cmpf ogt, %add3A_1076, %gt3A_1078 : vector<16xf32>
        %add3A_1080 = arith.constant 208 : i32
        %add3A_1081 = vector.broadcast %add3A_1080 : i32 to vector<16xi32>
        %add3A_1082 = arith.addi %add3A_299, %add3A_1081 : vector<16xi32>
        %gather3A_1083 = tpu.vector_load_idx %arg10[%add3A_1082] : memref<7200xi32, #tpu.memory_space<vmem>>[vector<16xi32>], vector<16xi32>,
        %mul3A_1084 = arith.constant 3 : i32
        %mul3A_1085 = vector.broadcast %mul3A_1084 : i32 to vector<16xi32>
        %mul3A_1086 = arith.muli %gather3A_1083, %mul3A_1085 : vector<16xi32>
        %add3A_1087 = arith.constant 208 : i32
        %add3A_1088 = vector.broadcast %add3A_1087 : i32 to vector<16xi32>
        %add3A_1089 = arith.addi %add3A_302, %add3A_1088 : vector<16xi32>
        %gather3A_1090 = tpu.vector_load_idx %arg10[%add3A_1089] : memref<7200xi32, #tpu.memory_space<vmem>>[vector<16xi32>], vector<16xi32>,
        %mul3A_1091 = arith.constant 3 : i32
        %mul3A_1092 = vector.broadcast %mul3A_1091 : i32 to vector<16xi32>
        %mul3A_1093 = arith.muli %gather3A_1090, %mul3A_1092 : vector<16xi32>
        %gather3A_1094 = tpu.vector_load_idx %arg8[%mul3A_1086] : memref<7140xf32, #tpu.memory_space<vmem>>[vector<16xi32>], vector<16xf32>,
        %add3A_1095 = arith.constant 1 : i32
        %add3A_1096 = vector.broadcast %add3A_1095 : i32 to vector<16xi32>
        %add3A_1097 = arith.addi %mul3A_1086, %add3A_1096 : vector<16xi32>
        %gather3A_1098 = tpu.vector_load_idx %arg8[%add3A_1097] : memref<7140xf32, #tpu.memory_space<vmem>>[vector<16xi32>], vector<16xf32>,
        %add3A_1099 = arith.constant 2 : i32
        %add3A_1100 = vector.broadcast %add3A_1099 : i32 to vector<16xi32>
        %add3A_1101 = arith.addi %mul3A_1086, %add3A_1100 : vector<16xi32>
        %gather3A_1102 = tpu.vector_load_idx %arg8[%add3A_1101] : memref<7140xf32, #tpu.memory_space<vmem>>[vector<16xi32>], vector<16xf32>,
        %gather3A_1103 = tpu.vector_load_idx %arg8[%mul3A_1093] : memref<7140xf32, #tpu.memory_space<vmem>>[vector<16xi32>], vector<16xf32>,
        %add3A_1104 = arith.constant 1 : i32
        %add3A_1105 = vector.broadcast %add3A_1104 : i32 to vector<16xi32>
        %add3A_1106 = arith.addi %mul3A_1093, %add3A_1105 : vector<16xi32>
        %gather3A_1107 = tpu.vector_load_idx %arg8[%add3A_1106] : memref<7140xf32, #tpu.memory_space<vmem>>[vector<16xi32>], vector<16xf32>,
        %add3A_1108 = arith.constant 2 : i32
        %add3A_1109 = vector.broadcast %add3A_1108 : i32 to vector<16xi32>
        %add3A_1110 = arith.addi %mul3A_1093, %add3A_1109 : vector<16xi32>
        %gather3A_1111 = tpu.vector_load_idx %arg8[%add3A_1110] : memref<7140xf32, #tpu.memory_space<vmem>>[vector<16xi32>], vector<16xf32>,
        %sub3A_1112 = arith.subf %gather3A_1098, %gather3A_1107 : vector<16xf32>
        %select_n3A_1113 = arith.select %gt3A_1079, %broadcast_in_dim3A_33, %sub3A_1112 : vector<16xi1>, vector<16xf32>
        %add3A_1114 = arith.addf %add3A_1056, %select_n3A_1113 : vector<16xf32>
        %add3A_1115 = arith.addf %gather3A_1102, %gather3A_1111 : vector<16xf32>
        %select_n3A_1116 = arith.select %gt3A_1079, %broadcast_in_dim3A_33, %add3A_1115 : vector<16xi1>, vector<16xf32>
        %add3A_1117 = arith.addf %add3A_1059, %select_n3A_1116 : vector<16xf32>
        %select_n3A_1118 = arith.select %gt3A_1079, %broadcast_in_dim3A_33, %gather3A_1094 : vector<16xi1>, vector<16xf32>
        %mul3A_1119 = arith.mulf %select_n3A_1118, %get3A_28 : vector<16xf32>
        %select_n3A_1120 = arith.select %gt3A_1079, %broadcast_in_dim3A_33, %gather3A_1103 : vector<16xi1>, vector<16xf32>
        %mul3A_1121 = arith.mulf %select_n3A_1120, %get3A_32 : vector<16xf32>
        %add3A_1122 = arith.addf %mul3A_1119, %mul3A_1121 : vector<16xf32>
        %add3A_1123 = arith.constant 208 : i32
        %add3A_1124 = vector.broadcast %add3A_1123 : i32 to vector<16xi32>
        %add3A_1125 = arith.addi %add3A_313, %add3A_1124 : vector<16xi32>
        tpu.vector_store_idx %arg14[%add3A_1125], %add3A_1122 : memref<3600xf32, #tpu.memory_space<vmem>>[vector<16xi32>], vector<16xf32>,
        %reduce_sum3A = arith.constant true
        %reduce_sum3A_1126 = vector.broadcast %reduce_sum3A : i1 to vector<16xi1>
        %reduce_sum3A_1127 = tpu.scan <sum>, %add3A_1114 masked %reduce_sum3A_1126 : vector<16xf32>, vector<16xi1> -> vector<16xf32>
        %reduce_sum3A_1128 = vector.extract %reduce_sum3A_1127[15] : f32 from vector<16xf32>
        %reduce_sum3A_1129 = arith.constant true
        %reduce_sum3A_1130 = vector.broadcast %reduce_sum3A_1129 : i1 to vector<16xi1>
        %reduce_sum3A_1131 = tpu.scan <sum>, %add3A_1117 masked %reduce_sum3A_1130 : vector<16xf32>, vector<16xi1> -> vector<16xf32>
        %reduce_sum3A_1132 = vector.extract %reduce_sum3A_1131[15] : f32 from vector<16xf32>
        %eq3A = vector.broadcast %scan3A_293 : i32 to vector<16xi32>
        %eq3A_1133 = arith.cmpi eq, %iota3A, %eq3A : vector<16xi32>
        %broadcast_in_dim3A_1134 = vector.broadcast %reduce_sum3A_1128 : f32 to vector<16xf32>
        %select_n3A_1135 = arith.select %eq3A_1133, %broadcast_in_dim3A_1134, %scan3A_294 : vector<16xi1>, vector<16xf32>
        %broadcast_in_dim3A_1136 = vector.broadcast %reduce_sum3A_1132 : f32 to vector<16xf32>
        %select_n3A_1137 = arith.select %eq3A_1133, %broadcast_in_dim3A_1136, %scan3A_295 : vector<16xi1>, vector<16xf32>
        scf.yield %select_n3A_1135, %select_n3A_1137 : vector<16xf32>, vector<16xf32>
      }
      %scan3A_79 = arith.constant 16 : i32
      %mul3A_80 = arith.constant 450 : i32
      %mul3A_81 = vector.broadcast %mul3A_80 : i32 to vector<16xi32>
      %mul3A_82 = arith.muli %iota3A, %mul3A_81 : vector<16xi32>
      %add3A_83 = arith.constant 224 : i32
      %add3A_84 = vector.broadcast %add3A_83 : i32 to vector<16xi32>
      %add3A_85 = arith.addi %mul3A_82, %add3A_84 : vector<16xi32>
      %add3A_86 = arith.constant 225 : i32
      %add3A_87 = vector.broadcast %add3A_86 : i32 to vector<16xi32>
      %add3A_88 = arith.addi %add3A_85, %add3A_87 : vector<16xi32>
      %mul3A_89 = arith.constant 450 : i32
      %mul3A_90 = vector.broadcast %mul3A_89 : i32 to vector<16xi32>
      %mul3A_91 = arith.muli %iota3A, %mul3A_90 : vector<16xi32>
      %add3A_92 = arith.constant 224 : i32
      %add3A_93 = vector.broadcast %add3A_92 : i32 to vector<16xi32>
      %add3A_94 = arith.addi %mul3A_91, %add3A_93 : vector<16xi32>
      %add3A_95 = arith.constant 225 : i32
      %add3A_96 = vector.broadcast %add3A_95 : i32 to vector<16xi32>
      %add3A_97 = arith.addi %add3A_94, %add3A_96 : vector<16xi32>
      %gather3A = tpu.vector_load_idx %arg12[%add3A_94] : memref<7200xf32, #tpu.memory_space<vmem>>[vector<16xi32>], vector<16xf32>,
      %gather3A_98 = tpu.vector_load_idx %arg12[%add3A_97] : memref<7200xf32, #tpu.memory_space<vmem>>[vector<16xi32>], vector<16xf32>,
      %add3A_99 = arith.addf %gather3A, %gather3A_98 : vector<16xf32>
      %gt3A = arith.constant 0.000000e+00 : f32
      %gt3A_100 = vector.broadcast %gt3A : f32 to vector<16xf32>
      %gt3A_101 = arith.cmpf ogt, %add3A_99, %gt3A_100 : vector<16xf32>
      %gather3A_102 = tpu.vector_load_idx %arg10[%add3A_85] : memref<7200xi32, #tpu.memory_space<vmem>>[vector<16xi32>], vector<16xi32>,
      %mul3A_103 = arith.constant 3 : i32
      %mul3A_104 = vector.broadcast %mul3A_103 : i32 to vector<16xi32>
      %mul3A_105 = arith.muli %gather3A_102, %mul3A_104 : vector<16xi32>
      %gather3A_106 = tpu.vector_load_idx %arg10[%add3A_88] : memref<7200xi32, #tpu.memory_space<vmem>>[vector<16xi32>], vector<16xi32>,
      %mul3A_107 = arith.constant 3 : i32
      %mul3A_108 = vector.broadcast %mul3A_107 : i32 to vector<16xi32>
      %mul3A_109 = arith.muli %gather3A_106, %mul3A_108 : vector<16xi32>
      %gather3A_110 = tpu.vector_load_idx %arg8[%mul3A_105] : memref<7140xf32, #tpu.memory_space<vmem>>[vector<16xi32>], vector<16xf32>,
      %add3A_111 = arith.constant 1 : i32
      %add3A_112 = vector.broadcast %add3A_111 : i32 to vector<16xi32>
      %add3A_113 = arith.addi %mul3A_105, %add3A_112 : vector<16xi32>
      %gather3A_114 = tpu.vector_load_idx %arg8[%add3A_113] : memref<7140xf32, #tpu.memory_space<vmem>>[vector<16xi32>], vector<16xf32>,
      %add3A_115 = arith.constant 2 : i32
      %add3A_116 = vector.broadcast %add3A_115 : i32 to vector<16xi32>
      %add3A_117 = arith.addi %mul3A_105, %add3A_116 : vector<16xi32>
      %gather3A_118 = tpu.vector_load_idx %arg8[%add3A_117] : memref<7140xf32, #tpu.memory_space<vmem>>[vector<16xi32>], vector<16xf32>,
      %gather3A_119 = tpu.vector_load_idx %arg8[%mul3A_109] : memref<7140xf32, #tpu.memory_space<vmem>>[vector<16xi32>], vector<16xf32>,
      %add3A_120 = arith.constant 1 : i32
      %add3A_121 = vector.broadcast %add3A_120 : i32 to vector<16xi32>
      %add3A_122 = arith.addi %mul3A_109, %add3A_121 : vector<16xi32>
      %gather3A_123 = tpu.vector_load_idx %arg8[%add3A_122] : memref<7140xf32, #tpu.memory_space<vmem>>[vector<16xi32>], vector<16xf32>,
      %add3A_124 = arith.constant 2 : i32
      %add3A_125 = vector.broadcast %add3A_124 : i32 to vector<16xi32>
      %add3A_126 = arith.addi %mul3A_109, %add3A_125 : vector<16xi32>
      %gather3A_127 = tpu.vector_load_idx %arg8[%add3A_126] : memref<7140xf32, #tpu.memory_space<vmem>>[vector<16xi32>], vector<16xf32>,
      %sub3A = arith.subf %gather3A_114, %gather3A_123 : vector<16xf32>
      %select_n3A = arith.select %gt3A_101, %broadcast_in_dim3A_33, %sub3A : vector<16xi1>, vector<16xf32>
      %add3A_128 = arith.addf %scan3A_78#0, %select_n3A : vector<16xf32>
      %add3A_129 = arith.addf %gather3A_118, %gather3A_127 : vector<16xf32>
      %select_n3A_130 = arith.select %gt3A_101, %broadcast_in_dim3A_33, %add3A_129 : vector<16xi1>, vector<16xf32>
      %add3A_131 = arith.addf %scan3A_78#1, %select_n3A_130 : vector<16xf32>
      %select_n3A_132 = arith.select %gt3A_101, %broadcast_in_dim3A_33, %gather3A_110 : vector<16xi1>, vector<16xf32>
      %mul3A_133 = arith.mulf %select_n3A_132, %get3A_28 : vector<16xf32>
      %select_n3A_134 = arith.select %gt3A_101, %broadcast_in_dim3A_33, %gather3A_119 : vector<16xi1>, vector<16xf32>
      %mul3A_135 = arith.mulf %select_n3A_134, %get3A_32 : vector<16xf32>
      %add3A_136 = arith.addf %mul3A_133, %mul3A_135 : vector<16xf32>
      %mul3A_137 = arith.constant 225 : i32
      %mul3A_138 = vector.broadcast %mul3A_137 : i32 to vector<16xi32>
      %mul3A_139 = arith.muli %iota3A, %mul3A_138 : vector<16xi32>
      %add3A_140 = arith.constant 224 : i32
      %add3A_141 = vector.broadcast %add3A_140 : i32 to vector<16xi32>
      %add3A_142 = arith.addi %mul3A_139, %add3A_141 : vector<16xi32>
      tpu.vector_store_idx %arg14[%add3A_142], %add3A_136 : memref<3600xf32, #tpu.memory_space<vmem>>[vector<16xi32>], vector<16xf32>,
      %mul3A_143 = arith.constant 16 : i32
      %mul3A_144 = arith.muli %add3A_58, %mul3A_143 : i32
      %add3A_145 = vector.broadcast %mul3A_144 : i32 to vector<16xi32>
      %add3A_146 = arith.addi %add3A_145, %iota3A : vector<16xi32>
      %mul3A_147 = arith.constant 3 : i32
      %mul3A_148 = vector.broadcast %mul3A_147 : i32 to vector<16xi32>
      %mul3A_149 = arith.muli %add3A_146, %mul3A_148 : vector<16xi32>
      tpu.vector_store_idx %arg16[%mul3A_149], %add3A_128 : memref<384xf32, #tpu.memory_space<vmem>>[vector<16xi32>], vector<16xf32>,
      %add3A_150 = arith.constant 1 : i32
      %add3A_151 = vector.broadcast %add3A_150 : i32 to vector<16xi32>
      %add3A_152 = arith.addi %mul3A_149, %add3A_151 : vector<16xi32>
      %neg3A = arith.constant 0.000000e+00 : f32
      %neg3A_153 = vector.broadcast %neg3A : f32 to vector<16xf32>
      %neg3A_154 = arith.subf %neg3A_153, %add3A_128 : vector<16xf32>
      tpu.vector_store_idx %arg16[%add3A_152], %neg3A_154 : memref<384xf32, #tpu.memory_space<vmem>>[vector<16xi32>], vector<16xf32>,
      %add3A_155 = arith.constant 2 : i32
      %add3A_156 = vector.broadcast %add3A_155 : i32 to vector<16xi32>
      %add3A_157 = arith.addi %mul3A_149, %add3A_156 : vector<16xi32>
      tpu.vector_store_idx %arg16[%add3A_157], %add3A_131 : memref<384xf32, #tpu.memory_space<vmem>>[vector<16xi32>], vector<16xf32>,
      %lt3A = arith.constant 3 : i32
      %lt3A_158 = arith.cmpi slt, %scan3A_53, %lt3A : i32
      %convert_element_type3A_159 = arith.extui %lt3A_158 : i1 to i32
      %cond3A_160 = arith.constant 0 : i32
      %cond3A_161 = arith.cmpi ne, %convert_element_type3A_159, %cond3A_160 : i32
      scf.if %cond3A_161 {
        %add3A_293 = arith.constant 2 : i32
        %add3A_294 = arith.addi %add3A_58, %add3A_293 : i32
        %mul3A_295 = arith.constant 16 : i32
        %mul3A_296 = arith.muli %add3A_294, %mul3A_295 : i32
        %add3A_297 = arith.addi %mul3A_2, %mul3A_296 : i32
        %mul3A_298 = arith.constant 450 : i32
        %mul3A_299 = arith.muli %add3A_297, %mul3A_298 : i32
        %dma_start3A_300 = tpu.memref_slice %arg2[%mul3A_299] : memref<1843200xi32, #tpu.memory_space<hbm>> -> memref<7200xi32, #tpu.memory_space<hbm>>
        %dma_start3A_301 = tpu.memref_slice %arg2[%mul3A_299] : memref<1843200xi32, #tpu.memory_space<hbm>> -> memref<7200xi32, #tpu.memory_space<hbm>>
        tpu.enqueue_dma source(%dma_start3A_301 : memref<7200xi32, #tpu.memory_space<hbm>>) target(%arg10 : memref<7200xi32, #tpu.memory_space<vmem>>) target_semaphore(%arg17 : memref<!tpu.dma_semaphore, #tpu.memory_space<semaphore_mem>>)
        %mul3A_302 = arith.constant 2 : i32
        %mul3A_303 = arith.muli %add3A_297, %mul3A_302 : i32
        %mul3A_304 = arith.constant 225 : i32
        %mul3A_305 = arith.muli %mul3A_303, %mul3A_304 : i32
        %dma_start3A_306 = tpu.memref_slice %arg3[%mul3A_305] : memref<1843200xf32, #tpu.memory_space<hbm>> -> memref<7200xf32, #tpu.memory_space<hbm>>
        %dma_start3A_307 = tpu.memref_slice %arg3[%mul3A_305] : memref<1843200xf32, #tpu.memory_space<hbm>> -> memref<7200xf32, #tpu.memory_space<hbm>>
        tpu.enqueue_dma source(%dma_start3A_307 : memref<7200xf32, #tpu.memory_space<hbm>>) target(%arg12 : memref<7200xf32, #tpu.memory_space<vmem>>) target_semaphore(%arg19 : memref<!tpu.dma_semaphore, #tpu.memory_space<semaphore_mem>>)
      } else {
      }
      %mul3A_162 = arith.constant 16 : i32
      %mul3A_163 = arith.muli %add3A_58, %mul3A_162 : i32
      %add3A_164 = arith.addi %mul3A_2, %mul3A_163 : i32
      %mul3A_165 = arith.constant 225 : i32
      %mul3A_166 = arith.muli %add3A_164, %mul3A_165 : i32
      %dma_start3A_167 = tpu.memref_slice %arg7[%mul3A_166] : memref<921600xf32, #tpu.memory_space<hbm>> -> memref<3600xf32, #tpu.memory_space<hbm>>
      %dma_start3A_168 = tpu.memref_slice %arg7[%mul3A_166] : memref<921600xf32, #tpu.memory_space<hbm>> -> memref<3600xf32, #tpu.memory_space<hbm>>
      tpu.enqueue_dma source(%arg14 : memref<3600xf32, #tpu.memory_space<vmem>>) target(%dma_start3A_168 : memref<3600xf32, #tpu.memory_space<hbm>>) target_semaphore(%arg21 : memref<!tpu.dma_semaphore, #tpu.memory_space<semaphore_mem>>)
      %mul3A_169 = arith.constant 2 : i32
      %mul3A_170 = arith.muli %mul3A_169, %scan3A_53 : i32
      %add3A_171 = arith.constant 1 : i32
      %add3A_172 = arith.addi %mul3A_170, %add3A_171 : i32
      %mul3A_173 = arith.constant 16 : i32
      %mul3A_174 = arith.muli %add3A_172, %mul3A_173 : i32
      %add3A_175 = arith.addi %mul3A_2, %mul3A_174 : i32
      %mul3A_176 = arith.constant 450 : i32
      %mul3A_177 = arith.muli %add3A_175, %mul3A_176 : i32
      %dma_wait3A_178 = tpu.memref_slice %arg2[%mul3A_177] : memref<1843200xi32, #tpu.memory_space<hbm>> -> memref<7200xi32, #tpu.memory_space<hbm>>
      %dma_wait3A_179 = tpu.memref_slice %arg2[%mul3A_177] : memref<1843200xi32, #tpu.memory_space<hbm>> -> memref<7200xi32, #tpu.memory_space<hbm>>
      tpu.wait_dma2 semaphore(%arg18 : memref<!tpu.dma_semaphore, #tpu.memory_space<semaphore_mem>>) src(%dma_wait3A_179 : memref<7200xi32, #tpu.memory_space<hbm>>) dst(%arg11 : memref<7200xi32, #tpu.memory_space<vmem>>)
      %mul3A_180 = arith.constant 2 : i32
      %mul3A_181 = arith.muli %add3A_175, %mul3A_180 : i32
      %mul3A_182 = arith.constant 225 : i32
      %mul3A_183 = arith.muli %mul3A_181, %mul3A_182 : i32
      %dma_wait3A_184 = tpu.memref_slice %arg3[%mul3A_183] : memref<1843200xf32, #tpu.memory_space<hbm>> -> memref<7200xf32, #tpu.memory_space<hbm>>
      %dma_wait3A_185 = tpu.memref_slice %arg3[%mul3A_183] : memref<1843200xf32, #tpu.memory_space<hbm>> -> memref<7200xf32, #tpu.memory_space<hbm>>
      tpu.wait_dma2 semaphore(%arg20 : memref<!tpu.dma_semaphore, #tpu.memory_space<semaphore_mem>>) src(%dma_wait3A_185 : memref<7200xf32, #tpu.memory_space<hbm>>) dst(%arg13 : memref<7200xf32, #tpu.memory_space<vmem>>)
      %ge3A_186 = arith.constant 1 : i32
      %ge3A_187 = arith.cmpi sge, %scan3A_53, %ge3A_186 : i32
      %convert_element_type3A_188 = arith.extui %ge3A_187 : i1 to i32
      %cond3A_189 = arith.constant 0 : i32
      %cond3A_190 = arith.cmpi ne, %convert_element_type3A_188, %cond3A_189 : i32
      scf.if %cond3A_190 {
        %sub3A_293 = arith.constant 2 : i32
        %sub3A_294 = arith.subi %add3A_172, %sub3A_293 : i32
        %mul3A_295 = arith.constant 16 : i32
        %mul3A_296 = arith.muli %sub3A_294, %mul3A_295 : i32
        %add3A_297 = arith.addi %mul3A_2, %mul3A_296 : i32
        %mul3A_298 = arith.constant 225 : i32
        %mul3A_299 = arith.muli %add3A_297, %mul3A_298 : i32
        %dma_wait3A_300 = tpu.memref_slice %arg7[%mul3A_299] : memref<921600xf32, #tpu.memory_space<hbm>> -> memref<3600xf32, #tpu.memory_space<hbm>>
        %dma_wait3A_301 = tpu.memref_slice %arg7[%mul3A_299] : memref<921600xf32, #tpu.memory_space<hbm>> -> memref<3600xf32, #tpu.memory_space<hbm>>
        tpu.wait_dma2 semaphore(%arg22 : memref<!tpu.dma_semaphore, #tpu.memory_space<semaphore_mem>>) src(%arg15 : memref<3600xf32, #tpu.memory_space<vmem>>) dst(%dma_wait3A_301 : memref<3600xf32, #tpu.memory_space<hbm>>)
      } else {
      }
      %scan3A_191 = arith.constant 0 : i32
      %scan3A_192 = arith.constant 16 : i32
      %scan3A_193 = arith.addi %scan3A_191, %scan3A_192 : i32
      %scan3A_194 = arith.constant 1 : i32
      %scan3A_195:2 = scf.for %scan3A_293 = %scan3A_191 to %scan3A_193 step %scan3A_194 iter_args(%scan3A_294 = %broadcast_in_dim3A_33, %scan3A_295 = %broadcast_in_dim3A_33) -> (vector<16xf32>, vector<16xf32>)  : i32 {
        %mul3A_296 = arith.constant 450 : i32
        %mul3A_297 = arith.muli %scan3A_293, %mul3A_296 : i32
        %add3A_298 = vector.broadcast %mul3A_297 : i32 to vector<16xi32>
        %add3A_299 = arith.addi %add3A_298, %iota3A : vector<16xi32>
        %add3A_300 = arith.constant 225 : i32
        %add3A_301 = vector.broadcast %add3A_300 : i32 to vector<16xi32>
        %add3A_302 = arith.addi %add3A_299, %add3A_301 : vector<16xi32>
        %mul3A_303 = arith.constant 450 : i32
        %mul3A_304 = arith.muli %scan3A_293, %mul3A_303 : i32
        %add3A_305 = vector.broadcast %mul3A_304 : i32 to vector<16xi32>
        %add3A_306 = arith.addi %add3A_305, %iota3A : vector<16xi32>
        %add3A_307 = arith.constant 225 : i32
        %add3A_308 = vector.broadcast %add3A_307 : i32 to vector<16xi32>
        %add3A_309 = arith.addi %add3A_306, %add3A_308 : vector<16xi32>
        %mul3A_310 = arith.constant 225 : i32
        %mul3A_311 = arith.muli %scan3A_293, %mul3A_310 : i32
        %add3A_312 = vector.broadcast %mul3A_311 : i32 to vector<16xi32>
        %add3A_313 = arith.addi %add3A_312, %iota3A : vector<16xi32>
        %add3A_314 = arith.constant 0 : i32
        %add3A_315 = vector.broadcast %add3A_314 : i32 to vector<16xi32>
        %add3A_316 = arith.addi %add3A_306, %add3A_315 : vector<16xi32>
        %gather3A_317 = tpu.vector_load_idx %arg13[%add3A_316] : memref<7200xf32, #tpu.memory_space<vmem>>[vector<16xi32>], vector<16xf32>,
        %add3A_318 = arith.constant 0 : i32
        %add3A_319 = vector.broadcast %add3A_318 : i32 to vector<16xi32>
        %add3A_320 = arith.addi %add3A_309, %add3A_319 : vector<16xi32>
        %gather3A_321 = tpu.vector_load_idx %arg13[%add3A_320] : memref<7200xf32, #tpu.memory_space<vmem>>[vector<16xi32>], vector<16xf32>,
        %add3A_322 = arith.addf %gather3A_317, %gather3A_321 : vector<16xf32>
        %gt3A_323 = arith.constant 0.000000e+00 : f32
        %gt3A_324 = vector.broadcast %gt3A_323 : f32 to vector<16xf32>
        %gt3A_325 = arith.cmpf ogt, %add3A_322, %gt3A_324 : vector<16xf32>
        %add3A_326 = arith.constant 0 : i32
        %add3A_327 = vector.broadcast %add3A_326 : i32 to vector<16xi32>
        %add3A_328 = arith.addi %add3A_299, %add3A_327 : vector<16xi32>
        %gather3A_329 = tpu.vector_load_idx %arg11[%add3A_328] : memref<7200xi32, #tpu.memory_space<vmem>>[vector<16xi32>], vector<16xi32>,
        %mul3A_330 = arith.constant 3 : i32
        %mul3A_331 = vector.broadcast %mul3A_330 : i32 to vector<16xi32>
        %mul3A_332 = arith.muli %gather3A_329, %mul3A_331 : vector<16xi32>
        %add3A_333 = arith.constant 0 : i32
        %add3A_334 = vector.broadcast %add3A_333 : i32 to vector<16xi32>
        %add3A_335 = arith.addi %add3A_302, %add3A_334 : vector<16xi32>
        %gather3A_336 = tpu.vector_load_idx %arg11[%add3A_335] : memref<7200xi32, #tpu.memory_space<vmem>>[vector<16xi32>], vector<16xi32>,
        %mul3A_337 = arith.constant 3 : i32
        %mul3A_338 = vector.broadcast %mul3A_337 : i32 to vector<16xi32>
        %mul3A_339 = arith.muli %gather3A_336, %mul3A_338 : vector<16xi32>
        %gather3A_340 = tpu.vector_load_idx %arg8[%mul3A_332] : memref<7140xf32, #tpu.memory_space<vmem>>[vector<16xi32>], vector<16xf32>,
        %add3A_341 = arith.constant 1 : i32
        %add3A_342 = vector.broadcast %add3A_341 : i32 to vector<16xi32>
        %add3A_343 = arith.addi %mul3A_332, %add3A_342 : vector<16xi32>
        %gather3A_344 = tpu.vector_load_idx %arg8[%add3A_343] : memref<7140xf32, #tpu.memory_space<vmem>>[vector<16xi32>], vector<16xf32>,
        %add3A_345 = arith.constant 2 : i32
        %add3A_346 = vector.broadcast %add3A_345 : i32 to vector<16xi32>
        %add3A_347 = arith.addi %mul3A_332, %add3A_346 : vector<16xi32>
        %gather3A_348 = tpu.vector_load_idx %arg8[%add3A_347] : memref<7140xf32, #tpu.memory_space<vmem>>[vector<16xi32>], vector<16xf32>,
        %gather3A_349 = tpu.vector_load_idx %arg8[%mul3A_339] : memref<7140xf32, #tpu.memory_space<vmem>>[vector<16xi32>], vector<16xf32>,
        %add3A_350 = arith.constant 1 : i32
        %add3A_351 = vector.broadcast %add3A_350 : i32 to vector<16xi32>
        %add3A_352 = arith.addi %mul3A_339, %add3A_351 : vector<16xi32>
        %gather3A_353 = tpu.vector_load_idx %arg8[%add3A_352] : memref<7140xf32, #tpu.memory_space<vmem>>[vector<16xi32>], vector<16xf32>,
        %add3A_354 = arith.constant 2 : i32
        %add3A_355 = vector.broadcast %add3A_354 : i32 to vector<16xi32>
        %add3A_356 = arith.addi %mul3A_339, %add3A_355 : vector<16xi32>
        %gather3A_357 = tpu.vector_load_idx %arg8[%add3A_356] : memref<7140xf32, #tpu.memory_space<vmem>>[vector<16xi32>], vector<16xf32>,
        %sub3A_358 = arith.subf %gather3A_344, %gather3A_353 : vector<16xf32>
        %select_n3A_359 = arith.select %gt3A_325, %broadcast_in_dim3A_33, %sub3A_358 : vector<16xi1>, vector<16xf32>
        %add3A_360 = arith.addf %broadcast_in_dim3A_33, %select_n3A_359 : vector<16xf32>
        %add3A_361 = arith.addf %gather3A_348, %gather3A_357 : vector<16xf32>
        %select_n3A_362 = arith.select %gt3A_325, %broadcast_in_dim3A_33, %add3A_361 : vector<16xi1>, vector<16xf32>
        %add3A_363 = arith.addf %broadcast_in_dim3A_33, %select_n3A_362 : vector<16xf32>
        %select_n3A_364 = arith.select %gt3A_325, %broadcast_in_dim3A_33, %gather3A_340 : vector<16xi1>, vector<16xf32>
        %mul3A_365 = arith.mulf %select_n3A_364, %get3A_28 : vector<16xf32>
        %select_n3A_366 = arith.select %gt3A_325, %broadcast_in_dim3A_33, %gather3A_349 : vector<16xi1>, vector<16xf32>
        %mul3A_367 = arith.mulf %select_n3A_366, %get3A_32 : vector<16xf32>
        %add3A_368 = arith.addf %mul3A_365, %mul3A_367 : vector<16xf32>
        %add3A_369 = arith.constant 0 : i32
        %add3A_370 = vector.broadcast %add3A_369 : i32 to vector<16xi32>
        %add3A_371 = arith.addi %add3A_313, %add3A_370 : vector<16xi32>
        tpu.vector_store_idx %arg15[%add3A_371], %add3A_368 : memref<3600xf32, #tpu.memory_space<vmem>>[vector<16xi32>], vector<16xf32>,
        %add3A_372 = arith.constant 16 : i32
        %add3A_373 = vector.broadcast %add3A_372 : i32 to vector<16xi32>
        %add3A_374 = arith.addi %add3A_306, %add3A_373 : vector<16xi32>
        %gather3A_375 = tpu.vector_load_idx %arg13[%add3A_374] : memref<7200xf32, #tpu.memory_space<vmem>>[vector<16xi32>], vector<16xf32>,
        %add3A_376 = arith.constant 16 : i32
        %add3A_377 = vector.broadcast %add3A_376 : i32 to vector<16xi32>
        %add3A_378 = arith.addi %add3A_309, %add3A_377 : vector<16xi32>
        %gather3A_379 = tpu.vector_load_idx %arg13[%add3A_378] : memref<7200xf32, #tpu.memory_space<vmem>>[vector<16xi32>], vector<16xf32>,
        %add3A_380 = arith.addf %gather3A_375, %gather3A_379 : vector<16xf32>
        %gt3A_381 = arith.constant 0.000000e+00 : f32
        %gt3A_382 = vector.broadcast %gt3A_381 : f32 to vector<16xf32>
        %gt3A_383 = arith.cmpf ogt, %add3A_380, %gt3A_382 : vector<16xf32>
        %add3A_384 = arith.constant 16 : i32
        %add3A_385 = vector.broadcast %add3A_384 : i32 to vector<16xi32>
        %add3A_386 = arith.addi %add3A_299, %add3A_385 : vector<16xi32>
        %gather3A_387 = tpu.vector_load_idx %arg11[%add3A_386] : memref<7200xi32, #tpu.memory_space<vmem>>[vector<16xi32>], vector<16xi32>,
        %mul3A_388 = arith.constant 3 : i32
        %mul3A_389 = vector.broadcast %mul3A_388 : i32 to vector<16xi32>
        %mul3A_390 = arith.muli %gather3A_387, %mul3A_389 : vector<16xi32>
        %add3A_391 = arith.constant 16 : i32
        %add3A_392 = vector.broadcast %add3A_391 : i32 to vector<16xi32>
        %add3A_393 = arith.addi %add3A_302, %add3A_392 : vector<16xi32>
        %gather3A_394 = tpu.vector_load_idx %arg11[%add3A_393] : memref<7200xi32, #tpu.memory_space<vmem>>[vector<16xi32>], vector<16xi32>,
        %mul3A_395 = arith.constant 3 : i32
        %mul3A_396 = vector.broadcast %mul3A_395 : i32 to vector<16xi32>
        %mul3A_397 = arith.muli %gather3A_394, %mul3A_396 : vector<16xi32>
        %gather3A_398 = tpu.vector_load_idx %arg8[%mul3A_390] : memref<7140xf32, #tpu.memory_space<vmem>>[vector<16xi32>], vector<16xf32>,
        %add3A_399 = arith.constant 1 : i32
        %add3A_400 = vector.broadcast %add3A_399 : i32 to vector<16xi32>
        %add3A_401 = arith.addi %mul3A_390, %add3A_400 : vector<16xi32>
        %gather3A_402 = tpu.vector_load_idx %arg8[%add3A_401] : memref<7140xf32, #tpu.memory_space<vmem>>[vector<16xi32>], vector<16xf32>,
        %add3A_403 = arith.constant 2 : i32
        %add3A_404 = vector.broadcast %add3A_403 : i32 to vector<16xi32>
        %add3A_405 = arith.addi %mul3A_390, %add3A_404 : vector<16xi32>
        %gather3A_406 = tpu.vector_load_idx %arg8[%add3A_405] : memref<7140xf32, #tpu.memory_space<vmem>>[vector<16xi32>], vector<16xf32>,
        %gather3A_407 = tpu.vector_load_idx %arg8[%mul3A_397] : memref<7140xf32, #tpu.memory_space<vmem>>[vector<16xi32>], vector<16xf32>,
        %add3A_408 = arith.constant 1 : i32
        %add3A_409 = vector.broadcast %add3A_408 : i32 to vector<16xi32>
        %add3A_410 = arith.addi %mul3A_397, %add3A_409 : vector<16xi32>
        %gather3A_411 = tpu.vector_load_idx %arg8[%add3A_410] : memref<7140xf32, #tpu.memory_space<vmem>>[vector<16xi32>], vector<16xf32>,
        %add3A_412 = arith.constant 2 : i32
        %add3A_413 = vector.broadcast %add3A_412 : i32 to vector<16xi32>
        %add3A_414 = arith.addi %mul3A_397, %add3A_413 : vector<16xi32>
        %gather3A_415 = tpu.vector_load_idx %arg8[%add3A_414] : memref<7140xf32, #tpu.memory_space<vmem>>[vector<16xi32>], vector<16xf32>,
        %sub3A_416 = arith.subf %gather3A_402, %gather3A_411 : vector<16xf32>
        %select_n3A_417 = arith.select %gt3A_383, %broadcast_in_dim3A_33, %sub3A_416 : vector<16xi1>, vector<16xf32>
        %add3A_418 = arith.addf %add3A_360, %select_n3A_417 : vector<16xf32>
        %add3A_419 = arith.addf %gather3A_406, %gather3A_415 : vector<16xf32>
        %select_n3A_420 = arith.select %gt3A_383, %broadcast_in_dim3A_33, %add3A_419 : vector<16xi1>, vector<16xf32>
        %add3A_421 = arith.addf %add3A_363, %select_n3A_420 : vector<16xf32>
        %select_n3A_422 = arith.select %gt3A_383, %broadcast_in_dim3A_33, %gather3A_398 : vector<16xi1>, vector<16xf32>
        %mul3A_423 = arith.mulf %select_n3A_422, %get3A_28 : vector<16xf32>
        %select_n3A_424 = arith.select %gt3A_383, %broadcast_in_dim3A_33, %gather3A_407 : vector<16xi1>, vector<16xf32>
        %mul3A_425 = arith.mulf %select_n3A_424, %get3A_32 : vector<16xf32>
        %add3A_426 = arith.addf %mul3A_423, %mul3A_425 : vector<16xf32>
        %add3A_427 = arith.constant 16 : i32
        %add3A_428 = vector.broadcast %add3A_427 : i32 to vector<16xi32>
        %add3A_429 = arith.addi %add3A_313, %add3A_428 : vector<16xi32>
        tpu.vector_store_idx %arg15[%add3A_429], %add3A_426 : memref<3600xf32, #tpu.memory_space<vmem>>[vector<16xi32>], vector<16xf32>,
        %add3A_430 = arith.constant 32 : i32
        %add3A_431 = vector.broadcast %add3A_430 : i32 to vector<16xi32>
        %add3A_432 = arith.addi %add3A_306, %add3A_431 : vector<16xi32>
        %gather3A_433 = tpu.vector_load_idx %arg13[%add3A_432] : memref<7200xf32, #tpu.memory_space<vmem>>[vector<16xi32>], vector<16xf32>,
        %add3A_434 = arith.constant 32 : i32
        %add3A_435 = vector.broadcast %add3A_434 : i32 to vector<16xi32>
        %add3A_436 = arith.addi %add3A_309, %add3A_435 : vector<16xi32>
        %gather3A_437 = tpu.vector_load_idx %arg13[%add3A_436] : memref<7200xf32, #tpu.memory_space<vmem>>[vector<16xi32>], vector<16xf32>,
        %add3A_438 = arith.addf %gather3A_433, %gather3A_437 : vector<16xf32>
        %gt3A_439 = arith.constant 0.000000e+00 : f32
        %gt3A_440 = vector.broadcast %gt3A_439 : f32 to vector<16xf32>
        %gt3A_441 = arith.cmpf ogt, %add3A_438, %gt3A_440 : vector<16xf32>
        %add3A_442 = arith.constant 32 : i32
        %add3A_443 = vector.broadcast %add3A_442 : i32 to vector<16xi32>
        %add3A_444 = arith.addi %add3A_299, %add3A_443 : vector<16xi32>
        %gather3A_445 = tpu.vector_load_idx %arg11[%add3A_444] : memref<7200xi32, #tpu.memory_space<vmem>>[vector<16xi32>], vector<16xi32>,
        %mul3A_446 = arith.constant 3 : i32
        %mul3A_447 = vector.broadcast %mul3A_446 : i32 to vector<16xi32>
        %mul3A_448 = arith.muli %gather3A_445, %mul3A_447 : vector<16xi32>
        %add3A_449 = arith.constant 32 : i32
        %add3A_450 = vector.broadcast %add3A_449 : i32 to vector<16xi32>
        %add3A_451 = arith.addi %add3A_302, %add3A_450 : vector<16xi32>
        %gather3A_452 = tpu.vector_load_idx %arg11[%add3A_451] : memref<7200xi32, #tpu.memory_space<vmem>>[vector<16xi32>], vector<16xi32>,
        %mul3A_453 = arith.constant 3 : i32
        %mul3A_454 = vector.broadcast %mul3A_453 : i32 to vector<16xi32>
        %mul3A_455 = arith.muli %gather3A_452, %mul3A_454 : vector<16xi32>
        %gather3A_456 = tpu.vector_load_idx %arg8[%mul3A_448] : memref<7140xf32, #tpu.memory_space<vmem>>[vector<16xi32>], vector<16xf32>,
        %add3A_457 = arith.constant 1 : i32
        %add3A_458 = vector.broadcast %add3A_457 : i32 to vector<16xi32>
        %add3A_459 = arith.addi %mul3A_448, %add3A_458 : vector<16xi32>
        %gather3A_460 = tpu.vector_load_idx %arg8[%add3A_459] : memref<7140xf32, #tpu.memory_space<vmem>>[vector<16xi32>], vector<16xf32>,
        %add3A_461 = arith.constant 2 : i32
        %add3A_462 = vector.broadcast %add3A_461 : i32 to vector<16xi32>
        %add3A_463 = arith.addi %mul3A_448, %add3A_462 : vector<16xi32>
        %gather3A_464 = tpu.vector_load_idx %arg8[%add3A_463] : memref<7140xf32, #tpu.memory_space<vmem>>[vector<16xi32>], vector<16xf32>,
        %gather3A_465 = tpu.vector_load_idx %arg8[%mul3A_455] : memref<7140xf32, #tpu.memory_space<vmem>>[vector<16xi32>], vector<16xf32>,
        %add3A_466 = arith.constant 1 : i32
        %add3A_467 = vector.broadcast %add3A_466 : i32 to vector<16xi32>
        %add3A_468 = arith.addi %mul3A_455, %add3A_467 : vector<16xi32>
        %gather3A_469 = tpu.vector_load_idx %arg8[%add3A_468] : memref<7140xf32, #tpu.memory_space<vmem>>[vector<16xi32>], vector<16xf32>,
        %add3A_470 = arith.constant 2 : i32
        %add3A_471 = vector.broadcast %add3A_470 : i32 to vector<16xi32>
        %add3A_472 = arith.addi %mul3A_455, %add3A_471 : vector<16xi32>
        %gather3A_473 = tpu.vector_load_idx %arg8[%add3A_472] : memref<7140xf32, #tpu.memory_space<vmem>>[vector<16xi32>], vector<16xf32>,
        %sub3A_474 = arith.subf %gather3A_460, %gather3A_469 : vector<16xf32>
        %select_n3A_475 = arith.select %gt3A_441, %broadcast_in_dim3A_33, %sub3A_474 : vector<16xi1>, vector<16xf32>
        %add3A_476 = arith.addf %add3A_418, %select_n3A_475 : vector<16xf32>
        %add3A_477 = arith.addf %gather3A_464, %gather3A_473 : vector<16xf32>
        %select_n3A_478 = arith.select %gt3A_441, %broadcast_in_dim3A_33, %add3A_477 : vector<16xi1>, vector<16xf32>
        %add3A_479 = arith.addf %add3A_421, %select_n3A_478 : vector<16xf32>
        %select_n3A_480 = arith.select %gt3A_441, %broadcast_in_dim3A_33, %gather3A_456 : vector<16xi1>, vector<16xf32>
        %mul3A_481 = arith.mulf %select_n3A_480, %get3A_28 : vector<16xf32>
        %select_n3A_482 = arith.select %gt3A_441, %broadcast_in_dim3A_33, %gather3A_465 : vector<16xi1>, vector<16xf32>
        %mul3A_483 = arith.mulf %select_n3A_482, %get3A_32 : vector<16xf32>
        %add3A_484 = arith.addf %mul3A_481, %mul3A_483 : vector<16xf32>
        %add3A_485 = arith.constant 32 : i32
        %add3A_486 = vector.broadcast %add3A_485 : i32 to vector<16xi32>
        %add3A_487 = arith.addi %add3A_313, %add3A_486 : vector<16xi32>
        tpu.vector_store_idx %arg15[%add3A_487], %add3A_484 : memref<3600xf32, #tpu.memory_space<vmem>>[vector<16xi32>], vector<16xf32>,
        %add3A_488 = arith.constant 48 : i32
        %add3A_489 = vector.broadcast %add3A_488 : i32 to vector<16xi32>
        %add3A_490 = arith.addi %add3A_306, %add3A_489 : vector<16xi32>
        %gather3A_491 = tpu.vector_load_idx %arg13[%add3A_490] : memref<7200xf32, #tpu.memory_space<vmem>>[vector<16xi32>], vector<16xf32>,
        %add3A_492 = arith.constant 48 : i32
        %add3A_493 = vector.broadcast %add3A_492 : i32 to vector<16xi32>
        %add3A_494 = arith.addi %add3A_309, %add3A_493 : vector<16xi32>
        %gather3A_495 = tpu.vector_load_idx %arg13[%add3A_494] : memref<7200xf32, #tpu.memory_space<vmem>>[vector<16xi32>], vector<16xf32>,
        %add3A_496 = arith.addf %gather3A_491, %gather3A_495 : vector<16xf32>
        %gt3A_497 = arith.constant 0.000000e+00 : f32
        %gt3A_498 = vector.broadcast %gt3A_497 : f32 to vector<16xf32>
        %gt3A_499 = arith.cmpf ogt, %add3A_496, %gt3A_498 : vector<16xf32>
        %add3A_500 = arith.constant 48 : i32
        %add3A_501 = vector.broadcast %add3A_500 : i32 to vector<16xi32>
        %add3A_502 = arith.addi %add3A_299, %add3A_501 : vector<16xi32>
        %gather3A_503 = tpu.vector_load_idx %arg11[%add3A_502] : memref<7200xi32, #tpu.memory_space<vmem>>[vector<16xi32>], vector<16xi32>,
        %mul3A_504 = arith.constant 3 : i32
        %mul3A_505 = vector.broadcast %mul3A_504 : i32 to vector<16xi32>
        %mul3A_506 = arith.muli %gather3A_503, %mul3A_505 : vector<16xi32>
        %add3A_507 = arith.constant 48 : i32
        %add3A_508 = vector.broadcast %add3A_507 : i32 to vector<16xi32>
        %add3A_509 = arith.addi %add3A_302, %add3A_508 : vector<16xi32>
        %gather3A_510 = tpu.vector_load_idx %arg11[%add3A_509] : memref<7200xi32, #tpu.memory_space<vmem>>[vector<16xi32>], vector<16xi32>,
        %mul3A_511 = arith.constant 3 : i32
        %mul3A_512 = vector.broadcast %mul3A_511 : i32 to vector<16xi32>
        %mul3A_513 = arith.muli %gather3A_510, %mul3A_512 : vector<16xi32>
        %gather3A_514 = tpu.vector_load_idx %arg8[%mul3A_506] : memref<7140xf32, #tpu.memory_space<vmem>>[vector<16xi32>], vector<16xf32>,
        %add3A_515 = arith.constant 1 : i32
        %add3A_516 = vector.broadcast %add3A_515 : i32 to vector<16xi32>
        %add3A_517 = arith.addi %mul3A_506, %add3A_516 : vector<16xi32>
        %gather3A_518 = tpu.vector_load_idx %arg8[%add3A_517] : memref<7140xf32, #tpu.memory_space<vmem>>[vector<16xi32>], vector<16xf32>,
        %add3A_519 = arith.constant 2 : i32
        %add3A_520 = vector.broadcast %add3A_519 : i32 to vector<16xi32>
        %add3A_521 = arith.addi %mul3A_506, %add3A_520 : vector<16xi32>
        %gather3A_522 = tpu.vector_load_idx %arg8[%add3A_521] : memref<7140xf32, #tpu.memory_space<vmem>>[vector<16xi32>], vector<16xf32>,
        %gather3A_523 = tpu.vector_load_idx %arg8[%mul3A_513] : memref<7140xf32, #tpu.memory_space<vmem>>[vector<16xi32>], vector<16xf32>,
        %add3A_524 = arith.constant 1 : i32
        %add3A_525 = vector.broadcast %add3A_524 : i32 to vector<16xi32>
        %add3A_526 = arith.addi %mul3A_513, %add3A_525 : vector<16xi32>
        %gather3A_527 = tpu.vector_load_idx %arg8[%add3A_526] : memref<7140xf32, #tpu.memory_space<vmem>>[vector<16xi32>], vector<16xf32>,
        %add3A_528 = arith.constant 2 : i32
        %add3A_529 = vector.broadcast %add3A_528 : i32 to vector<16xi32>
        %add3A_530 = arith.addi %mul3A_513, %add3A_529 : vector<16xi32>
        %gather3A_531 = tpu.vector_load_idx %arg8[%add3A_530] : memref<7140xf32, #tpu.memory_space<vmem>>[vector<16xi32>], vector<16xf32>,
        %sub3A_532 = arith.subf %gather3A_518, %gather3A_527 : vector<16xf32>
        %select_n3A_533 = arith.select %gt3A_499, %broadcast_in_dim3A_33, %sub3A_532 : vector<16xi1>, vector<16xf32>
        %add3A_534 = arith.addf %add3A_476, %select_n3A_533 : vector<16xf32>
        %add3A_535 = arith.addf %gather3A_522, %gather3A_531 : vector<16xf32>
        %select_n3A_536 = arith.select %gt3A_499, %broadcast_in_dim3A_33, %add3A_535 : vector<16xi1>, vector<16xf32>
        %add3A_537 = arith.addf %add3A_479, %select_n3A_536 : vector<16xf32>
        %select_n3A_538 = arith.select %gt3A_499, %broadcast_in_dim3A_33, %gather3A_514 : vector<16xi1>, vector<16xf32>
        %mul3A_539 = arith.mulf %select_n3A_538, %get3A_28 : vector<16xf32>
        %select_n3A_540 = arith.select %gt3A_499, %broadcast_in_dim3A_33, %gather3A_523 : vector<16xi1>, vector<16xf32>
        %mul3A_541 = arith.mulf %select_n3A_540, %get3A_32 : vector<16xf32>
        %add3A_542 = arith.addf %mul3A_539, %mul3A_541 : vector<16xf32>
        %add3A_543 = arith.constant 48 : i32
        %add3A_544 = vector.broadcast %add3A_543 : i32 to vector<16xi32>
        %add3A_545 = arith.addi %add3A_313, %add3A_544 : vector<16xi32>
        tpu.vector_store_idx %arg15[%add3A_545], %add3A_542 : memref<3600xf32, #tpu.memory_space<vmem>>[vector<16xi32>], vector<16xf32>,
        %add3A_546 = arith.constant 64 : i32
        %add3A_547 = vector.broadcast %add3A_546 : i32 to vector<16xi32>
        %add3A_548 = arith.addi %add3A_306, %add3A_547 : vector<16xi32>
        %gather3A_549 = tpu.vector_load_idx %arg13[%add3A_548] : memref<7200xf32, #tpu.memory_space<vmem>>[vector<16xi32>], vector<16xf32>,
        %add3A_550 = arith.constant 64 : i32
        %add3A_551 = vector.broadcast %add3A_550 : i32 to vector<16xi32>
        %add3A_552 = arith.addi %add3A_309, %add3A_551 : vector<16xi32>
        %gather3A_553 = tpu.vector_load_idx %arg13[%add3A_552] : memref<7200xf32, #tpu.memory_space<vmem>>[vector<16xi32>], vector<16xf32>,
        %add3A_554 = arith.addf %gather3A_549, %gather3A_553 : vector<16xf32>
        %gt3A_555 = arith.constant 0.000000e+00 : f32
        %gt3A_556 = vector.broadcast %gt3A_555 : f32 to vector<16xf32>
        %gt3A_557 = arith.cmpf ogt, %add3A_554, %gt3A_556 : vector<16xf32>
        %add3A_558 = arith.constant 64 : i32
        %add3A_559 = vector.broadcast %add3A_558 : i32 to vector<16xi32>
        %add3A_560 = arith.addi %add3A_299, %add3A_559 : vector<16xi32>
        %gather3A_561 = tpu.vector_load_idx %arg11[%add3A_560] : memref<7200xi32, #tpu.memory_space<vmem>>[vector<16xi32>], vector<16xi32>,
        %mul3A_562 = arith.constant 3 : i32
        %mul3A_563 = vector.broadcast %mul3A_562 : i32 to vector<16xi32>
        %mul3A_564 = arith.muli %gather3A_561, %mul3A_563 : vector<16xi32>
        %add3A_565 = arith.constant 64 : i32
        %add3A_566 = vector.broadcast %add3A_565 : i32 to vector<16xi32>
        %add3A_567 = arith.addi %add3A_302, %add3A_566 : vector<16xi32>
        %gather3A_568 = tpu.vector_load_idx %arg11[%add3A_567] : memref<7200xi32, #tpu.memory_space<vmem>>[vector<16xi32>], vector<16xi32>,
        %mul3A_569 = arith.constant 3 : i32
        %mul3A_570 = vector.broadcast %mul3A_569 : i32 to vector<16xi32>
        %mul3A_571 = arith.muli %gather3A_568, %mul3A_570 : vector<16xi32>
        %gather3A_572 = tpu.vector_load_idx %arg8[%mul3A_564] : memref<7140xf32, #tpu.memory_space<vmem>>[vector<16xi32>], vector<16xf32>,
        %add3A_573 = arith.constant 1 : i32
        %add3A_574 = vector.broadcast %add3A_573 : i32 to vector<16xi32>
        %add3A_575 = arith.addi %mul3A_564, %add3A_574 : vector<16xi32>
        %gather3A_576 = tpu.vector_load_idx %arg8[%add3A_575] : memref<7140xf32, #tpu.memory_space<vmem>>[vector<16xi32>], vector<16xf32>,
        %add3A_577 = arith.constant 2 : i32
        %add3A_578 = vector.broadcast %add3A_577 : i32 to vector<16xi32>
        %add3A_579 = arith.addi %mul3A_564, %add3A_578 : vector<16xi32>
        %gather3A_580 = tpu.vector_load_idx %arg8[%add3A_579] : memref<7140xf32, #tpu.memory_space<vmem>>[vector<16xi32>], vector<16xf32>,
        %gather3A_581 = tpu.vector_load_idx %arg8[%mul3A_571] : memref<7140xf32, #tpu.memory_space<vmem>>[vector<16xi32>], vector<16xf32>,
        %add3A_582 = arith.constant 1 : i32
        %add3A_583 = vector.broadcast %add3A_582 : i32 to vector<16xi32>
        %add3A_584 = arith.addi %mul3A_571, %add3A_583 : vector<16xi32>
        %gather3A_585 = tpu.vector_load_idx %arg8[%add3A_584] : memref<7140xf32, #tpu.memory_space<vmem>>[vector<16xi32>], vector<16xf32>,
        %add3A_586 = arith.constant 2 : i32
        %add3A_587 = vector.broadcast %add3A_586 : i32 to vector<16xi32>
        %add3A_588 = arith.addi %mul3A_571, %add3A_587 : vector<16xi32>
        %gather3A_589 = tpu.vector_load_idx %arg8[%add3A_588] : memref<7140xf32, #tpu.memory_space<vmem>>[vector<16xi32>], vector<16xf32>,
        %sub3A_590 = arith.subf %gather3A_576, %gather3A_585 : vector<16xf32>
        %select_n3A_591 = arith.select %gt3A_557, %broadcast_in_dim3A_33, %sub3A_590 : vector<16xi1>, vector<16xf32>
        %add3A_592 = arith.addf %add3A_534, %select_n3A_591 : vector<16xf32>
        %add3A_593 = arith.addf %gather3A_580, %gather3A_589 : vector<16xf32>
        %select_n3A_594 = arith.select %gt3A_557, %broadcast_in_dim3A_33, %add3A_593 : vector<16xi1>, vector<16xf32>
        %add3A_595 = arith.addf %add3A_537, %select_n3A_594 : vector<16xf32>
        %select_n3A_596 = arith.select %gt3A_557, %broadcast_in_dim3A_33, %gather3A_572 : vector<16xi1>, vector<16xf32>
        %mul3A_597 = arith.mulf %select_n3A_596, %get3A_28 : vector<16xf32>
        %select_n3A_598 = arith.select %gt3A_557, %broadcast_in_dim3A_33, %gather3A_581 : vector<16xi1>, vector<16xf32>
        %mul3A_599 = arith.mulf %select_n3A_598, %get3A_32 : vector<16xf32>
        %add3A_600 = arith.addf %mul3A_597, %mul3A_599 : vector<16xf32>
        %add3A_601 = arith.constant 64 : i32
        %add3A_602 = vector.broadcast %add3A_601 : i32 to vector<16xi32>
        %add3A_603 = arith.addi %add3A_313, %add3A_602 : vector<16xi32>
        tpu.vector_store_idx %arg15[%add3A_603], %add3A_600 : memref<3600xf32, #tpu.memory_space<vmem>>[vector<16xi32>], vector<16xf32>,
        %add3A_604 = arith.constant 80 : i32
        %add3A_605 = vector.broadcast %add3A_604 : i32 to vector<16xi32>
        %add3A_606 = arith.addi %add3A_306, %add3A_605 : vector<16xi32>
        %gather3A_607 = tpu.vector_load_idx %arg13[%add3A_606] : memref<7200xf32, #tpu.memory_space<vmem>>[vector<16xi32>], vector<16xf32>,
        %add3A_608 = arith.constant 80 : i32
        %add3A_609 = vector.broadcast %add3A_608 : i32 to vector<16xi32>
        %add3A_610 = arith.addi %add3A_309, %add3A_609 : vector<16xi32>
        %gather3A_611 = tpu.vector_load_idx %arg13[%add3A_610] : memref<7200xf32, #tpu.memory_space<vmem>>[vector<16xi32>], vector<16xf32>,
        %add3A_612 = arith.addf %gather3A_607, %gather3A_611 : vector<16xf32>
        %gt3A_613 = arith.constant 0.000000e+00 : f32
        %gt3A_614 = vector.broadcast %gt3A_613 : f32 to vector<16xf32>
        %gt3A_615 = arith.cmpf ogt, %add3A_612, %gt3A_614 : vector<16xf32>
        %add3A_616 = arith.constant 80 : i32
        %add3A_617 = vector.broadcast %add3A_616 : i32 to vector<16xi32>
        %add3A_618 = arith.addi %add3A_299, %add3A_617 : vector<16xi32>
        %gather3A_619 = tpu.vector_load_idx %arg11[%add3A_618] : memref<7200xi32, #tpu.memory_space<vmem>>[vector<16xi32>], vector<16xi32>,
        %mul3A_620 = arith.constant 3 : i32
        %mul3A_621 = vector.broadcast %mul3A_620 : i32 to vector<16xi32>
        %mul3A_622 = arith.muli %gather3A_619, %mul3A_621 : vector<16xi32>
        %add3A_623 = arith.constant 80 : i32
        %add3A_624 = vector.broadcast %add3A_623 : i32 to vector<16xi32>
        %add3A_625 = arith.addi %add3A_302, %add3A_624 : vector<16xi32>
        %gather3A_626 = tpu.vector_load_idx %arg11[%add3A_625] : memref<7200xi32, #tpu.memory_space<vmem>>[vector<16xi32>], vector<16xi32>,
        %mul3A_627 = arith.constant 3 : i32
        %mul3A_628 = vector.broadcast %mul3A_627 : i32 to vector<16xi32>
        %mul3A_629 = arith.muli %gather3A_626, %mul3A_628 : vector<16xi32>
        %gather3A_630 = tpu.vector_load_idx %arg8[%mul3A_622] : memref<7140xf32, #tpu.memory_space<vmem>>[vector<16xi32>], vector<16xf32>,
        %add3A_631 = arith.constant 1 : i32
        %add3A_632 = vector.broadcast %add3A_631 : i32 to vector<16xi32>
        %add3A_633 = arith.addi %mul3A_622, %add3A_632 : vector<16xi32>
        %gather3A_634 = tpu.vector_load_idx %arg8[%add3A_633] : memref<7140xf32, #tpu.memory_space<vmem>>[vector<16xi32>], vector<16xf32>,
        %add3A_635 = arith.constant 2 : i32
        %add3A_636 = vector.broadcast %add3A_635 : i32 to vector<16xi32>
        %add3A_637 = arith.addi %mul3A_622, %add3A_636 : vector<16xi32>
        %gather3A_638 = tpu.vector_load_idx %arg8[%add3A_637] : memref<7140xf32, #tpu.memory_space<vmem>>[vector<16xi32>], vector<16xf32>,
        %gather3A_639 = tpu.vector_load_idx %arg8[%mul3A_629] : memref<7140xf32, #tpu.memory_space<vmem>>[vector<16xi32>], vector<16xf32>,
        %add3A_640 = arith.constant 1 : i32
        %add3A_641 = vector.broadcast %add3A_640 : i32 to vector<16xi32>
        %add3A_642 = arith.addi %mul3A_629, %add3A_641 : vector<16xi32>
        %gather3A_643 = tpu.vector_load_idx %arg8[%add3A_642] : memref<7140xf32, #tpu.memory_space<vmem>>[vector<16xi32>], vector<16xf32>,
        %add3A_644 = arith.constant 2 : i32
        %add3A_645 = vector.broadcast %add3A_644 : i32 to vector<16xi32>
        %add3A_646 = arith.addi %mul3A_629, %add3A_645 : vector<16xi32>
        %gather3A_647 = tpu.vector_load_idx %arg8[%add3A_646] : memref<7140xf32, #tpu.memory_space<vmem>>[vector<16xi32>], vector<16xf32>,
        %sub3A_648 = arith.subf %gather3A_634, %gather3A_643 : vector<16xf32>
        %select_n3A_649 = arith.select %gt3A_615, %broadcast_in_dim3A_33, %sub3A_648 : vector<16xi1>, vector<16xf32>
        %add3A_650 = arith.addf %add3A_592, %select_n3A_649 : vector<16xf32>
        %add3A_651 = arith.addf %gather3A_638, %gather3A_647 : vector<16xf32>
        %select_n3A_652 = arith.select %gt3A_615, %broadcast_in_dim3A_33, %add3A_651 : vector<16xi1>, vector<16xf32>
        %add3A_653 = arith.addf %add3A_595, %select_n3A_652 : vector<16xf32>
        %select_n3A_654 = arith.select %gt3A_615, %broadcast_in_dim3A_33, %gather3A_630 : vector<16xi1>, vector<16xf32>
        %mul3A_655 = arith.mulf %select_n3A_654, %get3A_28 : vector<16xf32>
        %select_n3A_656 = arith.select %gt3A_615, %broadcast_in_dim3A_33, %gather3A_639 : vector<16xi1>, vector<16xf32>
        %mul3A_657 = arith.mulf %select_n3A_656, %get3A_32 : vector<16xf32>
        %add3A_658 = arith.addf %mul3A_655, %mul3A_657 : vector<16xf32>
        %add3A_659 = arith.constant 80 : i32
        %add3A_660 = vector.broadcast %add3A_659 : i32 to vector<16xi32>
        %add3A_661 = arith.addi %add3A_313, %add3A_660 : vector<16xi32>
        tpu.vector_store_idx %arg15[%add3A_661], %add3A_658 : memref<3600xf32, #tpu.memory_space<vmem>>[vector<16xi32>], vector<16xf32>,
        %add3A_662 = arith.constant 96 : i32
        %add3A_663 = vector.broadcast %add3A_662 : i32 to vector<16xi32>
        %add3A_664 = arith.addi %add3A_306, %add3A_663 : vector<16xi32>
        %gather3A_665 = tpu.vector_load_idx %arg13[%add3A_664] : memref<7200xf32, #tpu.memory_space<vmem>>[vector<16xi32>], vector<16xf32>,
        %add3A_666 = arith.constant 96 : i32
        %add3A_667 = vector.broadcast %add3A_666 : i32 to vector<16xi32>
        %add3A_668 = arith.addi %add3A_309, %add3A_667 : vector<16xi32>
        %gather3A_669 = tpu.vector_load_idx %arg13[%add3A_668] : memref<7200xf32, #tpu.memory_space<vmem>>[vector<16xi32>], vector<16xf32>,
        %add3A_670 = arith.addf %gather3A_665, %gather3A_669 : vector<16xf32>
        %gt3A_671 = arith.constant 0.000000e+00 : f32
        %gt3A_672 = vector.broadcast %gt3A_671 : f32 to vector<16xf32>
        %gt3A_673 = arith.cmpf ogt, %add3A_670, %gt3A_672 : vector<16xf32>
        %add3A_674 = arith.constant 96 : i32
        %add3A_675 = vector.broadcast %add3A_674 : i32 to vector<16xi32>
        %add3A_676 = arith.addi %add3A_299, %add3A_675 : vector<16xi32>
        %gather3A_677 = tpu.vector_load_idx %arg11[%add3A_676] : memref<7200xi32, #tpu.memory_space<vmem>>[vector<16xi32>], vector<16xi32>,
        %mul3A_678 = arith.constant 3 : i32
        %mul3A_679 = vector.broadcast %mul3A_678 : i32 to vector<16xi32>
        %mul3A_680 = arith.muli %gather3A_677, %mul3A_679 : vector<16xi32>
        %add3A_681 = arith.constant 96 : i32
        %add3A_682 = vector.broadcast %add3A_681 : i32 to vector<16xi32>
        %add3A_683 = arith.addi %add3A_302, %add3A_682 : vector<16xi32>
        %gather3A_684 = tpu.vector_load_idx %arg11[%add3A_683] : memref<7200xi32, #tpu.memory_space<vmem>>[vector<16xi32>], vector<16xi32>,
        %mul3A_685 = arith.constant 3 : i32
        %mul3A_686 = vector.broadcast %mul3A_685 : i32 to vector<16xi32>
        %mul3A_687 = arith.muli %gather3A_684, %mul3A_686 : vector<16xi32>
        %gather3A_688 = tpu.vector_load_idx %arg8[%mul3A_680] : memref<7140xf32, #tpu.memory_space<vmem>>[vector<16xi32>], vector<16xf32>,
        %add3A_689 = arith.constant 1 : i32
        %add3A_690 = vector.broadcast %add3A_689 : i32 to vector<16xi32>
        %add3A_691 = arith.addi %mul3A_680, %add3A_690 : vector<16xi32>
        %gather3A_692 = tpu.vector_load_idx %arg8[%add3A_691] : memref<7140xf32, #tpu.memory_space<vmem>>[vector<16xi32>], vector<16xf32>,
        %add3A_693 = arith.constant 2 : i32
        %add3A_694 = vector.broadcast %add3A_693 : i32 to vector<16xi32>
        %add3A_695 = arith.addi %mul3A_680, %add3A_694 : vector<16xi32>
        %gather3A_696 = tpu.vector_load_idx %arg8[%add3A_695] : memref<7140xf32, #tpu.memory_space<vmem>>[vector<16xi32>], vector<16xf32>,
        %gather3A_697 = tpu.vector_load_idx %arg8[%mul3A_687] : memref<7140xf32, #tpu.memory_space<vmem>>[vector<16xi32>], vector<16xf32>,
        %add3A_698 = arith.constant 1 : i32
        %add3A_699 = vector.broadcast %add3A_698 : i32 to vector<16xi32>
        %add3A_700 = arith.addi %mul3A_687, %add3A_699 : vector<16xi32>
        %gather3A_701 = tpu.vector_load_idx %arg8[%add3A_700] : memref<7140xf32, #tpu.memory_space<vmem>>[vector<16xi32>], vector<16xf32>,
        %add3A_702 = arith.constant 2 : i32
        %add3A_703 = vector.broadcast %add3A_702 : i32 to vector<16xi32>
        %add3A_704 = arith.addi %mul3A_687, %add3A_703 : vector<16xi32>
        %gather3A_705 = tpu.vector_load_idx %arg8[%add3A_704] : memref<7140xf32, #tpu.memory_space<vmem>>[vector<16xi32>], vector<16xf32>,
        %sub3A_706 = arith.subf %gather3A_692, %gather3A_701 : vector<16xf32>
        %select_n3A_707 = arith.select %gt3A_673, %broadcast_in_dim3A_33, %sub3A_706 : vector<16xi1>, vector<16xf32>
        %add3A_708 = arith.addf %add3A_650, %select_n3A_707 : vector<16xf32>
        %add3A_709 = arith.addf %gather3A_696, %gather3A_705 : vector<16xf32>
        %select_n3A_710 = arith.select %gt3A_673, %broadcast_in_dim3A_33, %add3A_709 : vector<16xi1>, vector<16xf32>
        %add3A_711 = arith.addf %add3A_653, %select_n3A_710 : vector<16xf32>
        %select_n3A_712 = arith.select %gt3A_673, %broadcast_in_dim3A_33, %gather3A_688 : vector<16xi1>, vector<16xf32>
        %mul3A_713 = arith.mulf %select_n3A_712, %get3A_28 : vector<16xf32>
        %select_n3A_714 = arith.select %gt3A_673, %broadcast_in_dim3A_33, %gather3A_697 : vector<16xi1>, vector<16xf32>
        %mul3A_715 = arith.mulf %select_n3A_714, %get3A_32 : vector<16xf32>
        %add3A_716 = arith.addf %mul3A_713, %mul3A_715 : vector<16xf32>
        %add3A_717 = arith.constant 96 : i32
        %add3A_718 = vector.broadcast %add3A_717 : i32 to vector<16xi32>
        %add3A_719 = arith.addi %add3A_313, %add3A_718 : vector<16xi32>
        tpu.vector_store_idx %arg15[%add3A_719], %add3A_716 : memref<3600xf32, #tpu.memory_space<vmem>>[vector<16xi32>], vector<16xf32>,
        %add3A_720 = arith.constant 112 : i32
        %add3A_721 = vector.broadcast %add3A_720 : i32 to vector<16xi32>
        %add3A_722 = arith.addi %add3A_306, %add3A_721 : vector<16xi32>
        %gather3A_723 = tpu.vector_load_idx %arg13[%add3A_722] : memref<7200xf32, #tpu.memory_space<vmem>>[vector<16xi32>], vector<16xf32>,
        %add3A_724 = arith.constant 112 : i32
        %add3A_725 = vector.broadcast %add3A_724 : i32 to vector<16xi32>
        %add3A_726 = arith.addi %add3A_309, %add3A_725 : vector<16xi32>
        %gather3A_727 = tpu.vector_load_idx %arg13[%add3A_726] : memref<7200xf32, #tpu.memory_space<vmem>>[vector<16xi32>], vector<16xf32>,
        %add3A_728 = arith.addf %gather3A_723, %gather3A_727 : vector<16xf32>
        %gt3A_729 = arith.constant 0.000000e+00 : f32
        %gt3A_730 = vector.broadcast %gt3A_729 : f32 to vector<16xf32>
        %gt3A_731 = arith.cmpf ogt, %add3A_728, %gt3A_730 : vector<16xf32>
        %add3A_732 = arith.constant 112 : i32
        %add3A_733 = vector.broadcast %add3A_732 : i32 to vector<16xi32>
        %add3A_734 = arith.addi %add3A_299, %add3A_733 : vector<16xi32>
        %gather3A_735 = tpu.vector_load_idx %arg11[%add3A_734] : memref<7200xi32, #tpu.memory_space<vmem>>[vector<16xi32>], vector<16xi32>,
        %mul3A_736 = arith.constant 3 : i32
        %mul3A_737 = vector.broadcast %mul3A_736 : i32 to vector<16xi32>
        %mul3A_738 = arith.muli %gather3A_735, %mul3A_737 : vector<16xi32>
        %add3A_739 = arith.constant 112 : i32
        %add3A_740 = vector.broadcast %add3A_739 : i32 to vector<16xi32>
        %add3A_741 = arith.addi %add3A_302, %add3A_740 : vector<16xi32>
        %gather3A_742 = tpu.vector_load_idx %arg11[%add3A_741] : memref<7200xi32, #tpu.memory_space<vmem>>[vector<16xi32>], vector<16xi32>,
        %mul3A_743 = arith.constant 3 : i32
        %mul3A_744 = vector.broadcast %mul3A_743 : i32 to vector<16xi32>
        %mul3A_745 = arith.muli %gather3A_742, %mul3A_744 : vector<16xi32>
        %gather3A_746 = tpu.vector_load_idx %arg8[%mul3A_738] : memref<7140xf32, #tpu.memory_space<vmem>>[vector<16xi32>], vector<16xf32>,
        %add3A_747 = arith.constant 1 : i32
        %add3A_748 = vector.broadcast %add3A_747 : i32 to vector<16xi32>
        %add3A_749 = arith.addi %mul3A_738, %add3A_748 : vector<16xi32>
        %gather3A_750 = tpu.vector_load_idx %arg8[%add3A_749] : memref<7140xf32, #tpu.memory_space<vmem>>[vector<16xi32>], vector<16xf32>,
        %add3A_751 = arith.constant 2 : i32
        %add3A_752 = vector.broadcast %add3A_751 : i32 to vector<16xi32>
        %add3A_753 = arith.addi %mul3A_738, %add3A_752 : vector<16xi32>
        %gather3A_754 = tpu.vector_load_idx %arg8[%add3A_753] : memref<7140xf32, #tpu.memory_space<vmem>>[vector<16xi32>], vector<16xf32>,
        %gather3A_755 = tpu.vector_load_idx %arg8[%mul3A_745] : memref<7140xf32, #tpu.memory_space<vmem>>[vector<16xi32>], vector<16xf32>,
        %add3A_756 = arith.constant 1 : i32
        %add3A_757 = vector.broadcast %add3A_756 : i32 to vector<16xi32>
        %add3A_758 = arith.addi %mul3A_745, %add3A_757 : vector<16xi32>
        %gather3A_759 = tpu.vector_load_idx %arg8[%add3A_758] : memref<7140xf32, #tpu.memory_space<vmem>>[vector<16xi32>], vector<16xf32>,
        %add3A_760 = arith.constant 2 : i32
        %add3A_761 = vector.broadcast %add3A_760 : i32 to vector<16xi32>
        %add3A_762 = arith.addi %mul3A_745, %add3A_761 : vector<16xi32>
        %gather3A_763 = tpu.vector_load_idx %arg8[%add3A_762] : memref<7140xf32, #tpu.memory_space<vmem>>[vector<16xi32>], vector<16xf32>,
        %sub3A_764 = arith.subf %gather3A_750, %gather3A_759 : vector<16xf32>
        %select_n3A_765 = arith.select %gt3A_731, %broadcast_in_dim3A_33, %sub3A_764 : vector<16xi1>, vector<16xf32>
        %add3A_766 = arith.addf %add3A_708, %select_n3A_765 : vector<16xf32>
        %add3A_767 = arith.addf %gather3A_754, %gather3A_763 : vector<16xf32>
        %select_n3A_768 = arith.select %gt3A_731, %broadcast_in_dim3A_33, %add3A_767 : vector<16xi1>, vector<16xf32>
        %add3A_769 = arith.addf %add3A_711, %select_n3A_768 : vector<16xf32>
        %select_n3A_770 = arith.select %gt3A_731, %broadcast_in_dim3A_33, %gather3A_746 : vector<16xi1>, vector<16xf32>
        %mul3A_771 = arith.mulf %select_n3A_770, %get3A_28 : vector<16xf32>
        %select_n3A_772 = arith.select %gt3A_731, %broadcast_in_dim3A_33, %gather3A_755 : vector<16xi1>, vector<16xf32>
        %mul3A_773 = arith.mulf %select_n3A_772, %get3A_32 : vector<16xf32>
        %add3A_774 = arith.addf %mul3A_771, %mul3A_773 : vector<16xf32>
        %add3A_775 = arith.constant 112 : i32
        %add3A_776 = vector.broadcast %add3A_775 : i32 to vector<16xi32>
        %add3A_777 = arith.addi %add3A_313, %add3A_776 : vector<16xi32>
        tpu.vector_store_idx %arg15[%add3A_777], %add3A_774 : memref<3600xf32, #tpu.memory_space<vmem>>[vector<16xi32>], vector<16xf32>,
        %add3A_778 = arith.constant 128 : i32
        %add3A_779 = vector.broadcast %add3A_778 : i32 to vector<16xi32>
        %add3A_780 = arith.addi %add3A_306, %add3A_779 : vector<16xi32>
        %gather3A_781 = tpu.vector_load_idx %arg13[%add3A_780] : memref<7200xf32, #tpu.memory_space<vmem>>[vector<16xi32>], vector<16xf32>,
        %add3A_782 = arith.constant 128 : i32
        %add3A_783 = vector.broadcast %add3A_782 : i32 to vector<16xi32>
        %add3A_784 = arith.addi %add3A_309, %add3A_783 : vector<16xi32>
        %gather3A_785 = tpu.vector_load_idx %arg13[%add3A_784] : memref<7200xf32, #tpu.memory_space<vmem>>[vector<16xi32>], vector<16xf32>,
        %add3A_786 = arith.addf %gather3A_781, %gather3A_785 : vector<16xf32>
        %gt3A_787 = arith.constant 0.000000e+00 : f32
        %gt3A_788 = vector.broadcast %gt3A_787 : f32 to vector<16xf32>
        %gt3A_789 = arith.cmpf ogt, %add3A_786, %gt3A_788 : vector<16xf32>
        %add3A_790 = arith.constant 128 : i32
        %add3A_791 = vector.broadcast %add3A_790 : i32 to vector<16xi32>
        %add3A_792 = arith.addi %add3A_299, %add3A_791 : vector<16xi32>
        %gather3A_793 = tpu.vector_load_idx %arg11[%add3A_792] : memref<7200xi32, #tpu.memory_space<vmem>>[vector<16xi32>], vector<16xi32>,
        %mul3A_794 = arith.constant 3 : i32
        %mul3A_795 = vector.broadcast %mul3A_794 : i32 to vector<16xi32>
        %mul3A_796 = arith.muli %gather3A_793, %mul3A_795 : vector<16xi32>
        %add3A_797 = arith.constant 128 : i32
        %add3A_798 = vector.broadcast %add3A_797 : i32 to vector<16xi32>
        %add3A_799 = arith.addi %add3A_302, %add3A_798 : vector<16xi32>
        %gather3A_800 = tpu.vector_load_idx %arg11[%add3A_799] : memref<7200xi32, #tpu.memory_space<vmem>>[vector<16xi32>], vector<16xi32>,
        %mul3A_801 = arith.constant 3 : i32
        %mul3A_802 = vector.broadcast %mul3A_801 : i32 to vector<16xi32>
        %mul3A_803 = arith.muli %gather3A_800, %mul3A_802 : vector<16xi32>
        %gather3A_804 = tpu.vector_load_idx %arg8[%mul3A_796] : memref<7140xf32, #tpu.memory_space<vmem>>[vector<16xi32>], vector<16xf32>,
        %add3A_805 = arith.constant 1 : i32
        %add3A_806 = vector.broadcast %add3A_805 : i32 to vector<16xi32>
        %add3A_807 = arith.addi %mul3A_796, %add3A_806 : vector<16xi32>
        %gather3A_808 = tpu.vector_load_idx %arg8[%add3A_807] : memref<7140xf32, #tpu.memory_space<vmem>>[vector<16xi32>], vector<16xf32>,
        %add3A_809 = arith.constant 2 : i32
        %add3A_810 = vector.broadcast %add3A_809 : i32 to vector<16xi32>
        %add3A_811 = arith.addi %mul3A_796, %add3A_810 : vector<16xi32>
        %gather3A_812 = tpu.vector_load_idx %arg8[%add3A_811] : memref<7140xf32, #tpu.memory_space<vmem>>[vector<16xi32>], vector<16xf32>,
        %gather3A_813 = tpu.vector_load_idx %arg8[%mul3A_803] : memref<7140xf32, #tpu.memory_space<vmem>>[vector<16xi32>], vector<16xf32>,
        %add3A_814 = arith.constant 1 : i32
        %add3A_815 = vector.broadcast %add3A_814 : i32 to vector<16xi32>
        %add3A_816 = arith.addi %mul3A_803, %add3A_815 : vector<16xi32>
        %gather3A_817 = tpu.vector_load_idx %arg8[%add3A_816] : memref<7140xf32, #tpu.memory_space<vmem>>[vector<16xi32>], vector<16xf32>,
        %add3A_818 = arith.constant 2 : i32
        %add3A_819 = vector.broadcast %add3A_818 : i32 to vector<16xi32>
        %add3A_820 = arith.addi %mul3A_803, %add3A_819 : vector<16xi32>
        %gather3A_821 = tpu.vector_load_idx %arg8[%add3A_820] : memref<7140xf32, #tpu.memory_space<vmem>>[vector<16xi32>], vector<16xf32>,
        %sub3A_822 = arith.subf %gather3A_808, %gather3A_817 : vector<16xf32>
        %select_n3A_823 = arith.select %gt3A_789, %broadcast_in_dim3A_33, %sub3A_822 : vector<16xi1>, vector<16xf32>
        %add3A_824 = arith.addf %add3A_766, %select_n3A_823 : vector<16xf32>
        %add3A_825 = arith.addf %gather3A_812, %gather3A_821 : vector<16xf32>
        %select_n3A_826 = arith.select %gt3A_789, %broadcast_in_dim3A_33, %add3A_825 : vector<16xi1>, vector<16xf32>
        %add3A_827 = arith.addf %add3A_769, %select_n3A_826 : vector<16xf32>
        %select_n3A_828 = arith.select %gt3A_789, %broadcast_in_dim3A_33, %gather3A_804 : vector<16xi1>, vector<16xf32>
        %mul3A_829 = arith.mulf %select_n3A_828, %get3A_28 : vector<16xf32>
        %select_n3A_830 = arith.select %gt3A_789, %broadcast_in_dim3A_33, %gather3A_813 : vector<16xi1>, vector<16xf32>
        %mul3A_831 = arith.mulf %select_n3A_830, %get3A_32 : vector<16xf32>
        %add3A_832 = arith.addf %mul3A_829, %mul3A_831 : vector<16xf32>
        %add3A_833 = arith.constant 128 : i32
        %add3A_834 = vector.broadcast %add3A_833 : i32 to vector<16xi32>
        %add3A_835 = arith.addi %add3A_313, %add3A_834 : vector<16xi32>
        tpu.vector_store_idx %arg15[%add3A_835], %add3A_832 : memref<3600xf32, #tpu.memory_space<vmem>>[vector<16xi32>], vector<16xf32>,
        %add3A_836 = arith.constant 144 : i32
        %add3A_837 = vector.broadcast %add3A_836 : i32 to vector<16xi32>
        %add3A_838 = arith.addi %add3A_306, %add3A_837 : vector<16xi32>
        %gather3A_839 = tpu.vector_load_idx %arg13[%add3A_838] : memref<7200xf32, #tpu.memory_space<vmem>>[vector<16xi32>], vector<16xf32>,
        %add3A_840 = arith.constant 144 : i32
        %add3A_841 = vector.broadcast %add3A_840 : i32 to vector<16xi32>
        %add3A_842 = arith.addi %add3A_309, %add3A_841 : vector<16xi32>
        %gather3A_843 = tpu.vector_load_idx %arg13[%add3A_842] : memref<7200xf32, #tpu.memory_space<vmem>>[vector<16xi32>], vector<16xf32>,
        %add3A_844 = arith.addf %gather3A_839, %gather3A_843 : vector<16xf32>
        %gt3A_845 = arith.constant 0.000000e+00 : f32
        %gt3A_846 = vector.broadcast %gt3A_845 : f32 to vector<16xf32>
        %gt3A_847 = arith.cmpf ogt, %add3A_844, %gt3A_846 : vector<16xf32>
        %add3A_848 = arith.constant 144 : i32
        %add3A_849 = vector.broadcast %add3A_848 : i32 to vector<16xi32>
        %add3A_850 = arith.addi %add3A_299, %add3A_849 : vector<16xi32>
        %gather3A_851 = tpu.vector_load_idx %arg11[%add3A_850] : memref<7200xi32, #tpu.memory_space<vmem>>[vector<16xi32>], vector<16xi32>,
        %mul3A_852 = arith.constant 3 : i32
        %mul3A_853 = vector.broadcast %mul3A_852 : i32 to vector<16xi32>
        %mul3A_854 = arith.muli %gather3A_851, %mul3A_853 : vector<16xi32>
        %add3A_855 = arith.constant 144 : i32
        %add3A_856 = vector.broadcast %add3A_855 : i32 to vector<16xi32>
        %add3A_857 = arith.addi %add3A_302, %add3A_856 : vector<16xi32>
        %gather3A_858 = tpu.vector_load_idx %arg11[%add3A_857] : memref<7200xi32, #tpu.memory_space<vmem>>[vector<16xi32>], vector<16xi32>,
        %mul3A_859 = arith.constant 3 : i32
        %mul3A_860 = vector.broadcast %mul3A_859 : i32 to vector<16xi32>
        %mul3A_861 = arith.muli %gather3A_858, %mul3A_860 : vector<16xi32>
        %gather3A_862 = tpu.vector_load_idx %arg8[%mul3A_854] : memref<7140xf32, #tpu.memory_space<vmem>>[vector<16xi32>], vector<16xf32>,
        %add3A_863 = arith.constant 1 : i32
        %add3A_864 = vector.broadcast %add3A_863 : i32 to vector<16xi32>
        %add3A_865 = arith.addi %mul3A_854, %add3A_864 : vector<16xi32>
        %gather3A_866 = tpu.vector_load_idx %arg8[%add3A_865] : memref<7140xf32, #tpu.memory_space<vmem>>[vector<16xi32>], vector<16xf32>,
        %add3A_867 = arith.constant 2 : i32
        %add3A_868 = vector.broadcast %add3A_867 : i32 to vector<16xi32>
        %add3A_869 = arith.addi %mul3A_854, %add3A_868 : vector<16xi32>
        %gather3A_870 = tpu.vector_load_idx %arg8[%add3A_869] : memref<7140xf32, #tpu.memory_space<vmem>>[vector<16xi32>], vector<16xf32>,
        %gather3A_871 = tpu.vector_load_idx %arg8[%mul3A_861] : memref<7140xf32, #tpu.memory_space<vmem>>[vector<16xi32>], vector<16xf32>,
        %add3A_872 = arith.constant 1 : i32
        %add3A_873 = vector.broadcast %add3A_872 : i32 to vector<16xi32>
        %add3A_874 = arith.addi %mul3A_861, %add3A_873 : vector<16xi32>
        %gather3A_875 = tpu.vector_load_idx %arg8[%add3A_874] : memref<7140xf32, #tpu.memory_space<vmem>>[vector<16xi32>], vector<16xf32>,
        %add3A_876 = arith.constant 2 : i32
        %add3A_877 = vector.broadcast %add3A_876 : i32 to vector<16xi32>
        %add3A_878 = arith.addi %mul3A_861, %add3A_877 : vector<16xi32>
        %gather3A_879 = tpu.vector_load_idx %arg8[%add3A_878] : memref<7140xf32, #tpu.memory_space<vmem>>[vector<16xi32>], vector<16xf32>,
        %sub3A_880 = arith.subf %gather3A_866, %gather3A_875 : vector<16xf32>
        %select_n3A_881 = arith.select %gt3A_847, %broadcast_in_dim3A_33, %sub3A_880 : vector<16xi1>, vector<16xf32>
        %add3A_882 = arith.addf %add3A_824, %select_n3A_881 : vector<16xf32>
        %add3A_883 = arith.addf %gather3A_870, %gather3A_879 : vector<16xf32>
        %select_n3A_884 = arith.select %gt3A_847, %broadcast_in_dim3A_33, %add3A_883 : vector<16xi1>, vector<16xf32>
        %add3A_885 = arith.addf %add3A_827, %select_n3A_884 : vector<16xf32>
        %select_n3A_886 = arith.select %gt3A_847, %broadcast_in_dim3A_33, %gather3A_862 : vector<16xi1>, vector<16xf32>
        %mul3A_887 = arith.mulf %select_n3A_886, %get3A_28 : vector<16xf32>
        %select_n3A_888 = arith.select %gt3A_847, %broadcast_in_dim3A_33, %gather3A_871 : vector<16xi1>, vector<16xf32>
        %mul3A_889 = arith.mulf %select_n3A_888, %get3A_32 : vector<16xf32>
        %add3A_890 = arith.addf %mul3A_887, %mul3A_889 : vector<16xf32>
        %add3A_891 = arith.constant 144 : i32
        %add3A_892 = vector.broadcast %add3A_891 : i32 to vector<16xi32>
        %add3A_893 = arith.addi %add3A_313, %add3A_892 : vector<16xi32>
        tpu.vector_store_idx %arg15[%add3A_893], %add3A_890 : memref<3600xf32, #tpu.memory_space<vmem>>[vector<16xi32>], vector<16xf32>,
        %add3A_894 = arith.constant 160 : i32
        %add3A_895 = vector.broadcast %add3A_894 : i32 to vector<16xi32>
        %add3A_896 = arith.addi %add3A_306, %add3A_895 : vector<16xi32>
        %gather3A_897 = tpu.vector_load_idx %arg13[%add3A_896] : memref<7200xf32, #tpu.memory_space<vmem>>[vector<16xi32>], vector<16xf32>,
        %add3A_898 = arith.constant 160 : i32
        %add3A_899 = vector.broadcast %add3A_898 : i32 to vector<16xi32>
        %add3A_900 = arith.addi %add3A_309, %add3A_899 : vector<16xi32>
        %gather3A_901 = tpu.vector_load_idx %arg13[%add3A_900] : memref<7200xf32, #tpu.memory_space<vmem>>[vector<16xi32>], vector<16xf32>,
        %add3A_902 = arith.addf %gather3A_897, %gather3A_901 : vector<16xf32>
        %gt3A_903 = arith.constant 0.000000e+00 : f32
        %gt3A_904 = vector.broadcast %gt3A_903 : f32 to vector<16xf32>
        %gt3A_905 = arith.cmpf ogt, %add3A_902, %gt3A_904 : vector<16xf32>
        %add3A_906 = arith.constant 160 : i32
        %add3A_907 = vector.broadcast %add3A_906 : i32 to vector<16xi32>
        %add3A_908 = arith.addi %add3A_299, %add3A_907 : vector<16xi32>
        %gather3A_909 = tpu.vector_load_idx %arg11[%add3A_908] : memref<7200xi32, #tpu.memory_space<vmem>>[vector<16xi32>], vector<16xi32>,
        %mul3A_910 = arith.constant 3 : i32
        %mul3A_911 = vector.broadcast %mul3A_910 : i32 to vector<16xi32>
        %mul3A_912 = arith.muli %gather3A_909, %mul3A_911 : vector<16xi32>
        %add3A_913 = arith.constant 160 : i32
        %add3A_914 = vector.broadcast %add3A_913 : i32 to vector<16xi32>
        %add3A_915 = arith.addi %add3A_302, %add3A_914 : vector<16xi32>
        %gather3A_916 = tpu.vector_load_idx %arg11[%add3A_915] : memref<7200xi32, #tpu.memory_space<vmem>>[vector<16xi32>], vector<16xi32>,
        %mul3A_917 = arith.constant 3 : i32
        %mul3A_918 = vector.broadcast %mul3A_917 : i32 to vector<16xi32>
        %mul3A_919 = arith.muli %gather3A_916, %mul3A_918 : vector<16xi32>
        %gather3A_920 = tpu.vector_load_idx %arg8[%mul3A_912] : memref<7140xf32, #tpu.memory_space<vmem>>[vector<16xi32>], vector<16xf32>,
        %add3A_921 = arith.constant 1 : i32
        %add3A_922 = vector.broadcast %add3A_921 : i32 to vector<16xi32>
        %add3A_923 = arith.addi %mul3A_912, %add3A_922 : vector<16xi32>
        %gather3A_924 = tpu.vector_load_idx %arg8[%add3A_923] : memref<7140xf32, #tpu.memory_space<vmem>>[vector<16xi32>], vector<16xf32>,
        %add3A_925 = arith.constant 2 : i32
        %add3A_926 = vector.broadcast %add3A_925 : i32 to vector<16xi32>
        %add3A_927 = arith.addi %mul3A_912, %add3A_926 : vector<16xi32>
        %gather3A_928 = tpu.vector_load_idx %arg8[%add3A_927] : memref<7140xf32, #tpu.memory_space<vmem>>[vector<16xi32>], vector<16xf32>,
        %gather3A_929 = tpu.vector_load_idx %arg8[%mul3A_919] : memref<7140xf32, #tpu.memory_space<vmem>>[vector<16xi32>], vector<16xf32>,
        %add3A_930 = arith.constant 1 : i32
        %add3A_931 = vector.broadcast %add3A_930 : i32 to vector<16xi32>
        %add3A_932 = arith.addi %mul3A_919, %add3A_931 : vector<16xi32>
        %gather3A_933 = tpu.vector_load_idx %arg8[%add3A_932] : memref<7140xf32, #tpu.memory_space<vmem>>[vector<16xi32>], vector<16xf32>,
        %add3A_934 = arith.constant 2 : i32
        %add3A_935 = vector.broadcast %add3A_934 : i32 to vector<16xi32>
        %add3A_936 = arith.addi %mul3A_919, %add3A_935 : vector<16xi32>
        %gather3A_937 = tpu.vector_load_idx %arg8[%add3A_936] : memref<7140xf32, #tpu.memory_space<vmem>>[vector<16xi32>], vector<16xf32>,
        %sub3A_938 = arith.subf %gather3A_924, %gather3A_933 : vector<16xf32>
        %select_n3A_939 = arith.select %gt3A_905, %broadcast_in_dim3A_33, %sub3A_938 : vector<16xi1>, vector<16xf32>
        %add3A_940 = arith.addf %add3A_882, %select_n3A_939 : vector<16xf32>
        %add3A_941 = arith.addf %gather3A_928, %gather3A_937 : vector<16xf32>
        %select_n3A_942 = arith.select %gt3A_905, %broadcast_in_dim3A_33, %add3A_941 : vector<16xi1>, vector<16xf32>
        %add3A_943 = arith.addf %add3A_885, %select_n3A_942 : vector<16xf32>
        %select_n3A_944 = arith.select %gt3A_905, %broadcast_in_dim3A_33, %gather3A_920 : vector<16xi1>, vector<16xf32>
        %mul3A_945 = arith.mulf %select_n3A_944, %get3A_28 : vector<16xf32>
        %select_n3A_946 = arith.select %gt3A_905, %broadcast_in_dim3A_33, %gather3A_929 : vector<16xi1>, vector<16xf32>
        %mul3A_947 = arith.mulf %select_n3A_946, %get3A_32 : vector<16xf32>
        %add3A_948 = arith.addf %mul3A_945, %mul3A_947 : vector<16xf32>
        %add3A_949 = arith.constant 160 : i32
        %add3A_950 = vector.broadcast %add3A_949 : i32 to vector<16xi32>
        %add3A_951 = arith.addi %add3A_313, %add3A_950 : vector<16xi32>
        tpu.vector_store_idx %arg15[%add3A_951], %add3A_948 : memref<3600xf32, #tpu.memory_space<vmem>>[vector<16xi32>], vector<16xf32>,
        %add3A_952 = arith.constant 176 : i32
        %add3A_953 = vector.broadcast %add3A_952 : i32 to vector<16xi32>
        %add3A_954 = arith.addi %add3A_306, %add3A_953 : vector<16xi32>
        %gather3A_955 = tpu.vector_load_idx %arg13[%add3A_954] : memref<7200xf32, #tpu.memory_space<vmem>>[vector<16xi32>], vector<16xf32>,
        %add3A_956 = arith.constant 176 : i32
        %add3A_957 = vector.broadcast %add3A_956 : i32 to vector<16xi32>
        %add3A_958 = arith.addi %add3A_309, %add3A_957 : vector<16xi32>
        %gather3A_959 = tpu.vector_load_idx %arg13[%add3A_958] : memref<7200xf32, #tpu.memory_space<vmem>>[vector<16xi32>], vector<16xf32>,
        %add3A_960 = arith.addf %gather3A_955, %gather3A_959 : vector<16xf32>
        %gt3A_961 = arith.constant 0.000000e+00 : f32
        %gt3A_962 = vector.broadcast %gt3A_961 : f32 to vector<16xf32>
        %gt3A_963 = arith.cmpf ogt, %add3A_960, %gt3A_962 : vector<16xf32>
        %add3A_964 = arith.constant 176 : i32
        %add3A_965 = vector.broadcast %add3A_964 : i32 to vector<16xi32>
        %add3A_966 = arith.addi %add3A_299, %add3A_965 : vector<16xi32>
        %gather3A_967 = tpu.vector_load_idx %arg11[%add3A_966] : memref<7200xi32, #tpu.memory_space<vmem>>[vector<16xi32>], vector<16xi32>,
        %mul3A_968 = arith.constant 3 : i32
        %mul3A_969 = vector.broadcast %mul3A_968 : i32 to vector<16xi32>
        %mul3A_970 = arith.muli %gather3A_967, %mul3A_969 : vector<16xi32>
        %add3A_971 = arith.constant 176 : i32
        %add3A_972 = vector.broadcast %add3A_971 : i32 to vector<16xi32>
        %add3A_973 = arith.addi %add3A_302, %add3A_972 : vector<16xi32>
        %gather3A_974 = tpu.vector_load_idx %arg11[%add3A_973] : memref<7200xi32, #tpu.memory_space<vmem>>[vector<16xi32>], vector<16xi32>,
        %mul3A_975 = arith.constant 3 : i32
        %mul3A_976 = vector.broadcast %mul3A_975 : i32 to vector<16xi32>
        %mul3A_977 = arith.muli %gather3A_974, %mul3A_976 : vector<16xi32>
        %gather3A_978 = tpu.vector_load_idx %arg8[%mul3A_970] : memref<7140xf32, #tpu.memory_space<vmem>>[vector<16xi32>], vector<16xf32>,
        %add3A_979 = arith.constant 1 : i32
        %add3A_980 = vector.broadcast %add3A_979 : i32 to vector<16xi32>
        %add3A_981 = arith.addi %mul3A_970, %add3A_980 : vector<16xi32>
        %gather3A_982 = tpu.vector_load_idx %arg8[%add3A_981] : memref<7140xf32, #tpu.memory_space<vmem>>[vector<16xi32>], vector<16xf32>,
        %add3A_983 = arith.constant 2 : i32
        %add3A_984 = vector.broadcast %add3A_983 : i32 to vector<16xi32>
        %add3A_985 = arith.addi %mul3A_970, %add3A_984 : vector<16xi32>
        %gather3A_986 = tpu.vector_load_idx %arg8[%add3A_985] : memref<7140xf32, #tpu.memory_space<vmem>>[vector<16xi32>], vector<16xf32>,
        %gather3A_987 = tpu.vector_load_idx %arg8[%mul3A_977] : memref<7140xf32, #tpu.memory_space<vmem>>[vector<16xi32>], vector<16xf32>,
        %add3A_988 = arith.constant 1 : i32
        %add3A_989 = vector.broadcast %add3A_988 : i32 to vector<16xi32>
        %add3A_990 = arith.addi %mul3A_977, %add3A_989 : vector<16xi32>
        %gather3A_991 = tpu.vector_load_idx %arg8[%add3A_990] : memref<7140xf32, #tpu.memory_space<vmem>>[vector<16xi32>], vector<16xf32>,
        %add3A_992 = arith.constant 2 : i32
        %add3A_993 = vector.broadcast %add3A_992 : i32 to vector<16xi32>
        %add3A_994 = arith.addi %mul3A_977, %add3A_993 : vector<16xi32>
        %gather3A_995 = tpu.vector_load_idx %arg8[%add3A_994] : memref<7140xf32, #tpu.memory_space<vmem>>[vector<16xi32>], vector<16xf32>,
        %sub3A_996 = arith.subf %gather3A_982, %gather3A_991 : vector<16xf32>
        %select_n3A_997 = arith.select %gt3A_963, %broadcast_in_dim3A_33, %sub3A_996 : vector<16xi1>, vector<16xf32>
        %add3A_998 = arith.addf %add3A_940, %select_n3A_997 : vector<16xf32>
        %add3A_999 = arith.addf %gather3A_986, %gather3A_995 : vector<16xf32>
        %select_n3A_1000 = arith.select %gt3A_963, %broadcast_in_dim3A_33, %add3A_999 : vector<16xi1>, vector<16xf32>
        %add3A_1001 = arith.addf %add3A_943, %select_n3A_1000 : vector<16xf32>
        %select_n3A_1002 = arith.select %gt3A_963, %broadcast_in_dim3A_33, %gather3A_978 : vector<16xi1>, vector<16xf32>
        %mul3A_1003 = arith.mulf %select_n3A_1002, %get3A_28 : vector<16xf32>
        %select_n3A_1004 = arith.select %gt3A_963, %broadcast_in_dim3A_33, %gather3A_987 : vector<16xi1>, vector<16xf32>
        %mul3A_1005 = arith.mulf %select_n3A_1004, %get3A_32 : vector<16xf32>
        %add3A_1006 = arith.addf %mul3A_1003, %mul3A_1005 : vector<16xf32>
        %add3A_1007 = arith.constant 176 : i32
        %add3A_1008 = vector.broadcast %add3A_1007 : i32 to vector<16xi32>
        %add3A_1009 = arith.addi %add3A_313, %add3A_1008 : vector<16xi32>
        tpu.vector_store_idx %arg15[%add3A_1009], %add3A_1006 : memref<3600xf32, #tpu.memory_space<vmem>>[vector<16xi32>], vector<16xf32>,
        %add3A_1010 = arith.constant 192 : i32
        %add3A_1011 = vector.broadcast %add3A_1010 : i32 to vector<16xi32>
        %add3A_1012 = arith.addi %add3A_306, %add3A_1011 : vector<16xi32>
        %gather3A_1013 = tpu.vector_load_idx %arg13[%add3A_1012] : memref<7200xf32, #tpu.memory_space<vmem>>[vector<16xi32>], vector<16xf32>,
        %add3A_1014 = arith.constant 192 : i32
        %add3A_1015 = vector.broadcast %add3A_1014 : i32 to vector<16xi32>
        %add3A_1016 = arith.addi %add3A_309, %add3A_1015 : vector<16xi32>
        %gather3A_1017 = tpu.vector_load_idx %arg13[%add3A_1016] : memref<7200xf32, #tpu.memory_space<vmem>>[vector<16xi32>], vector<16xf32>,
        %add3A_1018 = arith.addf %gather3A_1013, %gather3A_1017 : vector<16xf32>
        %gt3A_1019 = arith.constant 0.000000e+00 : f32
        %gt3A_1020 = vector.broadcast %gt3A_1019 : f32 to vector<16xf32>
        %gt3A_1021 = arith.cmpf ogt, %add3A_1018, %gt3A_1020 : vector<16xf32>
        %add3A_1022 = arith.constant 192 : i32
        %add3A_1023 = vector.broadcast %add3A_1022 : i32 to vector<16xi32>
        %add3A_1024 = arith.addi %add3A_299, %add3A_1023 : vector<16xi32>
        %gather3A_1025 = tpu.vector_load_idx %arg11[%add3A_1024] : memref<7200xi32, #tpu.memory_space<vmem>>[vector<16xi32>], vector<16xi32>,
        %mul3A_1026 = arith.constant 3 : i32
        %mul3A_1027 = vector.broadcast %mul3A_1026 : i32 to vector<16xi32>
        %mul3A_1028 = arith.muli %gather3A_1025, %mul3A_1027 : vector<16xi32>
        %add3A_1029 = arith.constant 192 : i32
        %add3A_1030 = vector.broadcast %add3A_1029 : i32 to vector<16xi32>
        %add3A_1031 = arith.addi %add3A_302, %add3A_1030 : vector<16xi32>
        %gather3A_1032 = tpu.vector_load_idx %arg11[%add3A_1031] : memref<7200xi32, #tpu.memory_space<vmem>>[vector<16xi32>], vector<16xi32>,
        %mul3A_1033 = arith.constant 3 : i32
        %mul3A_1034 = vector.broadcast %mul3A_1033 : i32 to vector<16xi32>
        %mul3A_1035 = arith.muli %gather3A_1032, %mul3A_1034 : vector<16xi32>
        %gather3A_1036 = tpu.vector_load_idx %arg8[%mul3A_1028] : memref<7140xf32, #tpu.memory_space<vmem>>[vector<16xi32>], vector<16xf32>,
        %add3A_1037 = arith.constant 1 : i32
        %add3A_1038 = vector.broadcast %add3A_1037 : i32 to vector<16xi32>
        %add3A_1039 = arith.addi %mul3A_1028, %add3A_1038 : vector<16xi32>
        %gather3A_1040 = tpu.vector_load_idx %arg8[%add3A_1039] : memref<7140xf32, #tpu.memory_space<vmem>>[vector<16xi32>], vector<16xf32>,
        %add3A_1041 = arith.constant 2 : i32
        %add3A_1042 = vector.broadcast %add3A_1041 : i32 to vector<16xi32>
        %add3A_1043 = arith.addi %mul3A_1028, %add3A_1042 : vector<16xi32>
        %gather3A_1044 = tpu.vector_load_idx %arg8[%add3A_1043] : memref<7140xf32, #tpu.memory_space<vmem>>[vector<16xi32>], vector<16xf32>,
        %gather3A_1045 = tpu.vector_load_idx %arg8[%mul3A_1035] : memref<7140xf32, #tpu.memory_space<vmem>>[vector<16xi32>], vector<16xf32>,
        %add3A_1046 = arith.constant 1 : i32
        %add3A_1047 = vector.broadcast %add3A_1046 : i32 to vector<16xi32>
        %add3A_1048 = arith.addi %mul3A_1035, %add3A_1047 : vector<16xi32>
        %gather3A_1049 = tpu.vector_load_idx %arg8[%add3A_1048] : memref<7140xf32, #tpu.memory_space<vmem>>[vector<16xi32>], vector<16xf32>,
        %add3A_1050 = arith.constant 2 : i32
        %add3A_1051 = vector.broadcast %add3A_1050 : i32 to vector<16xi32>
        %add3A_1052 = arith.addi %mul3A_1035, %add3A_1051 : vector<16xi32>
        %gather3A_1053 = tpu.vector_load_idx %arg8[%add3A_1052] : memref<7140xf32, #tpu.memory_space<vmem>>[vector<16xi32>], vector<16xf32>,
        %sub3A_1054 = arith.subf %gather3A_1040, %gather3A_1049 : vector<16xf32>
        %select_n3A_1055 = arith.select %gt3A_1021, %broadcast_in_dim3A_33, %sub3A_1054 : vector<16xi1>, vector<16xf32>
        %add3A_1056 = arith.addf %add3A_998, %select_n3A_1055 : vector<16xf32>
        %add3A_1057 = arith.addf %gather3A_1044, %gather3A_1053 : vector<16xf32>
        %select_n3A_1058 = arith.select %gt3A_1021, %broadcast_in_dim3A_33, %add3A_1057 : vector<16xi1>, vector<16xf32>
        %add3A_1059 = arith.addf %add3A_1001, %select_n3A_1058 : vector<16xf32>
        %select_n3A_1060 = arith.select %gt3A_1021, %broadcast_in_dim3A_33, %gather3A_1036 : vector<16xi1>, vector<16xf32>
        %mul3A_1061 = arith.mulf %select_n3A_1060, %get3A_28 : vector<16xf32>
        %select_n3A_1062 = arith.select %gt3A_1021, %broadcast_in_dim3A_33, %gather3A_1045 : vector<16xi1>, vector<16xf32>
        %mul3A_1063 = arith.mulf %select_n3A_1062, %get3A_32 : vector<16xf32>
        %add3A_1064 = arith.addf %mul3A_1061, %mul3A_1063 : vector<16xf32>
        %add3A_1065 = arith.constant 192 : i32
        %add3A_1066 = vector.broadcast %add3A_1065 : i32 to vector<16xi32>
        %add3A_1067 = arith.addi %add3A_313, %add3A_1066 : vector<16xi32>
        tpu.vector_store_idx %arg15[%add3A_1067], %add3A_1064 : memref<3600xf32, #tpu.memory_space<vmem>>[vector<16xi32>], vector<16xf32>,
        %add3A_1068 = arith.constant 208 : i32
        %add3A_1069 = vector.broadcast %add3A_1068 : i32 to vector<16xi32>
        %add3A_1070 = arith.addi %add3A_306, %add3A_1069 : vector<16xi32>
        %gather3A_1071 = tpu.vector_load_idx %arg13[%add3A_1070] : memref<7200xf32, #tpu.memory_space<vmem>>[vector<16xi32>], vector<16xf32>,
        %add3A_1072 = arith.constant 208 : i32
        %add3A_1073 = vector.broadcast %add3A_1072 : i32 to vector<16xi32>
        %add3A_1074 = arith.addi %add3A_309, %add3A_1073 : vector<16xi32>
        %gather3A_1075 = tpu.vector_load_idx %arg13[%add3A_1074] : memref<7200xf32, #tpu.memory_space<vmem>>[vector<16xi32>], vector<16xf32>,
        %add3A_1076 = arith.addf %gather3A_1071, %gather3A_1075 : vector<16xf32>
        %gt3A_1077 = arith.constant 0.000000e+00 : f32
        %gt3A_1078 = vector.broadcast %gt3A_1077 : f32 to vector<16xf32>
        %gt3A_1079 = arith.cmpf ogt, %add3A_1076, %gt3A_1078 : vector<16xf32>
        %add3A_1080 = arith.constant 208 : i32
        %add3A_1081 = vector.broadcast %add3A_1080 : i32 to vector<16xi32>
        %add3A_1082 = arith.addi %add3A_299, %add3A_1081 : vector<16xi32>
        %gather3A_1083 = tpu.vector_load_idx %arg11[%add3A_1082] : memref<7200xi32, #tpu.memory_space<vmem>>[vector<16xi32>], vector<16xi32>,
        %mul3A_1084 = arith.constant 3 : i32
        %mul3A_1085 = vector.broadcast %mul3A_1084 : i32 to vector<16xi32>
        %mul3A_1086 = arith.muli %gather3A_1083, %mul3A_1085 : vector<16xi32>
        %add3A_1087 = arith.constant 208 : i32
        %add3A_1088 = vector.broadcast %add3A_1087 : i32 to vector<16xi32>
        %add3A_1089 = arith.addi %add3A_302, %add3A_1088 : vector<16xi32>
        %gather3A_1090 = tpu.vector_load_idx %arg11[%add3A_1089] : memref<7200xi32, #tpu.memory_space<vmem>>[vector<16xi32>], vector<16xi32>,
        %mul3A_1091 = arith.constant 3 : i32
        %mul3A_1092 = vector.broadcast %mul3A_1091 : i32 to vector<16xi32>
        %mul3A_1093 = arith.muli %gather3A_1090, %mul3A_1092 : vector<16xi32>
        %gather3A_1094 = tpu.vector_load_idx %arg8[%mul3A_1086] : memref<7140xf32, #tpu.memory_space<vmem>>[vector<16xi32>], vector<16xf32>,
        %add3A_1095 = arith.constant 1 : i32
        %add3A_1096 = vector.broadcast %add3A_1095 : i32 to vector<16xi32>
        %add3A_1097 = arith.addi %mul3A_1086, %add3A_1096 : vector<16xi32>
        %gather3A_1098 = tpu.vector_load_idx %arg8[%add3A_1097] : memref<7140xf32, #tpu.memory_space<vmem>>[vector<16xi32>], vector<16xf32>,
        %add3A_1099 = arith.constant 2 : i32
        %add3A_1100 = vector.broadcast %add3A_1099 : i32 to vector<16xi32>
        %add3A_1101 = arith.addi %mul3A_1086, %add3A_1100 : vector<16xi32>
        %gather3A_1102 = tpu.vector_load_idx %arg8[%add3A_1101] : memref<7140xf32, #tpu.memory_space<vmem>>[vector<16xi32>], vector<16xf32>,
        %gather3A_1103 = tpu.vector_load_idx %arg8[%mul3A_1093] : memref<7140xf32, #tpu.memory_space<vmem>>[vector<16xi32>], vector<16xf32>,
        %add3A_1104 = arith.constant 1 : i32
        %add3A_1105 = vector.broadcast %add3A_1104 : i32 to vector<16xi32>
        %add3A_1106 = arith.addi %mul3A_1093, %add3A_1105 : vector<16xi32>
        %gather3A_1107 = tpu.vector_load_idx %arg8[%add3A_1106] : memref<7140xf32, #tpu.memory_space<vmem>>[vector<16xi32>], vector<16xf32>,
        %add3A_1108 = arith.constant 2 : i32
        %add3A_1109 = vector.broadcast %add3A_1108 : i32 to vector<16xi32>
        %add3A_1110 = arith.addi %mul3A_1093, %add3A_1109 : vector<16xi32>
        %gather3A_1111 = tpu.vector_load_idx %arg8[%add3A_1110] : memref<7140xf32, #tpu.memory_space<vmem>>[vector<16xi32>], vector<16xf32>,
        %sub3A_1112 = arith.subf %gather3A_1098, %gather3A_1107 : vector<16xf32>
        %select_n3A_1113 = arith.select %gt3A_1079, %broadcast_in_dim3A_33, %sub3A_1112 : vector<16xi1>, vector<16xf32>
        %add3A_1114 = arith.addf %add3A_1056, %select_n3A_1113 : vector<16xf32>
        %add3A_1115 = arith.addf %gather3A_1102, %gather3A_1111 : vector<16xf32>
        %select_n3A_1116 = arith.select %gt3A_1079, %broadcast_in_dim3A_33, %add3A_1115 : vector<16xi1>, vector<16xf32>
        %add3A_1117 = arith.addf %add3A_1059, %select_n3A_1116 : vector<16xf32>
        %select_n3A_1118 = arith.select %gt3A_1079, %broadcast_in_dim3A_33, %gather3A_1094 : vector<16xi1>, vector<16xf32>
        %mul3A_1119 = arith.mulf %select_n3A_1118, %get3A_28 : vector<16xf32>
        %select_n3A_1120 = arith.select %gt3A_1079, %broadcast_in_dim3A_33, %gather3A_1103 : vector<16xi1>, vector<16xf32>
        %mul3A_1121 = arith.mulf %select_n3A_1120, %get3A_32 : vector<16xf32>
        %add3A_1122 = arith.addf %mul3A_1119, %mul3A_1121 : vector<16xf32>
        %add3A_1123 = arith.constant 208 : i32
        %add3A_1124 = vector.broadcast %add3A_1123 : i32 to vector<16xi32>
        %add3A_1125 = arith.addi %add3A_313, %add3A_1124 : vector<16xi32>
        tpu.vector_store_idx %arg15[%add3A_1125], %add3A_1122 : memref<3600xf32, #tpu.memory_space<vmem>>[vector<16xi32>], vector<16xf32>,
        %reduce_sum3A = arith.constant true
        %reduce_sum3A_1126 = vector.broadcast %reduce_sum3A : i1 to vector<16xi1>
        %reduce_sum3A_1127 = tpu.scan <sum>, %add3A_1114 masked %reduce_sum3A_1126 : vector<16xf32>, vector<16xi1> -> vector<16xf32>
        %reduce_sum3A_1128 = vector.extract %reduce_sum3A_1127[15] : f32 from vector<16xf32>
        %reduce_sum3A_1129 = arith.constant true
        %reduce_sum3A_1130 = vector.broadcast %reduce_sum3A_1129 : i1 to vector<16xi1>
        %reduce_sum3A_1131 = tpu.scan <sum>, %add3A_1117 masked %reduce_sum3A_1130 : vector<16xf32>, vector<16xi1> -> vector<16xf32>
        %reduce_sum3A_1132 = vector.extract %reduce_sum3A_1131[15] : f32 from vector<16xf32>
        %eq3A = vector.broadcast %scan3A_293 : i32 to vector<16xi32>
        %eq3A_1133 = arith.cmpi eq, %iota3A, %eq3A : vector<16xi32>
        %broadcast_in_dim3A_1134 = vector.broadcast %reduce_sum3A_1128 : f32 to vector<16xf32>
        %select_n3A_1135 = arith.select %eq3A_1133, %broadcast_in_dim3A_1134, %scan3A_294 : vector<16xi1>, vector<16xf32>
        %broadcast_in_dim3A_1136 = vector.broadcast %reduce_sum3A_1132 : f32 to vector<16xf32>
        %select_n3A_1137 = arith.select %eq3A_1133, %broadcast_in_dim3A_1136, %scan3A_295 : vector<16xi1>, vector<16xf32>
        scf.yield %select_n3A_1135, %select_n3A_1137 : vector<16xf32>, vector<16xf32>
      }
      %scan3A_196 = arith.constant 16 : i32
      %mul3A_197 = arith.constant 450 : i32
      %mul3A_198 = vector.broadcast %mul3A_197 : i32 to vector<16xi32>
      %mul3A_199 = arith.muli %iota3A, %mul3A_198 : vector<16xi32>
      %add3A_200 = arith.constant 224 : i32
      %add3A_201 = vector.broadcast %add3A_200 : i32 to vector<16xi32>
      %add3A_202 = arith.addi %mul3A_199, %add3A_201 : vector<16xi32>
      %add3A_203 = arith.constant 225 : i32
      %add3A_204 = vector.broadcast %add3A_203 : i32 to vector<16xi32>
      %add3A_205 = arith.addi %add3A_202, %add3A_204 : vector<16xi32>
      %mul3A_206 = arith.constant 450 : i32
      %mul3A_207 = vector.broadcast %mul3A_206 : i32 to vector<16xi32>
      %mul3A_208 = arith.muli %iota3A, %mul3A_207 : vector<16xi32>
      %add3A_209 = arith.constant 224 : i32
      %add3A_210 = vector.broadcast %add3A_209 : i32 to vector<16xi32>
      %add3A_211 = arith.addi %mul3A_208, %add3A_210 : vector<16xi32>
      %add3A_212 = arith.constant 225 : i32
      %add3A_213 = vector.broadcast %add3A_212 : i32 to vector<16xi32>
      %add3A_214 = arith.addi %add3A_211, %add3A_213 : vector<16xi32>
      %gather3A_215 = tpu.vector_load_idx %arg13[%add3A_211] : memref<7200xf32, #tpu.memory_space<vmem>>[vector<16xi32>], vector<16xf32>,
      %gather3A_216 = tpu.vector_load_idx %arg13[%add3A_214] : memref<7200xf32, #tpu.memory_space<vmem>>[vector<16xi32>], vector<16xf32>,
      %add3A_217 = arith.addf %gather3A_215, %gather3A_216 : vector<16xf32>
      %gt3A_218 = arith.constant 0.000000e+00 : f32
      %gt3A_219 = vector.broadcast %gt3A_218 : f32 to vector<16xf32>
      %gt3A_220 = arith.cmpf ogt, %add3A_217, %gt3A_219 : vector<16xf32>
      %gather3A_221 = tpu.vector_load_idx %arg11[%add3A_202] : memref<7200xi32, #tpu.memory_space<vmem>>[vector<16xi32>], vector<16xi32>,
      %mul3A_222 = arith.constant 3 : i32
      %mul3A_223 = vector.broadcast %mul3A_222 : i32 to vector<16xi32>
      %mul3A_224 = arith.muli %gather3A_221, %mul3A_223 : vector<16xi32>
      %gather3A_225 = tpu.vector_load_idx %arg11[%add3A_205] : memref<7200xi32, #tpu.memory_space<vmem>>[vector<16xi32>], vector<16xi32>,
      %mul3A_226 = arith.constant 3 : i32
      %mul3A_227 = vector.broadcast %mul3A_226 : i32 to vector<16xi32>
      %mul3A_228 = arith.muli %gather3A_225, %mul3A_227 : vector<16xi32>
      %gather3A_229 = tpu.vector_load_idx %arg8[%mul3A_224] : memref<7140xf32, #tpu.memory_space<vmem>>[vector<16xi32>], vector<16xf32>,
      %add3A_230 = arith.constant 1 : i32
      %add3A_231 = vector.broadcast %add3A_230 : i32 to vector<16xi32>
      %add3A_232 = arith.addi %mul3A_224, %add3A_231 : vector<16xi32>
      %gather3A_233 = tpu.vector_load_idx %arg8[%add3A_232] : memref<7140xf32, #tpu.memory_space<vmem>>[vector<16xi32>], vector<16xf32>,
      %add3A_234 = arith.constant 2 : i32
      %add3A_235 = vector.broadcast %add3A_234 : i32 to vector<16xi32>
      %add3A_236 = arith.addi %mul3A_224, %add3A_235 : vector<16xi32>
      %gather3A_237 = tpu.vector_load_idx %arg8[%add3A_236] : memref<7140xf32, #tpu.memory_space<vmem>>[vector<16xi32>], vector<16xf32>,
      %gather3A_238 = tpu.vector_load_idx %arg8[%mul3A_228] : memref<7140xf32, #tpu.memory_space<vmem>>[vector<16xi32>], vector<16xf32>,
      %add3A_239 = arith.constant 1 : i32
      %add3A_240 = vector.broadcast %add3A_239 : i32 to vector<16xi32>
      %add3A_241 = arith.addi %mul3A_228, %add3A_240 : vector<16xi32>
      %gather3A_242 = tpu.vector_load_idx %arg8[%add3A_241] : memref<7140xf32, #tpu.memory_space<vmem>>[vector<16xi32>], vector<16xf32>,
      %add3A_243 = arith.constant 2 : i32
      %add3A_244 = vector.broadcast %add3A_243 : i32 to vector<16xi32>
      %add3A_245 = arith.addi %mul3A_228, %add3A_244 : vector<16xi32>
      %gather3A_246 = tpu.vector_load_idx %arg8[%add3A_245] : memref<7140xf32, #tpu.memory_space<vmem>>[vector<16xi32>], vector<16xf32>,
      %sub3A_247 = arith.subf %gather3A_233, %gather3A_242 : vector<16xf32>
      %select_n3A_248 = arith.select %gt3A_220, %broadcast_in_dim3A_33, %sub3A_247 : vector<16xi1>, vector<16xf32>
      %add3A_249 = arith.addf %scan3A_195#0, %select_n3A_248 : vector<16xf32>
      %add3A_250 = arith.addf %gather3A_237, %gather3A_246 : vector<16xf32>
      %select_n3A_251 = arith.select %gt3A_220, %broadcast_in_dim3A_33, %add3A_250 : vector<16xi1>, vector<16xf32>
      %add3A_252 = arith.addf %scan3A_195#1, %select_n3A_251 : vector<16xf32>
      %select_n3A_253 = arith.select %gt3A_220, %broadcast_in_dim3A_33, %gather3A_229 : vector<16xi1>, vector<16xf32>
      %mul3A_254 = arith.mulf %select_n3A_253, %get3A_28 : vector<16xf32>
      %select_n3A_255 = arith.select %gt3A_220, %broadcast_in_dim3A_33, %gather3A_238 : vector<16xi1>, vector<16xf32>
      %mul3A_256 = arith.mulf %select_n3A_255, %get3A_32 : vector<16xf32>
      %add3A_257 = arith.addf %mul3A_254, %mul3A_256 : vector<16xf32>
      %mul3A_258 = arith.constant 225 : i32
      %mul3A_259 = vector.broadcast %mul3A_258 : i32 to vector<16xi32>
      %mul3A_260 = arith.muli %iota3A, %mul3A_259 : vector<16xi32>
      %add3A_261 = arith.constant 224 : i32
      %add3A_262 = vector.broadcast %add3A_261 : i32 to vector<16xi32>
      %add3A_263 = arith.addi %mul3A_260, %add3A_262 : vector<16xi32>
      tpu.vector_store_idx %arg15[%add3A_263], %add3A_257 : memref<3600xf32, #tpu.memory_space<vmem>>[vector<16xi32>], vector<16xf32>,
      %mul3A_264 = arith.constant 16 : i32
      %mul3A_265 = arith.muli %add3A_172, %mul3A_264 : i32
      %add3A_266 = vector.broadcast %mul3A_265 : i32 to vector<16xi32>
      %add3A_267 = arith.addi %add3A_266, %iota3A : vector<16xi32>
      %mul3A_268 = arith.constant 3 : i32
      %mul3A_269 = vector.broadcast %mul3A_268 : i32 to vector<16xi32>
      %mul3A_270 = arith.muli %add3A_267, %mul3A_269 : vector<16xi32>
      tpu.vector_store_idx %arg16[%mul3A_270], %add3A_249 : memref<384xf32, #tpu.memory_space<vmem>>[vector<16xi32>], vector<16xf32>,
      %add3A_271 = arith.constant 1 : i32
      %add3A_272 = vector.broadcast %add3A_271 : i32 to vector<16xi32>
      %add3A_273 = arith.addi %mul3A_270, %add3A_272 : vector<16xi32>
      %neg3A_274 = arith.constant 0.000000e+00 : f32
      %neg3A_275 = vector.broadcast %neg3A_274 : f32 to vector<16xf32>
      %neg3A_276 = arith.subf %neg3A_275, %add3A_249 : vector<16xf32>
      tpu.vector_store_idx %arg16[%add3A_273], %neg3A_276 : memref<384xf32, #tpu.memory_space<vmem>>[vector<16xi32>], vector<16xf32>,
      %add3A_277 = arith.constant 2 : i32
      %add3A_278 = vector.broadcast %add3A_277 : i32 to vector<16xi32>
      %add3A_279 = arith.addi %mul3A_270, %add3A_278 : vector<16xi32>
      tpu.vector_store_idx %arg16[%add3A_279], %add3A_252 : memref<384xf32, #tpu.memory_space<vmem>>[vector<16xi32>], vector<16xf32>,
      %lt3A_280 = arith.constant 3 : i32
      %lt3A_281 = arith.cmpi slt, %scan3A_53, %lt3A_280 : i32
      %convert_element_type3A_282 = arith.extui %lt3A_281 : i1 to i32
      %cond3A_283 = arith.constant 0 : i32
      %cond3A_284 = arith.cmpi ne, %convert_element_type3A_282, %cond3A_283 : i32
      scf.if %cond3A_284 {
        %add3A_293 = arith.constant 2 : i32
        %add3A_294 = arith.addi %add3A_172, %add3A_293 : i32
        %mul3A_295 = arith.constant 16 : i32
        %mul3A_296 = arith.muli %add3A_294, %mul3A_295 : i32
        %add3A_297 = arith.addi %mul3A_2, %mul3A_296 : i32
        %mul3A_298 = arith.constant 450 : i32
        %mul3A_299 = arith.muli %add3A_297, %mul3A_298 : i32
        %dma_start3A_300 = tpu.memref_slice %arg2[%mul3A_299] : memref<1843200xi32, #tpu.memory_space<hbm>> -> memref<7200xi32, #tpu.memory_space<hbm>>
        %dma_start3A_301 = tpu.memref_slice %arg2[%mul3A_299] : memref<1843200xi32, #tpu.memory_space<hbm>> -> memref<7200xi32, #tpu.memory_space<hbm>>
        tpu.enqueue_dma source(%dma_start3A_301 : memref<7200xi32, #tpu.memory_space<hbm>>) target(%arg11 : memref<7200xi32, #tpu.memory_space<vmem>>) target_semaphore(%arg18 : memref<!tpu.dma_semaphore, #tpu.memory_space<semaphore_mem>>)
        %mul3A_302 = arith.constant 2 : i32
        %mul3A_303 = arith.muli %add3A_297, %mul3A_302 : i32
        %mul3A_304 = arith.constant 225 : i32
        %mul3A_305 = arith.muli %mul3A_303, %mul3A_304 : i32
        %dma_start3A_306 = tpu.memref_slice %arg3[%mul3A_305] : memref<1843200xf32, #tpu.memory_space<hbm>> -> memref<7200xf32, #tpu.memory_space<hbm>>
        %dma_start3A_307 = tpu.memref_slice %arg3[%mul3A_305] : memref<1843200xf32, #tpu.memory_space<hbm>> -> memref<7200xf32, #tpu.memory_space<hbm>>
        tpu.enqueue_dma source(%dma_start3A_307 : memref<7200xf32, #tpu.memory_space<hbm>>) target(%arg13 : memref<7200xf32, #tpu.memory_space<vmem>>) target_semaphore(%arg20 : memref<!tpu.dma_semaphore, #tpu.memory_space<semaphore_mem>>)
      } else {
      }
      %mul3A_285 = arith.constant 16 : i32
      %mul3A_286 = arith.muli %add3A_172, %mul3A_285 : i32
      %add3A_287 = arith.addi %mul3A_2, %mul3A_286 : i32
      %mul3A_288 = arith.constant 225 : i32
      %mul3A_289 = arith.muli %add3A_287, %mul3A_288 : i32
      %dma_start3A_290 = tpu.memref_slice %arg7[%mul3A_289] : memref<921600xf32, #tpu.memory_space<hbm>> -> memref<3600xf32, #tpu.memory_space<hbm>>
      %dma_start3A_291 = tpu.memref_slice %arg7[%mul3A_289] : memref<921600xf32, #tpu.memory_space<hbm>> -> memref<3600xf32, #tpu.memory_space<hbm>>
      tpu.enqueue_dma source(%arg15 : memref<3600xf32, #tpu.memory_space<vmem>>) target(%dma_start3A_291 : memref<3600xf32, #tpu.memory_space<hbm>>) target_semaphore(%arg22 : memref<!tpu.dma_semaphore, #tpu.memory_space<semaphore_mem>>)
      %scan3A_292 = arith.constant 0 : i32
      scf.yield %scan3A_292 : i32
    }
    %scan3A_39 = arith.constant 4 : i32
    %add3A_40 = arith.constant 96 : i32
    %add3A_41 = arith.addi %mul3A_2, %add3A_40 : i32
    %mul3A_42 = arith.constant 225 : i32
    %mul3A_43 = arith.muli %add3A_41, %mul3A_42 : i32
    %dma_wait3A = tpu.memref_slice %arg7[%mul3A_43] : memref<921600xf32, #tpu.memory_space<hbm>> -> memref<3600xf32, #tpu.memory_space<hbm>>
    %dma_wait3A_44 = tpu.memref_slice %arg7[%mul3A_43] : memref<921600xf32, #tpu.memory_space<hbm>> -> memref<3600xf32, #tpu.memory_space<hbm>>
    tpu.wait_dma2 semaphore(%arg21 : memref<!tpu.dma_semaphore, #tpu.memory_space<semaphore_mem>>) src(%arg14 : memref<3600xf32, #tpu.memory_space<vmem>>) dst(%dma_wait3A_44 : memref<3600xf32, #tpu.memory_space<hbm>>)
    %add3A_45 = arith.constant 112 : i32
    %add3A_46 = arith.addi %mul3A_2, %add3A_45 : i32
    %mul3A_47 = arith.constant 225 : i32
    %mul3A_48 = arith.muli %add3A_46, %mul3A_47 : i32
    %dma_wait3A_49 = tpu.memref_slice %arg7[%mul3A_48] : memref<921600xf32, #tpu.memory_space<hbm>> -> memref<3600xf32, #tpu.memory_space<hbm>>
    %dma_wait3A_50 = tpu.memref_slice %arg7[%mul3A_48] : memref<921600xf32, #tpu.memory_space<hbm>> -> memref<3600xf32, #tpu.memory_space<hbm>>
    tpu.wait_dma2 semaphore(%arg22 : memref<!tpu.dma_semaphore, #tpu.memory_space<semaphore_mem>>) src(%arg15 : memref<3600xf32, #tpu.memory_space<vmem>>) dst(%dma_wait3A_50 : memref<3600xf32, #tpu.memory_space<hbm>>)
    %mul3A_51 = arith.constant 3 : i32
    %mul3A_52 = arith.muli %mul3A_2, %mul3A_51 : i32
    "tpu.region"() ({
      %run_scoped3A = tpu.sem_alloc : memref<!tpu.dma_semaphore, #tpu.memory_space<semaphore_mem>>
      %dma_start3A_53 = tpu.memref_slice %arg6[%mul3A_52] : memref<12288xf32, #tpu.memory_space<hbm>> -> memref<384xf32, #tpu.memory_space<hbm>>
      %dma_start3A_54 = tpu.memref_slice %arg6[%mul3A_52] : memref<12288xf32, #tpu.memory_space<hbm>> -> memref<384xf32, #tpu.memory_space<hbm>>
      tpu.enqueue_dma source(%arg16 : memref<384xf32, #tpu.memory_space<vmem>>) target(%dma_start3A_54 : memref<384xf32, #tpu.memory_space<hbm>>) target_semaphore(%run_scoped3A : memref<!tpu.dma_semaphore, #tpu.memory_space<semaphore_mem>>)
      %dma_wait3A_55 = tpu.memref_slice %arg6[%mul3A_52] : memref<12288xf32, #tpu.memory_space<hbm>> -> memref<384xf32, #tpu.memory_space<hbm>>
      %dma_wait3A_56 = tpu.memref_slice %arg6[%mul3A_52] : memref<12288xf32, #tpu.memory_space<hbm>> -> memref<384xf32, #tpu.memory_space<hbm>>
      tpu.wait_dma2 semaphore(%run_scoped3A : memref<!tpu.dma_semaphore, #tpu.memory_space<semaphore_mem>>) src(%arg16 : memref<384xf32, #tpu.memory_space<vmem>>) dst(%dma_wait3A_56 : memref<384xf32, #tpu.memory_space<hbm>>)
      tpu.yield
    }) : () -> ()
    return
  }
}

</mosaic_0001>

<sc_bundles>
// kernel: _run.3.cloned.1.call-start
scs
__scs_entry_jumppad:
0x0: {  	(pc) =	sbr.rel $0x88, $3  }
0x1: {  	(tag) =	ssettag $0x0;
	lr =	simm.s32 $0x1  }
0x2: {  	[smem:$0x3F9D] =	sst lr;
	_ =	strace $0xD0000000  }
0x3: {  	_ = 	snop  }
0x4: {  	_ = 	snop  }
0x5: {  	_ = 	snop  }
0x6: {  	_ = 	snop  }
0x7: {  	_ = 	snop  }
__scs_overlays_trampoline_lowered:
0x8: {  	[smem:$0x3FAC] =	sst s0  }
0x9: {  	[smem:$0x3FAD] =	sst s1  }
0xa: {  	[smem:$0x3FAE] =	sst s2  }
0xb: {  	[smem:$0x3FAF] =	sst s3  }
0xc: {  	[smem:$0x3FB0] =	sst s4  }
0xd: {  	[smem:$0x3FB1] =	sst s5  }
0xe: {  	[smem:$0x3FB2] =	sst s6  }
0xf: {  	[smem:$0x3FB3] =	sst s7  }
0x10: {  	[smem:$0x3FB4] =	sst s8  }
0x11: {  	[smem:$0x3FB5] =	sst s9;
	s0 =	simm.s32 @!p0 $0x0  }
0x12: {  	s1 =	sld [smem:$0x3F9B];
	s0 =	simm.s32 @p0 $0x1  }
0x13: {  	[smem:$0x3FB6] =	sst s0;
	s0 =	simm.s32 @!p1 $0x0  }
0x14: {  	s2 =	sld [smem:$0x3F9A];
	s0 =	simm.s32 @p1 $0x1  }
0x15: {  	[smem:$0x3FB7] =	sst s0;
	s0 =	simm.s32 @!p2 $0x0  }
0x16: {  	s3 =	sld [smem:$0x3FDB];
	s0 =	simm.s32 @p2 $0x1  }
0x17: {  	s4 =	simm.s32 $0x1BF5;
	[smem:$0x3FB9] =	sst s0  }
0x18: {  	s0 =	sld [smem:$0x3F9C];
	_ =	swait.ge [sflag:s4], $0x0  }
0x19: {  	s7 =	sld [smem:$0x3F9D]  }
0x1a: {  	s8 =	sadd.s32 $0xFFFFE003, lr  }
0x1b: {  	s9 =	sadd.s32 $0xFFFFFEF7, lr;
	s5 =	simm.s32 $0xFFFFFFFF;
	p2 =	slt.u32 s8, $0xFFFFF086  }
0x1c: {  	p1 =	slt.u32 s9, $0xF7A;
	s5 =	simm.s32 @!p2 $0x0  }
0x1d: {  	s5 =	simm.s32 @p1 $0x1;
	p0 =	seq.s32 s7, s2  }
0x1e: {  	s7 =	smul.u32 @!p0 $0xF7A, s2;
	p2 =	seq.s32 @!p0 s5, $0x0  }
0x1f: {  	s9 =	smul.u32 $0xF7A, s1;
	s8 =	simm.s32 @!p0 $0x1BF5;
	p2 =	por !p2, p0  }
0x20: {  	[sflag:s8] =	ssyncset.s32 @!p0 $0xFFFFF086;
	s6 =	sadd.s32 @!p0 s3, s7;
	s7 =	simm.s32 @!p0 $0x108  }
0x21: {  	s3 =	sadd.s32 s3, s9;
	s6 =	sadd.s32 @!p0 $0x88, s6;
	s7 =	simm.s32 @p2 $0x1082  }
0x22: {  	[simem:s7], [sflag:s8] =	dma.local @!p0 [hbm:s6], $0xF7A  }
0x23: {  	s9 =	sor.u32 $0xD0000000, s2;
	s6 =	simm.s32 $0x108;
	_ =	swait.ge @!p0 [sflag:s8], $0x0  }
0x24: {  	s3 =	sadd.s32 $0x88, s3;
	s6 =	simm.s32 @!p1 $0x1082;
	[sflag:s4] =	ssyncset.s32 $0xFFFFF086  }
0x25: {  	[simem:s6], [sflag:s4] =	dma.local [hbm:s3], $0xF7A  }
0x26: {  	[smem:$0x3F9D] =	sst s1;
	(tag) =	ssettag s2;
	_ =	strace s9  }
0x27: {  	s1 =	sld [smem:$0x3FAD]  }
0x28: {  	s2 =	sld [smem:$0x3FAE]  }
0x29: {  	s4 =	sld [smem:$0x3FB0]  }
0x2a: {  	p0 =	seq.s32 s5, $0x0;
	s5 =	sld [smem:$0x3FB1]  }
0x2b: {  	s6 =	sld [smem:$0x3FB2]  }
0x2c: {  	s7 =	sld [smem:$0x3FB3]  }
0x2d: {  	s3 =	simm.s32 $0x108;
	s8 =	sld [smem:$0x3FB4]  }
0x2e: {  	s3 =	simm.s32 @!p0 $0x1082;
	s9 =	sld [smem:$0x3FB5]  }
0x2f: {  	lr =	sadd.s32 s0, s3;
	s0 =	sld [smem:$0x3FAC]  }
0x30: {  	s3 =	sld [smem:$0x3FAF]  }
0x31: {  	[smem:$0x3FB8] =	sst s10  }
0x32: {  	s10 =	sld [smem:$0x3FB6];
	_ =	sdelay $0x3  }
0x33: {  	p0 =	seq.s32 s10, $0x1;
	s10 =	sld [smem:$0x3FB8];
	_ =	sdelay $0x3  }
0x34: {  	[smem:$0x3FB8] =	sst s10  }
0x35: {  	s10 =	sld [smem:$0x3FB7];
	_ =	sdelay $0x3  }
0x36: {  	p1 =	seq.s32 s10, $0x1;
	s10 =	sld [smem:$0x3FB8];
	_ =	sdelay $0x3  }
0x37: {  	[smem:$0x3FB8] =	sst s10  }
0x38: {  	s10 =	sld [smem:$0x3FB9]  }
0x39: {  	_ = 	snop;
	(pc) =	sbr.ind lr, $3  }
0x3a: {  	_ = 	snop  }
0x3b: {  	_ = 	snop  }
0x3c: {  	p2 =	seq.s32 s10, $0x1;
	s10 =	sld [smem:$0x3FB8]  }
0x3d: {  	_ =	shalt  }
0x3e: {  	_ =	shalt  }
0x3f: {  	_ =	shalt  }
0x40: {  	_ =	shalt  }
0x41: {  	_ =	shalt  }
0x42: {  	_ =	shalt  }
0x43: {  	_ =	shalt  }
0x44: {  	_ =	shalt  }
0x45: {  	_ =	shalt  }
0x46: {  	_ =	shalt  }
0x47: {  	_ =	shalt  }
0x48: {  	_ =	shalt  }
0x49: {  	_ =	shalt  }
0x4a: {  	_ =	shalt  }
0x4b: {  	_ =	shalt  }
0x4c: {  	_ =	shalt  }
0x4d: {  	_ =	shalt  }
0x4e: {  	_ =	shalt  }
0x4f: {  	_ =	shalt  }
0x50: {  	_ =	shalt  }
0x51: {  	_ =	shalt  }
0x52: {  	_ =	shalt  }
0x53: {  	_ =	shalt  }
0x54: {  	_ =	shalt  }
0x55: {  	_ =	shalt  }
0x56: {  	_ =	shalt  }
0x57: {  	_ =	shalt  }
0x58: {  	_ =	shalt  }
0x59: {  	_ =	shalt  }
0x5a: {  	_ =	shalt  }
0x5b: {  	_ =	shalt  }
0x5c: {  	_ =	shalt  }
0x5d: {  	_ =	shalt  }
0x5e: {  	_ =	shalt  }
0x5f: {  	_ =	shalt  }
0x60: {  	_ =	shalt  }
0x61: {  	_ =	shalt  }
0x62: {  	_ =	shalt  }
0x63: {  	_ =	shalt  }
0x64: {  	_ =	shalt  }
0x65: {  	_ =	shalt  }
0x66: {  	_ =	shalt  }
0x67: {  	_ =	shalt  }
0x68: {  	_ =	shalt  }
0x69: {  	_ =	shalt  }
0x6a: {  	_ =	shalt  }
0x6b: {  	_ =	shalt  }
0x6c: {  	_ =	shalt  }
0x6d: {  	_ =	shalt  }
0x6e: {  	_ =	shalt  }
0x6f: {  	_ =	shalt  }
0x70: {  	_ =	shalt  }
0x71: {  	_ =	shalt  }
0x72: {  	_ =	shalt  }
0x73: {  	_ =	shalt  }
0x74: {  	_ =	shalt  }
0x75: {  	_ =	shalt  }
0x76: {  	_ =	shalt  }
0x77: {  	_ =	shalt  }
0x78: {  	_ =	shalt  }
0x79: {  	_ =	shalt  }
0x7a: {  	_ =	shalt  }
0x7b: {  	_ =	shalt  }
0x7c: {  	_ =	shalt  }
0x7d: {  	_ =	shalt  }
0x7e: {  	_ =	shalt  }
0x7f: {  	_ =	shalt  }
0x80: {  	_ =	shalt  }
0x81: {  	_ =	shalt  }
0x82: {  	_ =	shalt  }
0x83: {  	_ =	shalt  }
0x84: {  	_ =	shalt  }
0x85: {  	_ =	shalt  }
0x86: {  	_ =	shalt  }
0x87: {  	_ =	shalt  }
.Lfunc_end0:
.L_simem_size_0:
called_computation_lowered:
.L_overlay_start_0:
0x88: {  	s2 =	sld [smem:$0x3FD9]  }
0x89: {  	s3 =	sld [smem:$0x3FFE];
	_ =	sdelay $0x1  }
0x8a: {  	s1 =	srdreg.scid  }
0x8b: {  	s0 =	sand.u32 $0x1, s1  }
0x8c: {  	s15 =	sshll.u32 s0, $0xA;
	s2 =	sadd.s32 s3, s2  }
0x8d: {  	s2 =	sadd.s32 s2, s15  }
0x8e: {  	[smem:$0x3FC4] =	sst s2  }
0x8f: {  	_ = 	snop  }
0x90: {  	s2 =	sld [smem:$0x3FC9]  }
0x91: {  	s16 =	sld [smem:$0x3FD0]  }
0x92: {  	s4 =	sld [smem:$0x3FC8]  }
0x93: {  	s5 =	sld [smem:$0x3FC7]  }
0x94: {  	s7 =	simm.s32 $0xA;
	s8 =	simm.s32 $0x10;
	s6 =	sld [smem:$0x3FC6]  }
0x95: {  	[smem:s8], [sflag:s7] =	dma.local [hbm:s16], $0x1  }
0x96: {  	_ =	swait.eq [sflag:s7], $0x1  }
0x97: {  	[sflag:s7] =	ssyncset.done $0x0  }
0x98: {  	s17 =	sld [smem:$0x10];
	[sflag:s7] =	ssyncadd.s32 $0xFFFFFFFF  }
0x99: {  	s18 =	sld [smem:$0x11];
	(tm) =	ssettm $0x1  }
0x9a: {  	s19 =	sld [smem:$0x3FFB];
	_ =	sdelay $0x3  }
0x9b: {  	_ =	strace s19  }
0x9c: {  	s8 =	sld [smem:$0x3FFC];
	_ =	sdelay $0x3  }
0x9d: {  	_ =	strace s8  }
0x9e: {  	s8 =	sld [smem:$0x3FFD];
	_ =	sdelay $0x3  }
0x9f: {  	_ =	strace s8  }
0xa0: {  	_ =	strace $0x8FFFFFFF  }
0xa1: {  	s20 =	sld [smem:$0x3FDB];
	_ =	sdelay $0x1  }
0xa2: {  	s9 =	simm.s32 $_scs_section_size  }
0xa3: {  	s10 =	simm.s32 $_size__tile_overlayer_lowered;
	s11 =	simm.s32 $_tile_overlayer_lowered  }
0xa4: {  	s23 =	simm.s32 $0x1BFF;
	s22 =	sshll.u32 s11, $0x1;
	s8 =	sadd.s32 s9, s20  }
0xa5: {  	s12 =	simm.s32 $0x0;
	s21 =	sshll.u32 s10, $0x1;
	s10 =	sadd.s32 s22, s8  }
0xa6: {  	[timem:s12], [sflag:s23] =	dma.local [hbm:s10], s21  }
0xa7: {  	_ =	swait.ge [sflag:s23], s21  }
0xa8: {  	s9 =	ssub.s32 $0x0, s21;
	[sflag:s23] =	ssyncset.done $0x0  }
0xa9: {  	[sflag:s23] =	ssyncadd.s32 s9;
	_ =	sdelay $0x1  }
0xaa: {  	s24 =	simm.s32 $0x1B8B  }
0xab: {  	_ =	swait.ge [sflag:s24], $0x1  }
0xac: {  	[sflag:s24] =	ssyncset.done $0x0  }
0xad: {  	s25 =	simm.s32 $0x1B8E;
	[sflag:s24] =	ssyncadd.s32 $0xFFFFFFFF  }
0xae: {  	s26 =	simm.s32 $execute0_lowered;
	[smem:$0x3FD2] =	sst s25  }
0xaf: {  	s9 =	sshll.u32 s26, $0x1;
	_ =	strace $0x80000046;
	[dreg:$0x1] =	wrdreg $0xFFFFFFFF  }
0xb0: {  	s28 =	simm.s32 $_size_execute0_lowered;
	s8 =	sadd.s32 s8, s9;
	[dreg:$0x0] =	wrdreg $0x0  }
0xb1: {  	s9 =	sshll.u32 s28, $0x1;
	[dreg:$0x2] =	wrdreg s8  }
0xb2: {  	[dreg:$0x3] =	wrdreg s9  }
0xb3: {  	[dreg:$0x4] =	wrdreg $0xC0  }
0xb4: {  	_ =	task [dreg:s12], $0x5FFFF  }
0xb5: {  	[dreg:$0x1] =	wrdreg $0xFFFFFFFF  }
0xb6: {  	[dreg:$0x0] =	wrdreg $0x60  }
0xb7: {  	[dreg:$0x2] =	wrdreg s2  }
0xb8: {  	[dreg:$0x3] =	wrdreg s4  }
0xb9: {  	[dreg:$0x4] =	wrdreg s5  }
0xba: {  	[dreg:$0x5] =	wrdreg s6  }
0xbb: {  	[dreg:$0x6] =	wrdreg s17  }
0xbc: {  	[dreg:$0x7] =	wrdreg s18  }
0xbd: {  	[dreg:$0x8] =	wrdreg $0x9  }
0xbe: {  	_ =	task.clear_ibuf [dreg:s12], $0x9FFFF;
	_ =	strace $0x90000046  }
0xbf: {  	s29 =	simm.s32 $0x9;
	_ =	strace $0x80000048  }
0xc0: {  	_ =	swait.ge [sflag:s29], $0x1  }
0xc1: {  	[sflag:s29] =	ssyncadd.s32 $0xFFFFFFFF  }
0xc2: {  	_ =	strace $0x90000048  }
0xc3: {  	_ =	sfence  }
0xc4: {  	s30 =	sld [smem:$0x0];
	_ =	sdelay $0x2  }
0xc5: {  	s31 =	sshll.u32 s1, $0xD;
	s1 =	sshrl.u32 s1, $0x2  }
0xc6: {  	s3 =	sand.u32 $0x4000, s31;
	s1 =	sadd.s32 s1, s30  }
0xc7: {  	s0 =	sor.u32 s3, s0;
	s1 =	sshll.u32 s1, $0x11  }
0xc8: {  	s0 =	sor.u32 s1, s0  }
0xc9: {  	s0 =	sadd.s32 $0x8F2B, s0  }
0xca: {  	[sflag:s0] =	ssyncadd.remote.s32 $0x1  }
0xcb: {  	_ =	sfence.sel $0xFFFF  }
0xcc: {  	[dreg:$0x0] =	wrdreg $0xFFFFFFFF;
	(pc) =	sbr.abs _section_cstart, $3  }
0xcd: {  	[dreg:$0x1] =	wrdreg $0xFFFFFFFF  }
0xce: {  	_ =	task.clear_ibuf [dreg:s12], $0x2FFFF;
	_ =	strace $0x9FFFFFFF  }
0xcf: {  	(tm) =	ssettm $0x7FFFFFFF  }
tec
execute0_lowered:
.L_overlay_start_1:
0x0: {  	(tag) =	ssettag $0x1  }
0x1: {  	s0 =	rddreg [dreg:$0x0]  }
0x2: {  	s1 =	rddreg [dreg:$0x1]  }
0x3: {  	s2 =	rddreg [dreg:$0x4];
	s7 =	simm.s32 $0x0;
	v9 =	vlaneseq.u32  }
0x4: {  	[smem:$0x7FF] =	sst s7;
	v0 =	vadd.s32 $0x151, v9  }
0x5: {  	s6 =	rddreg [dreg:$0x5];
	v59 =	vor.u32 $0xB0, v9;
	_ =	strace $0x80000047;
	[tilespmem:$0x1FEC0] =	vst v0  }
0x6: {  	v61 =	vadd.s32 $0x191, v9;
	[tilespmem:$0x1FED0] =	vst v59  }
0x7: {  	v63 =	vadd.s32 $0x1A1, v9;
	[tilespmem:$0x1FEE0] =	vst v61  }
0x8: {  	v15 =	vadd.s32 $0xF1, v9;
	[tilespmem:$0x1FEF0] =	vst v63  }
0x9: {  	v17 =	vor.u32 $0x20, v9;
	[tilespmem:$0x1FF00] =	vst v15  }
0xa: {  	v58 =	vor.u32 $0x50, v9;
	[tilespmem:$0x1FF10] =	vst v17  }
0xb: {  	s3 =	srdreg.scid;
	s4 =	stileid.u32;
	v56 =	vadd.s32 $0x131, v9;
	[tilespmem:$0x1FF20] =	vst v58  }
0xc: {  	s17 =	simm.s32 $0x1D00;
	s18 =	simm.s32 $0x5600;
	s19 =	simm.s32 $0x3980;
	v62 =	vor.u32 $0x60, v9;
	[tilespmem:$0x1FF30] =	vst v56  }
0xd: {  	s20 =	simm.s32 $0x7280;
	s21 =	simm.s32 $0x7;
	s23 =	simm.s32 $0x1;
	v60 =	vadd.s32 $0x141, v9;
	[tilespmem:$0x1FF40] =	vst v62  }
0xe: {  	s24 =	simm.s32 $0x3;
	s3 =	sand.u32 $0x1, s3;
	s4 =	sshll.u32 s4, $0x1;
	v19 =	vadd.s32 $0x101, v9;
	[tilespmem:$0x1FF50] =	vst v60  }
0xf: {  	s25 =	simm.s32 $0x8F00;
	s28 =	simm.s32 $0x2;
	v21 =	vor.u32 $0x30, v9;
	s4 =	sor.u32 s3, s4;
	[tilespmem:$0x1FF60] =	vst v19  }
0x10: {  	s29 =	simm.s32 $0x4;
	v23 =	vadd.s32 $0x111, v9;
	s3 =	ssub.s32 $0x2, s3;
	[tilespmem:$0x1FF70] =	vst v21;
	s5 =	smul.u32 $0xE100, s4  }
0x11: {  	s30 =	simm.s32 $0x9D80;
	v25 =	vor.u32 $0x40, v9;
	[tilespmem:$0x1FF80] =	vst v23;
	s8 =	sshrl.u32 s3, $0x1;
	s9 =	smul.u32 $0x1C20, s4  }
0x12: {  	s31 =	simm.s32 $0x5;
	v27 =	vadd.s32 $0x121, v9;
	[tilespmem:$0x1FF90] =	vst v25;
	s3 =	ssub.s32 s3, s8;
	s8 =	sshll.u32 s4, $0x7  }
0x13: {  	v10 =	vadd.s32 $0xE1, v9;
	[tilespmem:$0x1FFA0] =	vst v27;
	s4 =	smul.u32 $0x30, s4;
	s5 =	sshrl.u32 s5, $0x3;
	s10 =	sadd.s32 s0, s9  }
0x14: {  	v12 =	vor.u32 $0x10, v9;
	[tilespmem:$0x1FFB0] =	vst v10;
	s9 =	sadd.s32 s1, s9;
	s13 =	sor.u32 $0x20, s8;
	s14 =	sor.u32 $0x30, s8  }
0x15: {  	v46 =	vor.u32 $0xC0, v9;
	[tilespmem:$0x1FFC0] =	vst v12;
	s16 =	smax.u32 s3, $0x1;
	[dreg:$0x7] =	wrdreg s10;
	s5 =	sadd.s32 $0x384, s5  }
0x16: {  	v8 =	vor.u32 $0x70, v9;
	v24 =	vor.u32 $0x80, v9;
	v49 =	vadd.s32 $0x1B1, v9;
	[tilespmem:$0x1FFD0] =	vst v46;
	[dreg:$0x8] =	wrdreg s9;
	s15 =	sadd.s32 s2, s4;
	s26 =	sadd.s32 s0, s5  }
0x17: {  	v26 =	vadd.s32 $0x161, v9;
	v18 =	vor.u32 $0x90, v9;
	v20 =	vadd.s32 $0x171, v9;
	[tilespmem:$0x1FFE0] =	vst v49;
	s2 =	simm.s32 $0x0;
	s5 =	sadd.s32 s1, s5;
	[dreg:$0x9] =	wrdreg s26  }
0x18: {  	v14 =	vor.u32 $0xA0, v9;
	v16 =	vadd.s32 $0x181, v9;
	v22 =	vor.u32 $0xD0, v9;
	[tilespmem:$0x1FFF0] =	vst v8;
	[dreg:$0xa] =	wrdreg s5;
	s26 =	simm.s32 $0xAC00;
	s5 =	simm.s32 $0x6  }
.LBB2_1:
0x19: {  	s3 =	rddreg [dreg:$0x7]  }
0x1a: {  	[tilespmem:s17], [sflag:$0x1] =	stream.linear.gather [hbm4b:s3+s7], $0x1C20, $0x38;
	[tilespmem:$0xAD80] =	vst v63  }
0x1b: {  	s9 =	rddreg [dreg:$0x8]  }
0x1c: {  	[tilespmem:s18], [sflag:$0x3] =	stream.linear.gather [hbm4b:s9+s7], $0x1C20, $0x38;
	[tilespmem:$0xAD80] =	vst v63  }
0x1d: {  	s10 =	rddreg [dreg:$0x9]  }
0x1e: {  	[tilespmem:s19], [sflag:$0x2] =	stream.linear.gather [hbm4b:s10+s7], $0x1C20, $0x38;
	[tilespmem:$0xAD80] =	vst v63  }
0x1f: {  	s11 =	rddreg [dreg:$0xa]  }
0x20: {  	[tilespmem:s20], [sflag:$0x4] =	stream.linear.gather [hbm4b:s11+s7], $0x1C20, $0x38;
	[tilespmem:$0xAD80] =	vst v63  }
0x21: {  	s12 =	rddreg [dreg:$0x2]  }
0x22: {  	[tilespmem:s7], [sflag:$0x7] =	stream.linear.gather [hbm4b:s12+s7], $0x1C00, $0x38;
	[tilespmem:$0xAD80] =	vst v63  }
0x23: {  	_ =	swait.ge [sflag:s21], $0x1C00  }
0x24: {  	[sflag:s21] =	ssyncset.done $0x0  }
0x25: {  	[sflag:s21] =	ssyncadd.s32 $0xFFFFE400  }
0x26: {  	s4 =	simm.s32 $0x1C00;
	s22 =	rddreg [dreg:$0x3]  }
0x27: {  	[tilespmem:s4], [sflag:$0x7] =	stream.linear.gather [hbm4b:s22+s7], $0x100, $0x38;
	[tilespmem:$0xAD80] =	vst v63  }
0x28: {  	_ =	swait.ge [sflag:s21], $0x100  }
0x29: {  	[sflag:s21] =	ssyncset.done $0x0  }
0x2a: {  	[sflag:s21] =	ssyncadd.s32 $0xFFFFFF00  }
0x2b: {  	v28 =	vld [tilespmem:$0x1C00]  }
0x2c: {  	s3 =	simm.s32 $0x0;
	v29 =	vld [tilespmem:$0x1C80]  }
.LBB2_2:
0x2d: {  	_ =	swait.ge [sflag:s23], $0x1C20  }
0x2e: {  	[sflag:s23] =	ssyncset.done $0x0  }
0x2f: {  	[sflag:s23] =	ssyncadd.s32 $0xFFFFE3E0  }
0x30: {  	_ =	swait.ge [sflag:s24], $0x1C20  }
0x31: {  	p1 =	seq.s32 s3, $0x0;
	[sflag:s24] =	ssyncset.done $0x0  }
0x32: {  	s9 =	simm.s32 @!p1 $0x5;
	[sflag:s24] =	ssyncadd.s32 $0xFFFFE3E0  }
0x33: {  	s4 =	sshll.u32 s3, $0x5;
	_ =	swait.ge @!p1 [sflag:s9], $0xE10  }
0x34: {  	s10 =	simm.s32 $0x0;
	s11 =	simm.s32 $0x0;
	[sflag:s9] =	ssyncset.done @!p1 $0x0  }
0x35: {  	v40 =	vimm.f32 $0.0e+00;
	v35 =	vimm.f32 $0.0e+00;
	s22 =	sadd.s32 s8, s4;
	[sflag:s9] =	ssyncadd.s32 @!p1 $0xFFFFF1F0;
	s9 =	simm.s32 $0x0  }
.LBB2_3:
0x36: {  	v1 =	vadd.s32 s9, v9  }
0x37: {  	v3 =	vadd.s32 s9, v10;
	_ =	sdelay $0x3  }
0x38: {  	v5 =	vld.idx.msk [tilespmem:v1+s17+$0x0], $0xffff  }
0x39: {  	v7 =	vld.idx.msk [tilespmem:v3+s17+$0x0], $0xffff;
	_ =	sdelay $0x3  }
0x3a: {  	v5 =	vmul.u32 $0x3, v5  }
0x3b: {  	v7 =	vmul.u32 $0x3, v7;
	_ =	sdelay $0x1  }
0x3c: {  	v1 =	vld.idx.msk [tilespmem:v1+s18+$0x0], $0xffff  }
0x3d: {  	v3 =	vld.idx.msk [tilespmem:v3+s18+$0x0], $0xffff;
	_ =	sdelay $0x1  }
0x3e: {  	v9 =	vld.idx.msk [tilespmem:v5+s7+$0x0], $0xffff  }
0x3f: {  	v11 =	vld.idx.msk [tilespmem:v7+s7+$0x0], $0xffff  }
0x40: {  	v13 =	vadd.s32 $0x1, v5  }
0x41: {  	v1 =	vadd.f32 v3, v1  }
0x42: {  	v0 =	vlaneseq.u32;
	v32 =	vadd.s32 $0x2, v5  }
0x43: {  	v33 =	vadd.s32 $0x1, v7;
	vm0 =	vgt.f32 v1, $0.0e+00;
	v34 =	vadd.s32 $0x2, v7  }
0x44: {  	v7 =	vadd.s32 s10, v0;
	v9 =	vsel vm0, $0x0, v9;
	v11 =	vsel vm0, $0x0, v11  }
0x45: {  	v36 =	vld.idx.msk [tilespmem:v13+s7+$0x0], $0xffff;
	v13 =	vadd.s32 s9, v12;
	v9 =	vmul.f32 v9, v28;
	v11 =	vmul.f32 v11, v29  }
0x46: {  	v38 =	vadd.s32 s9, v15  }
0x47: {  	v37 =	vld.idx.msk [tilespmem:v32+s7+$0x0], $0xffff;
	v39 =	vadd.f32 v11, v9  }
0x48: {  	v31 =	vld.idx.msk [tilespmem:v33+s7+$0x0], $0xffff  }
0x49: {  	v30 =	vld.idx.msk [tilespmem:v34+s7+$0x0], $0xffff;
	[tilespmem:v7+s25+$0x0] =	vst.idx.msk $0xffff, v39  }
0x4a: {  	v41 =	vld.idx.msk [tilespmem:v13+s17+$0x0], $0xffff  }
0x4b: {  	v5 =	vld.idx.msk [tilespmem:v38+s17+$0x0], $0xffff;
	_ =	sdelay $0x3  }
0x4c: {  	v1 =	vmul.u32 $0x3, v41  }
0x4d: {  	v5 =	vmul.u32 $0x3, v5;
	_ =	sdelay $0x1  }
0x4e: {  	v7 =	vld.idx.msk [tilespmem:v13+s18+$0x0], $0xffff  }
0x4f: {  	v3 =	vld.idx.msk [tilespmem:v38+s18+$0x0], $0xffff;
	_ =	sdelay $0x1  }
0x50: {  	v9 =	vld.idx.msk [tilespmem:v1+s7+$0x0], $0xffff  }
0x51: {  	v11 =	vld.idx.msk [tilespmem:v5+s7+$0x0], $0xffff  }
0x52: {  	v13 =	vadd.s32 $0x1, v1  }
0x53: {  	v3 =	vadd.f32 v3, v7  }
0x54: {  	v7 =	vadd.s32 $0x1, v5  }
0x55: {  	vm1 =	vgt.f32 v3, $0.0e+00;
	v42 =	vadd.s32 $0x2, v5;
	v1 =	vadd.s32 $0x2, v1  }
0x56: {  	v43 =	vsel vm1, $0x0, v9;
	v9 =	vsel vm1, $0x0, v11;
	v11 =	vadd.s32 s10, v12  }
0x57: {  	v34 =	vld.idx.msk [tilespmem:v13+s7+$0x0], $0xffff;
	v13 =	vadd.s32 s9, v17;
	v5 =	vmul.f32 v43, v28;
	v9 =	vmul.f32 v9, v29  }
0x58: {  	v44 =	vadd.s32 s9, v19  }
0x59: {  	v39 =	vld.idx.msk [tilespmem:v7+s7+$0x0], $0xffff;
	v5 =	vadd.f32 v9, v5  }
0x5a: {  	[tilespmem:$0x1FEB0] =	vst v37;
	v32 =	vld.idx.msk [tilespmem:v42+s7+$0x0], $0xffff  }
0x5b: {  	v37 =	vld.idx.msk [tilespmem:v1+s7+$0x0], $0xffff;
	[tilespmem:v11+s25+$0x0] =	vst.idx.msk $0xffff, v5  }
0x5c: {  	v45 =	vld.idx.msk [tilespmem:v13+s17+$0x0], $0xffff  }
0x5d: {  	v5 =	vld.idx.msk [tilespmem:v44+s17+$0x0], $0xffff;
	_ =	sdelay $0x3  }
0x5e: {  	v3 =	vmul.u32 $0x3, v45  }
0x5f: {  	v5 =	vmul.u32 $0x3, v5;
	_ =	sdelay $0x1  }
0x60: {  	v7 =	vld.idx.msk [tilespmem:v13+s18+$0x0], $0xffff  }
0x61: {  	v1 =	vld.idx.msk [tilespmem:v44+s18+$0x0], $0xffff;
	_ =	sdelay $0x1  }
0x62: {  	v9 =	vld.idx.msk [tilespmem:v3+s7+$0x0], $0xffff  }
0x63: {  	v11 =	vld.idx.msk [tilespmem:v5+s7+$0x0], $0xffff  }
0x64: {  	v13 =	vadd.s32 $0x1, v3  }
0x65: {  	v1 =	vadd.f32 v1, v7  }
0x66: {  	v7 =	vadd.s32 $0x1, v5  }
0x67: {  	vm2 =	vgt.f32 v1, $0.0e+00;
	v46 =	vadd.s32 $0x2, v5;
	v3 =	vadd.s32 $0x2, v3  }
0x68: {  	v47 =	vsel vm2, $0x0, v9;
	v9 =	vsel vm2, $0x0, v11;
	v11 =	vadd.s32 s10, v17  }
0x69: {  	v33 =	vld.idx.msk [tilespmem:v13+s7+$0x0], $0xffff;
	v13 =	vadd.s32 s9, v21;
	v5 =	vmul.f32 v47, v28;
	v9 =	vmul.f32 v9, v29  }
0x6a: {  	v48 =	vadd.s32 s9, v23  }
0x6b: {  	v42 =	vld.idx.msk [tilespmem:v7+s7+$0x0], $0xffff;
	v5 =	vadd.f32 v9, v5  }
0x6c: {  	v43 =	vld.idx.msk [tilespmem:v46+s7+$0x0], $0xffff  }
0x6d: {  	v41 =	vld.idx.msk [tilespmem:v3+s7+$0x0], $0xffff;
	[tilespmem:v11+s25+$0x0] =	vst.idx.msk $0xffff, v5  }
0x6e: {  	v49 =	vld.idx.msk [tilespmem:v13+s17+$0x0], $0xffff  }
0x6f: {  	v5 =	vld.idx.msk [tilespmem:v48+s17+$0x0], $0xffff;
	_ =	sdelay $0x3  }
0x70: {  	v1 =	vmul.u32 $0x3, v49  }
0x71: {  	v5 =	vmul.u32 $0x3, v5;
	_ =	sdelay $0x1  }
0x72: {  	v7 =	vld.idx.msk [tilespmem:v13+s18+$0x0], $0xffff  }
0x73: {  	v3 =	vld.idx.msk [tilespmem:v48+s18+$0x0], $0xffff;
	_ =	sdelay $0x1  }
0x74: {  	v9 =	vld.idx.msk [tilespmem:v1+s7+$0x0], $0xffff  }
0x75: {  	v11 =	vld.idx.msk [tilespmem:v5+s7+$0x0], $0xffff  }
0x76: {  	v13 =	vadd.s32 $0x1, v1  }
0x77: {  	v3 =	vadd.f32 v3, v7  }
0x78: {  	v7 =	vadd.s32 $0x1, v5  }
0x79: {  	vm3 =	vgt.f32 v3, $0.0e+00;
	v50 =	vadd.s32 $0x2, v5;
	v1 =	vadd.s32 $0x2, v1  }
0x7a: {  	v51 =	vsel vm3, $0x0, v9;
	v9 =	vsel vm3, $0x0, v11;
	v11 =	vadd.s32 s10, v21  }
0x7b: {  	v46 =	vld.idx.msk [tilespmem:v13+s7+$0x0], $0xffff;
	v13 =	vadd.s32 s9, v25;
	v5 =	vmul.f32 v51, v28;
	v9 =	vmul.f32 v9, v29  }
0x7c: {  	v52 =	vadd.s32 s9, v27  }
0x7d: {  	v38 =	vld.idx.msk [tilespmem:v7+s7+$0x0], $0xffff;
	v5 =	vadd.f32 v9, v5  }
0x7e: {  	v45 =	vld.idx.msk [tilespmem:v50+s7+$0x0], $0xffff  }
0x7f: {  	v44 =	vld.idx.msk [tilespmem:v1+s7+$0x0], $0xffff;
	[tilespmem:v11+s25+$0x0] =	vst.idx.msk $0xffff, v5  }
0x80: {  	v53 =	vld.idx.msk [tilespmem:v13+s17+$0x0], $0xffff  }
0x81: {  	v5 =	vld.idx.msk [tilespmem:v52+s17+$0x0], $0xffff;
	_ =	sdelay $0x3  }
0x82: {  	v3 =	vmul.u32 $0x3, v53  }
0x83: {  	v5 =	vmul.u32 $0x3, v5;
	_ =	sdelay $0x1  }
0x84: {  	v7 =	vld.idx.msk [tilespmem:v13+s18+$0x0], $0xffff  }
0x85: {  	v1 =	vld.idx.msk [tilespmem:v52+s18+$0x0], $0xffff;
	_ =	sdelay $0x1  }
0x86: {  	v9 =	vld.idx.msk [tilespmem:v3+s7+$0x0], $0xffff  }
0x87: {  	v11 =	vld.idx.msk [tilespmem:v5+s7+$0x0], $0xffff  }
0x88: {  	v13 =	vadd.s32 $0x1, v3  }
0x89: {  	v1 =	vadd.f32 v1, v7  }
0x8a: {  	v7 =	vadd.s32 $0x1, v5  }
0x8b: {  	vm4 =	vgt.f32 v1, $0.0e+00;
	v54 =	vadd.s32 $0x2, v5;
	v3 =	vadd.s32 $0x2, v3  }
0x8c: {  	v55 =	vsel vm4, $0x0, v9;
	v9 =	vsel vm4, $0x0, v11;
	v11 =	vadd.s32 s10, v25  }
0x8d: {  	v49 =	vld.idx.msk [tilespmem:v13+s7+$0x0], $0xffff;
	v13 =	vadd.s32 s9, v58;
	v5 =	vmul.f32 v55, v28;
	v9 =	vmul.f32 v9, v29  }
0x8e: {  	v56 =	vadd.s32 s9, v56  }
0x8f: {  	v51 =	vld.idx.msk [tilespmem:v7+s7+$0x0], $0xffff;
	v5 =	vadd.f32 v9, v5  }
0x90: {  	v50 =	vld.idx.msk [tilespmem:v54+s7+$0x0], $0xffff  }
0x91: {  	v48 =	vld.idx.msk [tilespmem:v3+s7+$0x0], $0xffff;
	[tilespmem:v11+s25+$0x0] =	vst.idx.msk $0xffff, v5  }
0x92: {  	v57 =	vld.idx.msk [tilespmem:v13+s17+$0x0], $0xffff  }
0x93: {  	v5 =	vld.idx.msk [tilespmem:v56+s17+$0x0], $0xffff;
	_ =	sdelay $0x3  }
0x94: {  	v1 =	vmul.u32 $0x3, v57  }
0x95: {  	v5 =	vmul.u32 $0x3, v5;
	_ =	sdelay $0x1  }
0x96: {  	v7 =	vld.idx.msk [tilespmem:v13+s18+$0x0], $0xffff  }
0x97: {  	v3 =	vld.idx.msk [tilespmem:v56+s18+$0x0], $0xffff;
	_ =	sdelay $0x1  }
0x98: {  	v9 =	vld.idx.msk [tilespmem:v1+s7+$0x0], $0xffff  }
0x99: {  	v11 =	vld.idx.msk [tilespmem:v5+s7+$0x0], $0xffff  }
0x9a: {  	v13 =	vadd.s32 $0x1, v1  }
0x9b: {  	v3 =	vadd.f32 v3, v7  }
0x9c: {  	v7 =	vadd.s32 $0x1, v5  }
0x9d: {  	vm5 =	vgt.f32 v3, $0.0e+00;
	v59 =	vadd.s32 $0x2, v5;
	v1 =	vadd.s32 $0x2, v1  }
0x9e: {  	v61 =	vsel vm5, $0x0, v9;
	v9 =	vsel vm5, $0x0, v11;
	v11 =	vadd.s32 s10, v58  }
0x9f: {  	v52 =	vld.idx.msk [tilespmem:v13+s7+$0x0], $0xffff;
	v13 =	vadd.s32 s9, v62;
	v5 =	vmul.f32 v61, v28;
	v9 =	vmul.f32 v9, v29  }
0xa0: {  	v63 =	vadd.s32 s9, v60  }
0xa1: {  	v55 =	vld.idx.msk [tilespmem:v7+s7+$0x0], $0xffff;
	v5 =	vadd.f32 v9, v5  }
0xa2: {  	v54 =	vld.idx.msk [tilespmem:v59+s7+$0x0], $0xffff  }
0xa3: {  	v53 =	vld.idx.msk [tilespmem:v1+s7+$0x0], $0xffff;
	[tilespmem:v11+s25+$0x0] =	vst.idx.msk $0xffff, v5  }
0xa4: {  	[tilespmem:$0x1FEA0] =	vst v36;
	v36 =	vld.idx.msk [tilespmem:v13+s17+$0x0], $0xffff  }
0xa5: {  	v5 =	vld.idx.msk [tilespmem:v63+s17+$0x0], $0xffff;
	_ =	sdelay $0x3  }
0xa6: {  	v3 =	vmul.u32 $0x3, v36  }
0xa7: {  	v5 =	vmul.u32 $0x3, v5;
	_ =	sdelay $0x1  }
0xa8: {  	v7 =	vld.idx.msk [tilespmem:v13+s18+$0x0], $0xffff  }
0xa9: {  	v1 =	vld.idx.msk [tilespmem:v63+s18+$0x0], $0xffff;
	_ =	sdelay $0x1  }
0xaa: {  	v9 =	vld.idx.msk [tilespmem:v3+s7+$0x0], $0xffff  }
0xab: {  	v11 =	vld.idx.msk [tilespmem:v5+s7+$0x0], $0xffff  }
0xac: {  	v13 =	vadd.s32 $0x1, v3  }
0xad: {  	v61 =	vld [tilespmem:$0x1FEC0];
	v1 =	vadd.f32 v1, v7  }
0xae: {  	v7 =	vadd.s32 $0x1, v5  }
0xaf: {  	vm6 =	vgt.f32 v1, $0.0e+00;
	v47 =	vadd.s32 $0x2, v5;
	v3 =	vadd.s32 $0x2, v3  }
0xb0: {  	v60 =	vsel vm6, $0x0, v9;
	v9 =	vsel vm6, $0x0, v11;
	v11 =	vadd.s32 s10, v62  }
0xb1: {  	v56 =	vld.idx.msk [tilespmem:v13+s7+$0x0], $0xffff;
	v13 =	vadd.s32 s9, v8;
	v5 =	vmul.f32 v60, v28;
	v9 =	vmul.f32 v9, v29  }
0xb2: {  	v62 =	vadd.s32 s9, v61  }
0xb3: {  	v59 =	vld.idx.msk [tilespmem:v7+s7+$0x0], $0xffff;
	v5 =	vadd.f32 v9, v5  }
0xb4: {  	v58 =	vld.idx.msk [tilespmem:v47+s7+$0x0], $0xffff  }
0xb5: {  	v57 =	vld.idx.msk [tilespmem:v3+s7+$0x0], $0xffff;
	[tilespmem:v11+s25+$0x0] =	vst.idx.msk $0xffff, v5  }
0xb6: {  	v63 =	vld.idx.msk [tilespmem:v13+s17+$0x0], $0xffff  }
0xb7: {  	v5 =	vld.idx.msk [tilespmem:v62+s17+$0x0], $0xffff;
	_ =	sdelay $0x3  }
0xb8: {  	v1 =	vmul.u32 $0x3, v63  }
0xb9: {  	v5 =	vmul.u32 $0x3, v5;
	_ =	sdelay $0x1  }
0xba: {  	v7 =	vld.idx.msk [tilespmem:v13+s18+$0x0], $0xffff  }
0xbb: {  	v3 =	vld.idx.msk [tilespmem:v62+s18+$0x0], $0xffff;
	_ =	sdelay $0x1  }
0xbc: {  	v9 =	vld.idx.msk [tilespmem:v1+s7+$0x0], $0xffff  }
0xbd: {  	v11 =	vld.idx.msk [tilespmem:v5+s7+$0x0], $0xffff  }
0xbe: {  	v13 =	vadd.s32 $0x1, v1  }
0xbf: {  	v3 =	vadd.f32 v3, v7  }
0xc0: {  	v7 =	vadd.s32 $0x1, v5  }
0xc1: {  	vm7 =	vgt.f32 v3, $0.0e+00;
	v3 =	vadd.s32 $0x2, v5;
	v1 =	vadd.s32 $0x2, v1  }
0xc2: {  	v36 =	vsel vm7, $0x0, v9;
	v9 =	vsel vm7, $0x0, v11;
	v11 =	vadd.s32 s10, v8  }
0xc3: {  	v60 =	vld.idx.msk [tilespmem:v13+s7+$0x0], $0xffff;
	v13 =	vadd.s32 s9, v24;
	v5 =	vmul.f32 v36, v28;
	v9 =	vmul.f32 v9, v29  }
0xc4: {  	v47 =	vadd.s32 s9, v26  }
0xc5: {  	v63 =	vld.idx.msk [tilespmem:v7+s7+$0x0], $0xffff;
	v5 =	vadd.f32 v9, v5  }
0xc6: {  	v62 =	vld.idx.msk [tilespmem:v3+s7+$0x0], $0xffff  }
0xc7: {  	v61 =	vld.idx.msk [tilespmem:v1+s7+$0x0], $0xffff;
	[tilespmem:v11+s25+$0x0] =	vst.idx.msk $0xffff, v5  }
0xc8: {  	v36 =	vld.idx.msk [tilespmem:v13+s17+$0x0], $0xffff  }
0xc9: {  	v5 =	vld.idx.msk [tilespmem:v47+s17+$0x0], $0xffff;
	_ =	sdelay $0x3  }
0xca: {  	v3 =	vmul.u32 $0x3, v36  }
0xcb: {  	v5 =	vmul.u32 $0x3, v5;
	_ =	sdelay $0x1  }
0xcc: {  	v7 =	vld.idx.msk [tilespmem:v13+s18+$0x0], $0xffff  }
0xcd: {  	v1 =	vld.idx.msk [tilespmem:v47+s18+$0x0], $0xffff;
	_ =	sdelay $0x1  }
0xce: {  	v9 =	vld.idx.msk [tilespmem:v3+s7+$0x0], $0xffff  }
0xcf: {  	v11 =	vld.idx.msk [tilespmem:v5+s7+$0x0], $0xffff  }
0xd0: {  	v13 =	vadd.s32 $0x1, v3  }
0xd1: {  	v1 =	vadd.f32 v1, v7  }
0xd2: {  	v7 =	vadd.s32 $0x1, v5  }
0xd3: {  	vm8 =	vgt.f32 v1, $0.0e+00;
	v15 =	vadd.s32 $0x2, v5;
	v3 =	vadd.s32 $0x2, v3  }
0xd4: {  	v47 =	vsel vm8, $0x0, v9;
	v9 =	vsel vm8, $0x0, v11;
	v11 =	vadd.s32 s10, v24  }
0xd5: {  	v17 =	vadd.s32 s9, v18;
	v1 =	vld.idx.msk [tilespmem:v13+s7+$0x0], $0xffff;
	v13 =	vmul.f32 v47, v28;
	v9 =	vmul.f32 v9, v29  }
0xd6: {  	v19 =	vadd.s32 s9, v20  }
0xd7: {  	v5 =	vld.idx.msk [tilespmem:v7+s7+$0x0], $0xffff;
	v9 =	vadd.f32 v9, v13  }
0xd8: {  	v7 =	vld.idx.msk [tilespmem:v15+s7+$0x0], $0xffff  }
0xd9: {  	v3 =	vld.idx.msk [tilespmem:v3+s7+$0x0], $0xffff;
	[tilespmem:v11+s25+$0x0] =	vst.idx.msk $0xffff, v9  }
0xda: {  	v9 =	vld.idx.msk [tilespmem:v17+s17+$0x0], $0xffff  }
0xdb: {  	v11 =	vld.idx.msk [tilespmem:v19+s17+$0x0], $0xffff;
	_ =	sdelay $0x3  }
0xdc: {  	v9 =	vmul.u32 $0x3, v9  }
0xdd: {  	v11 =	vmul.u32 $0x3, v11;
	_ =	sdelay $0x1  }
0xde: {  	v13 =	vld.idx.msk [tilespmem:v17+s18+$0x0], $0xffff  }
0xdf: {  	v15 =	vld.idx.msk [tilespmem:v19+s18+$0x0], $0xffff;
	_ =	sdelay $0x1  }
0xe0: {  	v17 =	vld.idx.msk [tilespmem:v9+s7+$0x0], $0xffff  }
0xe1: {  	v19 =	vld.idx.msk [tilespmem:v11+s7+$0x0], $0xffff  }
0xe2: {  	v21 =	vadd.s32 $0x1, v9  }
0xe3: {  	v13 =	vadd.f32 v15, v13  }
0xe4: {  	v15 =	vadd.s32 $0x2, v9  }
0xe5: {  	v23 =	vadd.s32 $0x1, v11;
	vm9 =	vgt.f32 v13, $0.0e+00;
	v25 =	vadd.s32 $0x2, v11  }
0xe6: {  	v11 =	vsel vm9, $0x0, v17;
	v13 =	vsel vm9, $0x0, v19;
	v17 =	vadd.s32 s10, v18  }
0xe7: {  	v27 =	vadd.s32 s9, v14;
	v9 =	vld.idx.msk [tilespmem:v21+s7+$0x0], $0xffff;
	v19 =	vmul.f32 v11, v28;
	v21 =	vmul.f32 v13, v29  }
0xe8: {  	v4 =	vadd.s32 s9, v16  }
0xe9: {  	v11 =	vld.idx.msk [tilespmem:v15+s7+$0x0], $0xffff;
	v19 =	vadd.f32 v21, v19  }
0xea: {  	v13 =	vld.idx.msk [tilespmem:v23+s7+$0x0], $0xffff  }
0xeb: {  	v15 =	vld.idx.msk [tilespmem:v25+s7+$0x0], $0xffff;
	[tilespmem:v17+s25+$0x0] =	vst.idx.msk $0xffff, v19  }
0xec: {  	v17 =	vld.idx.msk [tilespmem:v27+s17+$0x0], $0xffff  }
0xed: {  	v19 =	vld.idx.msk [tilespmem:v4+s17+$0x0], $0xffff;
	_ =	sdelay $0x3  }
0xee: {  	v17 =	vmul.u32 $0x3, v17  }
0xef: {  	v19 =	vmul.u32 $0x3, v19;
	_ =	sdelay $0x1  }
0xf0: {  	v21 =	vld.idx.msk [tilespmem:v27+s18+$0x0], $0xffff  }
0xf1: {  	v0 =	vld.idx.msk [tilespmem:v4+s18+$0x0], $0xffff;
	_ =	sdelay $0x1  }
0xf2: {  	v23 =	vld.idx.msk [tilespmem:v17+s7+$0x0], $0xffff  }
0xf3: {  	v25 =	vld.idx.msk [tilespmem:v19+s7+$0x0], $0xffff  }
0xf4: {  	v10 =	vld [tilespmem:$0x1FED0];
	v27 =	vadd.s32 $0x1, v17  }
0xf5: {  	v0 =	vadd.f32 v0, v21  }
0xf6: {  	v2 =	vadd.s32 $0x1, v19  }
0xf7: {  	v6 =	vld [tilespmem:$0x1FEE0];
	v21 =	vadd.s32 $0x2, v17;
	vm10 =	vgt.f32 v0, $0.0e+00;
	v36 =	vadd.s32 $0x2, v19  }
0xf8: {  	v19 =	vsel vm10, $0x0, v23;
	v23 =	vsel vm10, $0x0, v25;
	v25 =	vadd.s32 s10, v14  }
0xf9: {  	v4 =	vadd.s32 s9, v10;
	v17 =	vld.idx.msk [tilespmem:v27+s7+$0x0], $0xffff;
	v27 =	vmul.f32 v19, v28;
	v23 =	vmul.f32 v23, v29;
	_ =	sdelay $0x1  }
0xfa: {  	v2 =	vld.idx.msk [tilespmem:v2+s7+$0x0], $0xffff;
	v23 =	vadd.f32 v23, v27  }
0xfb: {  	v19 =	vld.idx.msk [tilespmem:v21+s7+$0x0], $0xffff;
	v21 =	vadd.s32 s9, v6  }
0xfc: {  	v0 =	vld.idx.msk [tilespmem:v36+s7+$0x0], $0xffff;
	[tilespmem:v25+s25+$0x0] =	vst.idx.msk $0xffff, v23  }
0xfd: {  	v23 =	vld.idx.msk [tilespmem:v4+s17+$0x0], $0xffff;
	_ =	sdelay $0x2  }
0xfe: {  	v25 =	vld.idx.msk [tilespmem:v21+s17+$0x0], $0xffff;
	_ =	sdelay $0x1  }
0xff: {  	v23 =	vmul.u32 $0x3, v23;
	_ =	sdelay $0x1  }
0x100: {  	v4 =	vld.idx.msk [tilespmem:v4+s18+$0x0], $0xffff  }
0x101: {  	v21 =	vld.idx.msk [tilespmem:v21+s18+$0x0], $0xffff;
	v25 =	vmul.u32 $0x3, v25;
	_ =	sdelay $0x2  }
0x102: {  	v27 =	vld.idx.msk [tilespmem:v23+s7+$0x0], $0xffff;
	_ =	sdelay $0x1  }
0x103: {  	v12 =	vld [tilespmem:$0x1FEF0];
	v4 =	vadd.f32 v21, v4  }
0x104: {  	v47 =	vmov v22;
	v22 =	vmov v8;
	v8 =	vadd.s32 $0x1, v23;
	v6 =	vld.idx.msk [tilespmem:v25+s7+$0x0], $0xffff  }
0x105: {  	v21 =	vadd.s32 $0x2, v23;
	vm11 =	vgt.f32 v4, $0.0e+00;
	v4 =	vadd.s32 $0x2, v25  }
0x106: {  	v23 =	vadd.s32 $0x1, v25;
	v25 =	vsel vm11, $0x0, v27;
	v27 =	vadd.s32 s10, v10;
	v10 =	vld [tilespmem:$0x1FFD0];
	_ =	sdelay $0x2  }
0x107: {  	v12 =	vadd.s32 s9, v12;
	v36 =	vmovc v16;
	v16 =	vmovc v14;
	v14 =	vmov v20;
	v6 =	vsel vm11, $0x0, v6  }
0x108: {  	v20 =	vmovc v18;
	v18 =	vmovc v26;
	v26 =	vmov v24;
	v24 =	vld [tilespmem:$0x1FEA0];
	v25 =	vmul.f32 v25, v28;
	v6 =	vmul.f32 v6, v29  }
0x109: {  	v8 =	vld.idx.msk [tilespmem:v8+s7+$0x0], $0xffff;
	v10 =	vadd.s32 s9, v10  }
0x10a: {  	v21 =	vld.idx.msk [tilespmem:v21+s7+$0x0], $0xffff;
	v6 =	vadd.f32 v6, v25  }
0x10b: {  	v4 =	vld.idx.msk [tilespmem:v4+s7+$0x0], $0xffff  }
0x10c: {  	v23 =	vld.idx.msk [tilespmem:v23+s7+$0x0], $0xffff;
	[tilespmem:v27+s25+$0x0] =	vst.idx.msk $0xffff, v6  }
0x10d: {  	v25 =	vld.idx.msk [tilespmem:v12+s17+$0x0], $0xffff  }
0x10e: {  	v6 =	vld.idx.msk [tilespmem:v10+s17+$0x0], $0xffff;
	_ =	sdelay $0x2  }
0x10f: {  	v27 =	vsub.f32 v24, v31;
	v24 =	vld [tilespmem:$0x1FEB0]  }
0x110: {  	v25 =	vmul.u32 $0x3, v25  }
0x111: {  	v6 =	vmul.u32 $0x3, v6  }
0x112: {  	v33 =	vsub.f32 v33, v42  }
0x113: {  	v42 =	vadd.f32 v43, v41;
	v31 =	vsub.f32 v34, v39;
	v12 =	vld.idx.msk [tilespmem:v12+s18+$0x0], $0xffff  }
0x114: {  	v27 =	vadd.f32 $0.0e+00, v27;
	v30 =	vadd.f32 v30, v24;
	v10 =	vld.idx.msk [tilespmem:v10+s18+$0x0], $0xffff  }
0x115: {  	v32 =	vadd.f32 v32, v37;
	v41 =	vsel vm2, $0x0, v42;
	v42 =	vld [tilespmem:$0x1FFD0]  }
0x116: {  	v31 =	vsel vm1, $0x0, v31;
	v27 =	vsel vm0, $0x0, v27;
	v30 =	vadd.f32 $0.0e+00, v30;
	v43 =	vld.idx.msk [tilespmem:v25+s7+$0x0], $0xffff  }
0x117: {  	v27 =	vadd.f32 v31, v27;
	v31 =	vld.idx.msk [tilespmem:v6+s7+$0x0], $0xffff  }
0x118: {  	v32 =	vsel vm1, $0x0, v32;
	v44 =	vadd.f32 v45, v44;
	v30 =	vsel vm0, $0x0, v30  }
0x119: {  	v30 =	vadd.f32 v32, v30;
	v10 =	vadd.f32 v12, v10;
	v32 =	vadd.s32 $0x1, v25  }
0x11a: {  	v39 =	vsel vm2, $0x0, v33;
	v33 =	vsub.f32 v46, v38;
	v46 =	vld [tilespmem:$0x1FFE0];
	v12 =	vadd.s32 $0x1, v6  }
0x11b: {  	vm13 =	vgt.f32 v10, $0.0e+00;
	v10 =	vadd.s32 $0x2, v25;
	v6 =	vadd.s32 $0x2, v6  }
0x11c: {  	v25 =	vsel vm13, $0x0, v31;
	v31 =	vsel vm13, $0x0, v43;
	v43 =	vadd.s32 s10, v42  }
0x11d: {  	v37 =	vadd.s32 s9, v47;
	v25 =	vmul.f32 v25, v28;
	v31 =	vmul.f32 v31, v29  }
0x11e: {  	v45 =	vsub.f32 v49, v51;
	v49 =	vadd.f32 v50, v48;
	v32 =	vld.idx.msk [tilespmem:v32+s7+$0x0], $0xffff  }
0x11f: {  	v27 =	vadd.f32 v39, v27;
	v12 =	vld.idx.msk [tilespmem:v12+s7+$0x0], $0xffff;
	v25 =	vadd.f32 v31, v25;
	v31 =	vadd.s32 s9, v46  }
0x120: {  	v51 =	vadd.f32 v54, v53;
	v33 =	vsel vm3, $0x0, v33;
	v30 =	vadd.f32 v41, v30;
	v10 =	vld.idx.msk [tilespmem:v10+s7+$0x0], $0xffff  }
0x121: {  	v38 =	vsel vm3, $0x0, v44;
	v27 =	vadd.f32 v33, v27;
	v6 =	vld.idx.msk [tilespmem:v6+s7+$0x0], $0xffff;
	[tilespmem:v43+s25+$0x0] =	vst.idx.msk $0xffff, v25  }
0x122: {  	v50 =	vsel vm4, $0x0, v45;
	v25 =	vadd.f32 v38, v30;
	v30 =	vsub.f32 v52, v55;
	v52 =	vld.idx.msk [tilespmem:v37+s17+$0x0], $0xffff  }
0x123: {  	v53 =	vsub.f32 v56, v59;
	v33 =	vsel vm4, $0x0, v49;
	v27 =	vadd.f32 v50, v27  }
0x124: {  	v1 =	vsub.f32 v1, v5;
	v25 =	vadd.f32 v33, v25;
	v30 =	vsel vm5, $0x0, v30;
	v42 =	vld.idx.msk [tilespmem:v31+s17+$0x0], $0xffff  }
0x125: {  	v34 =	vsel vm5, $0x0, v51;
	v27 =	vadd.f32 v30, v27;
	v30 =	vadd.f32 v58, v57  }
0x126: {  	v43 =	vsub.f32 v60, v63;
	v33 =	vsel vm6, $0x0, v53;
	v25 =	vadd.f32 v34, v25  }
0x127: {  	v30 =	vsel vm6, $0x0, v30;
	v27 =	vadd.f32 v33, v27;
	v45 =	vmul.u32 $0x3, v52  }
0x128: {  	v3 =	vadd.f32 v7, v3;
	v25 =	vadd.f32 v30, v25;
	v30 =	vsel vm7, $0x0, v43  }
0x129: {  	v46 =	vadd.f32 v30, v27;
	v7 =	vmul.u32 $0x3, v42;
	v27 =	vadd.s32 $0x1, v45  }
0x12a: {  	v1 =	vsel vm8, $0x0, v1;
	v44 =	vadd.f32 v62, v61;
	v30 =	vadd.s32 $0x2, v45  }
0x12b: {  	v9 =	vsub.f32 v9, v13;
	v11 =	vadd.f32 v15, v11;
	v48 =	vadd.s32 $0x1, v7  }
0x12c: {  	v2 =	vsub.f32 v17, v2;
	v13 =	vld.idx.msk [tilespmem:v37+s18+$0x0], $0xffff;
	v33 =	vsel vm7, $0x0, v44;
	v15 =	vadd.s32 $0x2, v7  }
0x12d: {  	v17 =	vld.idx.msk [tilespmem:v31+s18+$0x0], $0xffff;
	v25 =	vadd.f32 v33, v25;
	v1 =	vadd.f32 v1, v46  }
0x12e: {  	v3 =	vsel vm8, $0x0, v3;
	v9 =	vsel vm9, $0x0, v9;
	v0 =	vadd.f32 v0, v19;
	v19 =	vld.idx.msk [tilespmem:v27+s7+$0x0], $0xffff  }
0x12f: {  	v3 =	vadd.f32 v3, v25;
	v1 =	vadd.f32 v9, v1;
	v9 =	vld.idx.msk [tilespmem:v30+s7+$0x0], $0xffff  }
0x130: {  	v11 =	vsel vm9, $0x0, v11;
	v2 =	vsel vm10, $0x0, v2;
	v8 =	vsub.f32 v8, v23;
	v5 =	vld.idx.msk [tilespmem:v48+s7+$0x0], $0xffff  }
0x131: {  	v0 =	vsel vm10, $0x0, v0;
	v4 =	vadd.f32 v4, v21;
	v3 =	vadd.f32 v11, v3;
	v49 =	vld.idx.msk [tilespmem:v15+s7+$0x0], $0xffff  }
0x132: {  	v50 =	vsel vm11, $0x0, v8;
	v8 =	vsub.f32 v12, v32;
	v1 =	vadd.f32 v2, v1  }
0x133: {  	v4 =	vsel vm11, $0x0, v4;
	v52 =	vadd.f32 v17, v13;
	v0 =	vadd.f32 v0, v3  }
0x134: {  	v51 =	vadd.f32 v10, v6;
	v6 =	vsel vm13, $0x0, v8;
	v1 =	vadd.f32 v50, v1  }
0x135: {  	vm14 =	vgt.f32 v52, $0.0e+00;
	v0 =	vadd.f32 v4, v0;
	v5 =	vsub.f32 v19, v5  }
0x136: {  	v3 =	vsel vm13, $0x0, v51;
	v1 =	vadd.f32 v6, v1;
	v2 =	vadd.f32 v49, v9  }
0x137: {  	v0 =	vadd.f32 v3, v0;
	v53 =	vsel vm14, $0x0, v5  }
0x138: {  	v2 =	vsel vm14, $0x0, v2;
	v1 =	vadd.f32 v53, v1  }
0x139: {  	v0 =	vadd.f32 v2, v0  }
0x13a: {  	v56 =	vld [tilespmem:$0x1FF30];
	(xrf2) =	vadd.scan.msk.f32 $0xffff, v1  }
0x13b: {  	v21 =	vld [tilespmem:$0x1FF70];
	(xrf2) =	vadd.scan.msk.f32 $0xffff, v0  }
0x13c: {  	v62 =	vld [tilespmem:$0x1FF40]  }
0x13d: {  	v54 =	vld.idx.msk [tilespmem:v45+s7+$0x0], $0xffff  }
0x13e: {  	v55 =	vld.idx.msk [tilespmem:v7+s7+$0x0], $0xffff  }
0x13f: {  	v23 =	vld [tilespmem:$0x1FF80]  }
0x140: {  	v12 =	vld [tilespmem:$0x1FFC0]  }
0x141: {  	v60 =	vld [tilespmem:$0x1FF50]  }
0x142: {  	v10 =	vld [tilespmem:$0x1FFB0]  }
0x143: {  	p0 =	sne.s32 s11, $0xF;
	v58 =	vld [tilespmem:$0x1FF20];
	v57 =	vadd.s32 s10, v47;
	v1 =	vsel vm14, $0x0, v55;
	v0 =	vsel vm14, $0x0, v54  }
.Ltmp0:
0x144: {  	v17 =	vld [tilespmem:$0x1FF10];
	v1 =	vmul.f32 v1, v29;
	v0 =	vmul.f32 v0, v28;
	v59, _, _ =	vpop (xrf2);
	(pc) =	sbr.rel @p0 .LBB2_3-.Ltmp0, $4  }
0x145: {  	v24 =	vmov v26;
	v63 =	vmov s11;
	v25 =	vld [tilespmem:$0x1FF90];
	v9 =	vlaneseq.u32;
	v61, _, _ =	vpop (xrf2)  }
0x146: {  	v26 =	vmovc v18;
	v18 =	vmovc v20;
	v27 =	vld [tilespmem:$0x1FFA0];
	v0 =	vadd.f32 v1, v0;
	v3 =	vbroadcast v59, $0xF;
	v1 =	vbroadcast v61, $0xF  }
0x147: {  	v20 =	vmovc v14;
	v14 =	vmovc v16;
	v16 =	vmov v36;
	v8 =	vmov v22;
	v15 =	vld [tilespmem:$0x1FF00];
	vm15 =	veq.s32 v63, v9  }
0x148: {  	s9 =	sadd.s32 $0x1C2, s9;
	v22 =	vmov v47;
	s11 =	sadd.s32 $0x1, s11;
	s10 =	sadd.s32 $0xE1, s10;
	v19 =	vld [tilespmem:$0x1FF60];
	[tilespmem:v57+s25+$0x0] =	vst.idx.msk $0xffff, v0;
	v35 =	vsel vm15, v3, v35;
	v40 =	vsel vm15, v1, v40  }
0x149: {  	v0 =	vmul.u32 $0x1C2, v9;
	_ =	sdelay $0x1  }
0x14a: {  	v4 =	vadd.s32 $0xE0, v0  }
0x14b: {  	v5 =	vadd.s32 $0x1C1, v0;
	_ =	sdelay $0x3  }
0x14c: {  	v49 =	vld.idx.msk [tilespmem:v4+s17+$0x0], $0xffff  }
0x14d: {  	v1 =	vld.idx.msk [tilespmem:v5+s17+$0x0], $0xffff;
	_ =	sdelay $0x3  }
0x14e: {  	v0 =	vmul.u32 $0x3, v49  }
0x14f: {  	v1 =	vmul.u32 $0x3, v1  }
0x150: {  	v2 =	vadd.s32 $0x1, v0  }
0x151: {  	v3 =	vadd.s32 $0x1, v1;
	_ =	sdelay $0x1  }
0x152: {  	[tilespmem:$0x1FE40] =	vst v4;
	v4 =	vld.idx.msk [tilespmem:v4+s18+$0x0], $0xffff  }
0x153: {  	[tilespmem:$0x1FE50] =	vst v5;
	v5 =	vld.idx.msk [tilespmem:v5+s18+$0x0], $0xffff;
	v6 =	vadd.s32 $0x2, v0  }
0x154: {  	v7 =	vadd.s32 $0x2, v1;
	v2 =	vld.idx.msk [tilespmem:v2+s7+$0x0], $0xffff  }
0x155: {  	v3 =	vld.idx.msk [tilespmem:v3+s7+$0x0], $0xffff  }
0x156: {  	v0 =	vld.idx.msk [tilespmem:v0+s7+$0x0], $0xffff  }
0x157: {  	v1 =	vld.idx.msk [tilespmem:v1+s7+$0x0], $0xffff  }
0x158: {  	v51 =	vld.idx.msk [tilespmem:v6+s7+$0x0], $0xffff  }
0x159: {  	v50 =	vmov s4;
	v4 =	vadd.f32 v5, v4;
	v52 =	vld.idx.msk [tilespmem:v7+s7+$0x0], $0xffff  }
0x15a: {  	v53 =	vmul.u32 $0xE1, v9;
	v2 =	vsub.f32 v2, v3;
	v3 =	vmul.u32 $0x3, v50  }
0x15b: {  	v13 =	vmul.u32 $0x3, v9;
	vm0 =	vgt.f32 v4, $0.0e+00  }
0x15c: {  	v11 =	vadd.s32 $0xE0, v53;
	v0 =	vsel vm0, $0x0, v0;
	v3 =	vbroadcast v3, $0x0  }
0x15d: {  	v55 =	vadd.s32 $0x1, v13;
	v1 =	vsel vm0, $0x0, v1;
	v0 =	vmul.f32 v0, v28  }
0x15e: {  	v1 =	vmul.f32 v1, v29;
	v4 =	vadd.f32 v52, v51;
	v54 =	vadd.s32 v13, v3  }
0x15f: {  	[tilespmem:$0x1FE70] =	vst v13;
	v2 =	vsel vm0, $0x0, v2;
	v7 =	vadd.s32 v55, v3;
	v13 =	vadd.s32 $0x2, v13  }
0x160: {  	p0 =	seq.s32 s3, $0x3;
	v0 =	vadd.f32 v1, v0;
	v2 =	vadd.f32 v2, v35;
	v57 =	vadd.s32 v13, v3  }
0x161: {  	s9 =	sadd.s32 @!p0 s4, s13;
	[tilespmem:$0x1FE60] =	vst v55  }
0x162: {  	s9 =	smul.u32 @!p0 $0x1C2, s9;
	v59 =	vsel vm0, $0x0, v4;
	[tilespmem:v11+s25+$0x0] =	vst.idx.msk $0xffff, v0;
	v61 =	vsub.f32 $0.0e+00, v2  }
0x163: {  	v63 =	vadd.f32 v59, v40;
	[tilespmem:v54+s26+$0x0] =	vst.idx.msk $0xffff, v2  }
0x164: {  	s22 =	smul.u32 $0xE1, s22;
	s9 =	sshrl.u32 @!p0 s9, $0x3;
	[tilespmem:v7+s26+$0x0] =	vst.idx.msk $0xffff, v61  }
0x165: {  	s11 =	simm.s32 @!p0 $0x0;
	s12 =	simm.s32 @!p0 $0x1D00;
	s10 =	sadd.s32 @!p0 s0, s9;
	[tilespmem:v57+s26+$0x0] =	vst.idx.msk $0xffff, v63  }
0x166: {  	[tilespmem:s12], [sflag:$0x1] =	stream.linear.gather @!p0 [hbm4b:s10+s11], $0x1C20, $0x38;
	[tilespmem:$0xAD80] =	vst v63  }
0x167: {  	s22 =	sshrl.u32 s22, $0x3;
	[tilespmem:$0x1FE90] =	vst v11;
	s9 =	sadd.s32 @!p0 s1, s9;
	s10 =	simm.s32 @!p0 $0x5600  }
0x168: {  	[tilespmem:s10], [sflag:$0x3] =	stream.linear.gather @!p0 [hbm4b:s9+s11], $0x1C20, $0x38;
	[tilespmem:$0xAD80] =	vst v63  }
0x169: {  	[tilespmem:$0x1FE80] =	vst v13;
	s9 =	sadd.s32 s6, s22  }
0x16a: {  	[hbm4b:s9+s7] =	stream.linear.scatter [tilespmem:s25], [sflag:$0x5], $0xE10, $0x38;
	[tilespmem:$0xAD80] =	vst v63  }
0x16b: {  	_ =	swait.ge [sflag:s28], $0x1C20  }
0x16c: {  	[sflag:s28] =	ssyncset.done $0x0  }
0x16d: {  	[sflag:s28] =	ssyncadd.s32 $0xFFFFE3E0  }
0x16e: {  	_ =	swait.ge [sflag:s29], $0x1C20  }
0x16f: {  	[sflag:s29] =	ssyncset.done $0x0  }
0x170: {  	s10 =	simm.s32 @!p1 $0x6;
	[sflag:s29] =	ssyncadd.s32 $0xFFFFE3E0  }
0x171: {  	s12 =	simm.s32 $0x0;
	_ =	swait.ge @!p1 [sflag:s10], $0xE10  }
0x172: {  	s11 =	simm.s32 $0x0;
	s9 =	sor.u32 $0x10, s4;
	[sflag:s10] =	ssyncset.done @!p1 $0x0  }
0x173: {  	v36 =	vimm.f32 $0.0e+00;
	v37 =	vimm.f32 $0.0e+00;
	s22 =	sadd.s32 s8, s9;
	[sflag:s10] =	ssyncadd.s32 @!p1 $0xFFFFF1F0;
	s10 =	simm.s32 $0x0  }
.LBB2_5:
0x174: {  	v0 =	vadd.s32 s10, v9  }
0x175: {  	v1 =	vadd.s32 s10, v10;
	_ =	sdelay $0x3  }
0x176: {  	v2 =	vld.idx.msk [tilespmem:v0+s19+$0x0], $0xffff  }
0x177: {  	v3 =	vld.idx.msk [tilespmem:v1+s19+$0x0], $0xffff;
	_ =	sdelay $0x3  }
0x178: {  	v2 =	vmul.u32 $0x3, v2  }
0x179: {  	v3 =	vmul.u32 $0x3, v3;
	_ =	sdelay $0x1  }
0x17a: {  	v0 =	vld.idx.msk [tilespmem:v0+s20+$0x0], $0xffff  }
0x17b: {  	v1 =	vld.idx.msk [tilespmem:v1+s20+$0x0], $0xffff;
	_ =	sdelay $0x1  }
0x17c: {  	v4 =	vld.idx.msk [tilespmem:v2+s7+$0x0], $0xffff  }
0x17d: {  	v5 =	vld.idx.msk [tilespmem:v3+s7+$0x0], $0xffff;
	_ =	sdelay $0x1  }
0x17e: {  	v6 =	vadd.s32 $0x1, v2;
	v0 =	vadd.f32 v1, v0  }
0x17f: {  	v63 =	vadd.s32 $0x2, v2  }
0x180: {  	v34 =	vadd.s32 s11, v9;
	v32 =	vadd.s32 $0x1, v3;
	vm0 =	vgt.f32 v0, $0.0e+00  }
0x181: {  	v33 =	vadd.s32 $0x2, v3;
	v4 =	vsel vm0, $0x0, v4;
	v5 =	vsel vm0, $0x0, v5  }
0x182: {  	v35 =	vadd.s32 s10, v12;
	v4 =	vmul.f32 v4, v28;
	v5 =	vmul.f32 v5, v29  }
0x183: {  	v44 =	vadd.s32 s10, v15;
	v38 =	vld.idx.msk [tilespmem:v6+s7+$0x0], $0xffff  }
0x184: {  	v39 =	vld.idx.msk [tilespmem:v63+s7+$0x0], $0xffff;
	v45 =	vadd.f32 v5, v4  }
0x185: {  	v40 =	vld.idx.msk [tilespmem:v32+s7+$0x0], $0xffff  }
0x186: {  	v41 =	vld.idx.msk [tilespmem:v33+s7+$0x0], $0xffff;
	[tilespmem:v34+s30+$0x0] =	vst.idx.msk $0xffff, v45  }
0x187: {  	v46 =	vld.idx.msk [tilespmem:v35+s19+$0x0], $0xffff  }
0x188: {  	v2 =	vld.idx.msk [tilespmem:v44+s19+$0x0], $0xffff;
	_ =	sdelay $0x3  }
0x189: {  	v0 =	vmul.u32 $0x3, v46  }
0x18a: {  	v2 =	vmul.u32 $0x3, v2;
	_ =	sdelay $0x1  }
0x18b: {  	v3 =	vld.idx.msk [tilespmem:v35+s20+$0x0], $0xffff  }
0x18c: {  	v1 =	vld.idx.msk [tilespmem:v44+s20+$0x0], $0xffff;
	_ =	sdelay $0x1  }
0x18d: {  	v48 =	vld.idx.msk [tilespmem:v0+s7+$0x0], $0xffff  }
0x18e: {  	v49 =	vld.idx.msk [tilespmem:v2+s7+$0x0], $0xffff;
	_ =	sdelay $0x1  }
0x18f: {  	v1 =	vadd.f32 v1, v3;
	v50 =	vadd.s32 $0x1, v0  }
0x190: {  	v51 =	vadd.s32 $0x1, v2  }
0x191: {  	v55 =	vadd.s32 s11, v12;
	vm1 =	vgt.f32 v1, $0.0e+00;
	v52 =	vadd.s32 $0x2, v2  }
0x192: {  	v0 =	vadd.s32 $0x2, v0;
	v53 =	vsel vm1, $0x0, v48;
	v54 =	vsel vm1, $0x0, v49  }
0x193: {  	v57 =	vadd.s32 s10, v17;
	v2 =	vmul.f32 v53, v28;
	v4 =	vmul.f32 v54, v29  }
0x194: {  	v59 =	vadd.s32 s10, v19;
	v42 =	vld.idx.msk [tilespmem:v50+s7+$0x0], $0xffff  }
0x195: {  	v45 =	vld.idx.msk [tilespmem:v51+s7+$0x0], $0xffff;
	v2 =	vadd.f32 v4, v2  }
0x196: {  	v44 =	vld.idx.msk [tilespmem:v52+s7+$0x0], $0xffff  }
0x197: {  	v43 =	vld.idx.msk [tilespmem:v0+s7+$0x0], $0xffff;
	[tilespmem:v55+s30+$0x0] =	vst.idx.msk $0xffff, v2  }
0x198: {  	v61 =	vld.idx.msk [tilespmem:v57+s19+$0x0], $0xffff  }
0x199: {  	v2 =	vld.idx.msk [tilespmem:v59+s19+$0x0], $0xffff;
	_ =	sdelay $0x3  }
0x19a: {  	v1 =	vmul.u32 $0x3, v61  }
0x19b: {  	v2 =	vmul.u32 $0x3, v2;
	_ =	sdelay $0x1  }
0x19c: {  	v63 =	vld.idx.msk [tilespmem:v57+s20+$0x0], $0xffff  }
0x19d: {  	v0 =	vld.idx.msk [tilespmem:v59+s20+$0x0], $0xffff;
	_ =	sdelay $0x1  }
0x19e: {  	v32 =	vld.idx.msk [tilespmem:v1+s7+$0x0], $0xffff  }
0x19f: {  	v5 =	vld.idx.msk [tilespmem:v2+s7+$0x0], $0xffff;
	_ =	sdelay $0x1  }
0x1a0: {  	v0 =	vadd.f32 v0, v63;
	v33 =	vadd.s32 $0x1, v1  }
0x1a1: {  	v34 =	vadd.s32 $0x1, v2  }
0x1a2: {  	v52 =	vadd.s32 s11, v17;
	vm2 =	vgt.f32 v0, $0.0e+00;
	v35 =	vadd.s32 $0x2, v2  }
0x1a3: {  	v1 =	vadd.s32 $0x2, v1;
	v50 =	vsel vm2, $0x0, v32;
	v51 =	vsel vm2, $0x0, v5  }
0x1a4: {  	v53 =	vadd.s32 s10, v21;
	v2 =	vmul.f32 v50, v28;
	v4 =	vmul.f32 v51, v29  }
0x1a5: {  	v54 =	vadd.s32 s10, v23;
	v46 =	vld.idx.msk [tilespmem:v33+s7+$0x0], $0xffff  }
0x1a6: {  	v48 =	vld.idx.msk [tilespmem:v34+s7+$0x0], $0xffff;
	v2 =	vadd.f32 v4, v2  }
0x1a7: {  	v49 =	vld.idx.msk [tilespmem:v35+s7+$0x0], $0xffff  }
0x1a8: {  	v22 =	vld.idx.msk [tilespmem:v1+s7+$0x0], $0xffff;
	[tilespmem:v52+s30+$0x0] =	vst.idx.msk $0xffff, v2  }
0x1a9: {  	v55 =	vld.idx.msk [tilespmem:v53+s19+$0x0], $0xffff  }
0x1aa: {  	v2 =	vld.idx.msk [tilespmem:v54+s19+$0x0], $0xffff;
	_ =	sdelay $0x3  }
0x1ab: {  	v0 =	vmul.u32 $0x3, v55  }
0x1ac: {  	v2 =	vmul.u32 $0x3, v2;
	_ =	sdelay $0x1  }
0x1ad: {  	v57 =	vld.idx.msk [tilespmem:v53+s20+$0x0], $0xffff  }
0x1ae: {  	v1 =	vld.idx.msk [tilespmem:v54+s20+$0x0], $0xffff;
	_ =	sdelay $0x1  }
0x1af: {  	v59 =	vld.idx.msk [tilespmem:v0+s7+$0x0], $0xffff  }
0x1b0: {  	v5 =	vld.idx.msk [tilespmem:v2+s7+$0x0], $0xffff;
	_ =	sdelay $0x1  }
0x1b1: {  	v1 =	vadd.f32 v1, v57;
	v61 =	vadd.s32 $0x1, v0  }
0x1b2: {  	v63 =	vadd.s32 $0x1, v2  }
0x1b3: {  	v35 =	vadd.s32 s11, v21;
	vm3 =	vgt.f32 v1, $0.0e+00;
	v32 =	vadd.s32 $0x2, v2  }
0x1b4: {  	v0 =	vadd.s32 $0x2, v0;
	v33 =	vsel vm3, $0x0, v59;
	v34 =	vsel vm3, $0x0, v5  }
0x1b5: {  	v57 =	vadd.s32 s10, v25;
	v2 =	vmul.f32 v33, v28;
	v4 =	vmul.f32 v34, v29  }
0x1b6: {  	v52 =	vld.idx.msk [tilespmem:v61+s7+$0x0], $0xffff;
	v59 =	vadd.s32 s10, v27  }
0x1b7: {  	v53 =	vld.idx.msk [tilespmem:v63+s7+$0x0], $0xffff;
	v2 =	vadd.f32 v4, v2  }
0x1b8: {  	v51 =	vld.idx.msk [tilespmem:v32+s7+$0x0], $0xffff  }
0x1b9: {  	v50 =	vld.idx.msk [tilespmem:v0+s7+$0x0], $0xffff;
	[tilespmem:v35+s30+$0x0] =	vst.idx.msk $0xffff, v2  }
0x1ba: {  	v61 =	vld.idx.msk [tilespmem:v57+s19+$0x0], $0xffff  }
0x1bb: {  	v2 =	vld.idx.msk [tilespmem:v59+s19+$0x0], $0xffff;
	_ =	sdelay $0x3  }
0x1bc: {  	v1 =	vmul.u32 $0x3, v61  }
0x1bd: {  	v2 =	vmul.u32 $0x3, v2;
	_ =	sdelay $0x1  }
0x1be: {  	v63 =	vld.idx.msk [tilespmem:v57+s20+$0x0], $0xffff  }
0x1bf: {  	v0 =	vld.idx.msk [tilespmem:v59+s20+$0x0], $0xffff;
	_ =	sdelay $0x1  }
0x1c0: {  	v32 =	vld.idx.msk [tilespmem:v1+s7+$0x0], $0xffff  }
0x1c1: {  	v5 =	vld.idx.msk [tilespmem:v2+s7+$0x0], $0xffff;
	_ =	sdelay $0x1  }
0x1c2: {  	v0 =	vadd.f32 v0, v63;
	v33 =	vadd.s32 $0x1, v1  }
0x1c3: {  	v34 =	vadd.s32 $0x1, v2  }
0x1c4: {  	v63 =	vadd.s32 s11, v25;
	vm4 =	vgt.f32 v0, $0.0e+00;
	v35 =	vadd.s32 $0x2, v2  }
0x1c5: {  	v1 =	vadd.s32 $0x2, v1;
	v59 =	vsel vm4, $0x0, v32;
	v61 =	vsel vm4, $0x0, v5  }
0x1c6: {  	v32 =	vadd.s32 s10, v58;
	v2 =	vmul.f32 v59, v28;
	v4 =	vmul.f32 v61, v29  }
0x1c7: {  	v55 =	vld.idx.msk [tilespmem:v33+s7+$0x0], $0xffff;
	v33 =	vadd.s32 s10, v56  }
0x1c8: {  	v57 =	vld.idx.msk [tilespmem:v34+s7+$0x0], $0xffff;
	v2 =	vadd.f32 v4, v2  }
0x1c9: {  	v56 =	vld.idx.msk [tilespmem:v35+s7+$0x0], $0xffff  }
0x1ca: {  	v54 =	vld.idx.msk [tilespmem:v1+s7+$0x0], $0xffff;
	[tilespmem:v63+s30+$0x0] =	vst.idx.msk $0xffff, v2  }
0x1cb: {  	v34 =	vld.idx.msk [tilespmem:v32+s19+$0x0], $0xffff  }
0x1cc: {  	v2 =	vld.idx.msk [tilespmem:v33+s19+$0x0], $0xffff;
	_ =	sdelay $0x3  }
0x1cd: {  	v0 =	vmul.u32 $0x3, v34  }
0x1ce: {  	v2 =	vmul.u32 $0x3, v2;
	_ =	sdelay $0x1  }
0x1cf: {  	v35 =	vld.idx.msk [tilespmem:v32+s20+$0x0], $0xffff  }
0x1d0: {  	v1 =	vld.idx.msk [tilespmem:v33+s20+$0x0], $0xffff;
	_ =	sdelay $0x1  }
0x1d1: {  	v59 =	vld.idx.msk [tilespmem:v0+s7+$0x0], $0xffff  }
0x1d2: {  	v5 =	vld.idx.msk [tilespmem:v2+s7+$0x0], $0xffff;
	_ =	sdelay $0x1  }
0x1d3: {  	v1 =	vadd.f32 v1, v35;
	v61 =	vadd.s32 $0x1, v0  }
0x1d4: {  	v63 =	vadd.s32 $0x1, v2  }
0x1d5: {  	v34 =	vadd.s32 s11, v58;
	vm5 =	vgt.f32 v1, $0.0e+00;
	v0 =	vadd.s32 $0x2, v0  }
0x1d6: {  	v1 =	vadd.s32 $0x2, v2;
	v32 =	vsel vm5, $0x0, v59;
	v33 =	vsel vm5, $0x0, v5  }
0x1d7: {  	v35 =	vadd.s32 s10, v62;
	v2 =	vmul.f32 v32, v28;
	v4 =	vmul.f32 v33, v29  }
0x1d8: {  	v58 =	vld.idx.msk [tilespmem:v61+s7+$0x0], $0xffff  }
0x1d9: {  	v61 =	vld.idx.msk [tilespmem:v63+s7+$0x0], $0xffff;
	v2 =	vadd.f32 v4, v2  }
0x1da: {  	v59 =	vld.idx.msk [tilespmem:v0+s7+$0x0], $0xffff;
	v32 =	vadd.s32 s10, v60  }
0x1db: {  	v60 =	vld.idx.msk [tilespmem:v1+s7+$0x0], $0xffff;
	[tilespmem:v34+s30+$0x0] =	vst.idx.msk $0xffff, v2  }
0x1dc: {  	v33 =	vld.idx.msk [tilespmem:v35+s19+$0x0], $0xffff;
	_ =	sdelay $0x2  }
0x1dd: {  	v2 =	vld.idx.msk [tilespmem:v32+s19+$0x0], $0xffff;
	_ =	sdelay $0x1  }
0x1de: {  	v1 =	vmul.u32 $0x3, v33;
	_ =	sdelay $0x1  }
0x1df: {  	v34 =	vld.idx.msk [tilespmem:v35+s20+$0x0], $0xffff  }
0x1e0: {  	v0 =	vld.idx.msk [tilespmem:v32+s20+$0x0], $0xffff;
	v2 =	vmul.u32 $0x3, v2;
	_ =	sdelay $0x2  }
0x1e1: {  	v35 =	vld.idx.msk [tilespmem:v1+s7+$0x0], $0xffff;
	_ =	sdelay $0x1  }
0x1e2: {  	v0 =	vadd.f32 v0, v34  }
0x1e3: {  	v5 =	vld.idx.msk [tilespmem:v2+s7+$0x0], $0xffff  }
0x1e4: {  	v7 =	vld [tilespmem:$0x1FFF0];
	v63 =	vadd.s32 $0x1, v1;
	vm6 =	vgt.f32 v0, $0.0e+00  }
0x1e5: {  	v1 =	vadd.s32 $0x2, v1;
	v33 =	vsel vm6, $0x0, v35;
	v35 =	vld [tilespmem:$0x1FEC0];
	_ =	sdelay $0x1  }
0x1e6: {  	v32 =	vadd.s32 $0x1, v2  }
0x1e7: {  	v0 =	vadd.s32 $0x2, v2;
	v34 =	vsel vm6, $0x0, v5;
	v5 =	vadd.s32 s11, v62  }
0x1e8: {  	v6 =	vadd.s32 s10, v7;
	v62 =	vld.idx.msk [tilespmem:v63+s7+$0x0], $0xffff;
	v2 =	vmul.f32 v33, v28;
	v4 =	vmul.f32 v34, v29  }
0x1e9: {  	v63 =	vld.idx.msk [tilespmem:v1+s7+$0x0], $0xffff;
	v1 =	vadd.s32 s10, v35  }
0x1ea: {  	v2 =	vadd.f32 v4, v2  }
0x1eb: {  	v34 =	vld.idx.msk [tilespmem:v32+s7+$0x0], $0xffff  }
0x1ec: {  	v32 =	vld.idx.msk [tilespmem:v0+s7+$0x0], $0xffff;
	[tilespmem:v5+s30+$0x0] =	vst.idx.msk $0xffff, v2  }
0x1ed: {  	v5 =	vld.idx.msk [tilespmem:v6+s19+$0x0], $0xffff  }
0x1ee: {  	v2 =	vld.idx.msk [tilespmem:v1+s19+$0x0], $0xffff;
	_ =	sdelay $0x3  }
0x1ef: {  	v0 =	vmul.u32 $0x3, v5  }
0x1f0: {  	v2 =	vmul.u32 $0x3, v2;
	_ =	sdelay $0x1  }
0x1f1: {  	v3 =	vld.idx.msk [tilespmem:v6+s20+$0x0], $0xffff  }
0x1f2: {  	v1 =	vld.idx.msk [tilespmem:v1+s20+$0x0], $0xffff;
	_ =	sdelay $0x1  }
0x1f3: {  	v33 =	vld.idx.msk [tilespmem:v0+s7+$0x0], $0xffff  }
0x1f4: {  	v5 =	vld.idx.msk [tilespmem:v2+s7+$0x0], $0xffff;
	_ =	sdelay $0x1  }
0x1f5: {  	v35 =	vadd.s32 $0x1, v0;
	v1 =	vadd.f32 v1, v3;
	v0 =	vadd.s32 $0x2, v0;
	_ =	sdelay $0x1  }
0x1f6: {  	v3 =	vadd.s32 $0x1, v2;
	vm7 =	vgt.f32 v1, $0.0e+00;
	v1 =	vadd.s32 $0x2, v2  }
0x1f7: {  	v2 =	vsel vm7, $0x0, v33;
	v4 =	vsel vm7, $0x0, v5;
	v5 =	vadd.s32 s11, v7  }
0x1f8: {  	v6 =	vadd.s32 s10, v24;
	v2 =	vmul.f32 v2, v28;
	v4 =	vmul.f32 v4, v29  }
0x1f9: {  	v30 =	vld.idx.msk [tilespmem:v0+s7+$0x0], $0xffff;
	v0 =	vadd.s32 s10, v26  }
0x1fa: {  	v35 =	vld.idx.msk [tilespmem:v35+s7+$0x0], $0xffff;
	v2 =	vadd.f32 v4, v2  }
0x1fb: {  	v33 =	vld.idx.msk [tilespmem:v3+s7+$0x0], $0xffff  }
0x1fc: {  	v31 =	vld.idx.msk [tilespmem:v1+s7+$0x0], $0xffff;
	[tilespmem:v5+s30+$0x0] =	vst.idx.msk $0xffff, v2  }
0x1fd: {  	v7 =	vld.idx.msk [tilespmem:v6+s19+$0x0], $0xffff  }
0x1fe: {  	v2 =	vld.idx.msk [tilespmem:v0+s19+$0x0], $0xffff;
	_ =	sdelay $0x3  }
0x1ff: {  	v1 =	vmul.u32 $0x3, v7  }
0x200: {  	v2 =	vmul.u32 $0x3, v2;
	_ =	sdelay $0x1  }
0x201: {  	v3 =	vld.idx.msk [tilespmem:v6+s20+$0x0], $0xffff  }
0x202: {  	v0 =	vld.idx.msk [tilespmem:v0+s20+$0x0], $0xffff;
	_ =	sdelay $0x1  }
0x203: {  	v4 =	vld.idx.msk [tilespmem:v1+s7+$0x0], $0xffff  }
0x204: {  	v5 =	vld.idx.msk [tilespmem:v2+s7+$0x0], $0xffff  }
0x205: {  	v6 =	vadd.s32 $0x1, v1  }
0x206: {  	v0 =	vadd.f32 v0, v3  }
0x207: {  	v3 =	vadd.s32 $0x2, v1  }
0x208: {  	v8 =	vadd.s32 s11, v24;
	v7 =	vadd.s32 $0x1, v2;
	vm8 =	vgt.f32 v0, $0.0e+00  }
0x209: {  	v0 =	vadd.s32 $0x2, v2;
	v2 =	vsel vm8, $0x0, v4;
	v4 =	vsel vm8, $0x0, v5  }
0x20a: {  	v1 =	vld.idx.msk [tilespmem:v6+s7+$0x0], $0xffff;
	v6 =	vadd.s32 s10, v18;
	v2 =	vmul.f32 v2, v28;
	v4 =	vmul.f32 v4, v29  }
0x20b: {  	v9 =	vadd.s32 s10, v20  }
0x20c: {  	v3 =	vld.idx.msk [tilespmem:v3+s7+$0x0], $0xffff;
	v2 =	vadd.f32 v4, v2  }
0x20d: {  	v5 =	vld.idx.msk [tilespmem:v7+s7+$0x0], $0xffff  }
0x20e: {  	v7 =	vld.idx.msk [tilespmem:v0+s7+$0x0], $0xffff;
	[tilespmem:v8+s30+$0x0] =	vst.idx.msk $0xffff, v2  }
0x20f: {  	v4 =	vld.idx.msk [tilespmem:v6+s19+$0x0], $0xffff  }
0x210: {  	v2 =	vld.idx.msk [tilespmem:v9+s19+$0x0], $0xffff;
	_ =	sdelay $0x3  }
0x211: {  	v0 =	vmul.u32 $0x3, v4  }
0x212: {  	v2 =	vmul.u32 $0x3, v2;
	_ =	sdelay $0x1  }
0x213: {  	v4 =	vld.idx.msk [tilespmem:v6+s20+$0x0], $0xffff  }
0x214: {  	v6 =	vld.idx.msk [tilespmem:v9+s20+$0x0], $0xffff;
	_ =	sdelay $0x1  }
0x215: {  	v8 =	vld.idx.msk [tilespmem:v0+s7+$0x0], $0xffff  }
0x216: {  	v9 =	vld.idx.msk [tilespmem:v2+s7+$0x0], $0xffff  }
0x217: {  	v10 =	vadd.s32 $0x1, v0  }
0x218: {  	v4 =	vadd.f32 v6, v4  }
0x219: {  	v6 =	vadd.s32 $0x1, v2  }
0x21a: {  	v12 =	vadd.s32 s11, v18;
	v0 =	vadd.s32 $0x2, v0;
	vm9 =	vgt.f32 v4, $0.0e+00  }
0x21b: {  	v2 =	vadd.s32 $0x2, v2;
	v4 =	vsel vm9, $0x0, v8;
	v8 =	vsel vm9, $0x0, v9  }
0x21c: {  	v9 =	vld.idx.msk [tilespmem:v10+s7+$0x0], $0xffff;
	v10 =	vadd.s32 s10, v14;
	v4 =	vmul.f32 v4, v28;
	v8 =	vmul.f32 v8, v29;
	_ =	sdelay $0x1  }
0x21d: {  	v13 =	vld.idx.msk [tilespmem:v6+s7+$0x0], $0xffff;
	v4 =	vadd.f32 v8, v4  }
0x21e: {  	v11 =	vld.idx.msk [tilespmem:v0+s7+$0x0], $0xffff  }
0x21f: {  	v0 =	vadd.s32 s10, v16;
	v15 =	vld.idx.msk [tilespmem:v2+s7+$0x0], $0xffff;
	[tilespmem:v12+s30+$0x0] =	vst.idx.msk $0xffff, v4  }
0x220: {  	v2 =	vld.idx.msk [tilespmem:v10+s19+$0x0], $0xffff;
	_ =	sdelay $0x3  }
0x221: {  	v4 =	vld.idx.msk [tilespmem:v0+s19+$0x0], $0xffff  }
0x222: {  	v2 =	vmul.u32 $0x3, v2;
	_ =	sdelay $0x3  }
0x223: {  	v4 =	vmul.u32 $0x3, v4  }
0x224: {  	v6 =	vld.idx.msk [tilespmem:v10+s20+$0x0], $0xffff  }
0x225: {  	v12 =	vadd.s32 $0x1, v2;
	v8 =	vld.idx.msk [tilespmem:v2+s7+$0x0], $0xffff;
	v2 =	vadd.s32 $0x2, v2  }
0x226: {  	v0 =	vld.idx.msk [tilespmem:v0+s20+$0x0], $0xffff;
	_ =	sdelay $0x1  }
0x227: {  	v25 =	vld [tilespmem:$0x1FED0]  }
0x228: {  	v10 =	vld.idx.msk [tilespmem:v4+s7+$0x0], $0xffff  }
0x229: {  	v19 =	vld.idx.msk [tilespmem:v2+s7+$0x0], $0xffff  }
0x22a: {  	v0 =	vadd.f32 v0, v6;
	v2 =	vld [tilespmem:$0x1FEE0];
	_ =	sdelay $0x1  }
0x22b: {  	v6 =	vadd.s32 $0x1, v4;
	vm10 =	vgt.f32 v0, $0.0e+00;
	v0 =	vadd.s32 $0x2, v4  }
0x22c: {  	v4 =	vsel vm10, $0x0, v8;
	v8 =	vsel vm10, $0x0, v10;
	v10 =	vadd.s32 s11, v14  }
0x22d: {  	v17 =	vld.idx.msk [tilespmem:v12+s7+$0x0], $0xffff;
	v12 =	vadd.s32 s10, v25;
	v4 =	vmul.f32 v4, v28;
	v8 =	vmul.f32 v8, v29  }
0x22e: {  	v2 =	vadd.s32 s10, v2  }
0x22f: {  	v4 =	vadd.f32 v8, v4  }
0x230: {  	v6 =	vld.idx.msk [tilespmem:v6+s7+$0x0], $0xffff  }
0x231: {  	v0 =	vld.idx.msk [tilespmem:v0+s7+$0x0], $0xffff;
	[tilespmem:v10+s30+$0x0] =	vst.idx.msk $0xffff, v4  }
0x232: {  	v4 =	vld.idx.msk [tilespmem:v12+s19+$0x0], $0xffff  }
0x233: {  	v8 =	vld.idx.msk [tilespmem:v2+s19+$0x0], $0xffff;
	_ =	sdelay $0x3  }
0x234: {  	v4 =	vmul.u32 $0x3, v4  }
0x235: {  	v8 =	vmul.u32 $0x3, v8;
	_ =	sdelay $0x1  }
0x236: {  	v10 =	vld.idx.msk [tilespmem:v12+s20+$0x0], $0xffff  }
0x237: {  	v2 =	vld.idx.msk [tilespmem:v2+s20+$0x0], $0xffff;
	_ =	sdelay $0x1  }
0x238: {  	v12 =	vld.idx.msk [tilespmem:v4+s7+$0x0], $0xffff  }
0x239: {  	v21 =	vld.idx.msk [tilespmem:v8+s7+$0x0], $0xffff;
	_ =	sdelay $0x1  }
0x23a: {  	v2 =	vadd.f32 v2, v10  }
0x23b: {  	v23 =	vadd.s32 $0x1, v4  }
0x23c: {  	v27 =	vld [tilespmem:$0x1FEF0];
	v10 =	vadd.s32 $0x1, v8;
	vm11 =	vgt.f32 v2, $0.0e+00;
	v2 =	vadd.s32 $0x2, v8  }
0x23d: {  	v8 =	vsel vm11, $0x0, v12;
	v12 =	vsel vm11, $0x0, v21;
	v21 =	vadd.s32 s11, v25;
	v25 =	vld [tilespmem:$0x1FFD0]  }
0x23e: {  	v4 =	vadd.s32 $0x2, v4;
	_ =	sdelay $0x2  }
0x23f: {  	v27 =	vadd.s32 s10, v27;
	v8 =	vmul.f32 v8, v28;
	v12 =	vmul.f32 v12, v29  }
0x240: {  	v23 =	vld.idx.msk [tilespmem:v23+s7+$0x0], $0xffff;
	v25 =	vadd.s32 s10, v25  }
0x241: {  	v4 =	vld.idx.msk [tilespmem:v4+s7+$0x0], $0xffff;
	v8 =	vadd.f32 v12, v8  }
0x242: {  	v10 =	vld.idx.msk [tilespmem:v10+s7+$0x0], $0xffff  }
0x243: {  	v2 =	vld.idx.msk [tilespmem:v2+s7+$0x0], $0xffff;
	[tilespmem:v21+s30+$0x0] =	vst.idx.msk $0xffff, v8  }
0x244: {  	v12 =	vld.idx.msk [tilespmem:v27+s19+$0x0], $0xffff  }
0x245: {  	v8 =	vld.idx.msk [tilespmem:v25+s19+$0x0], $0xffff;
	_ =	sdelay $0x3  }
0x246: {  	v12 =	vmul.u32 $0x3, v12  }
0x247: {  	v8 =	vmul.u32 $0x3, v8  }
0x248: {  	v21 =	vsub.f32 v38, v40  }
0x249: {  	v45 =	vsub.f32 v42, v45;
	v44 =	vadd.f32 v44, v43;
	v27 =	vld.idx.msk [tilespmem:v27+s20+$0x0], $0xffff  }
0x24a: {  	v38 =	vadd.f32 v41, v39;
	v21 =	vadd.f32 $0.0e+00, v21;
	v25 =	vld.idx.msk [tilespmem:v25+s20+$0x0], $0xffff  }
0x24b: {  	v42 =	vadd.f32 v49, v22;
	v41 =	vsub.f32 v46, v48;
	v46 =	vld [tilespmem:$0x1FFD0]  }
0x24c: {  	v39 =	vsel vm1, $0x0, v45;
	v38 =	vadd.f32 $0.0e+00, v38;
	v21 =	vsel vm0, $0x0, v21;
	v43 =	vld.idx.msk [tilespmem:v12+s7+$0x0], $0xffff  }
0x24d: {  	v34 =	vsub.f32 v62, v34;
	v21 =	vadd.f32 v39, v21;
	v39 =	vld.idx.msk [tilespmem:v8+s7+$0x0], $0xffff  }
0x24e: {  	v40 =	vsel vm1, $0x0, v44;
	v48 =	vsel vm2, $0x0, v42;
	v38 =	vsel vm0, $0x0, v38  }
0x24f: {  	v38 =	vadd.f32 v40, v38;
	v40 =	vadd.s32 $0x1, v12;
	v25 =	vadd.f32 v27, v25  }
0x250: {  	v49 =	vld [tilespmem:$0x1FFE0];
	v45 =	vsel vm2, $0x0, v41;
	v41 =	vsub.f32 v52, v53;
	v27 =	vadd.s32 $0x1, v8  }
0x251: {  	v53 =	vadd.s32 s11, v46;
	vm13 =	vgt.f32 v25, $0.0e+00;
	v12 =	vadd.s32 $0x2, v12  }
0x252: {  	v8 =	vadd.s32 $0x2, v8;
	v52 =	vsel vm13, $0x0, v43;
	v25 =	vsel vm13, $0x0, v39  }
0x253: {  	v43 =	vadd.s32 s10, v47;
	v39 =	vmul.f32 v52, v29;
	v25 =	vmul.f32 v25, v28  }
0x254: {  	v21 =	vadd.f32 v45, v21;
	v38 =	vadd.f32 v48, v38;
	v40 =	vld.idx.msk [tilespmem:v40+s7+$0x0], $0xffff  }
0x255: {  	v48 =	vadd.f32 v51, v50;
	v51 =	vadd.s32 s10, v49;
	v27 =	vld.idx.msk [tilespmem:v27+s7+$0x0], $0xffff;
	v25 =	vadd.f32 v39, v25  }
0x256: {  	v32 =	vadd.f32 v32, v63;
	v41 =	vsel vm3, $0x0, v41;
	v50 =	vsub.f32 v55, v57;
	v12 =	vld.idx.msk [tilespmem:v12+s7+$0x0], $0xffff  }
0x257: {  	v34 =	vsel vm6, $0x0, v34;
	v21 =	vadd.f32 v41, v21;
	v8 =	vld.idx.msk [tilespmem:v8+s7+$0x0], $0xffff;
	[tilespmem:v53+s30+$0x0] =	vst.idx.msk $0xffff, v25  }
0x258: {  	v52 =	vadd.f32 v56, v54;
	v54 =	vsel vm4, $0x0, v50;
	v53 =	vsub.f32 v58, v61;
	v57 =	vld.idx.msk [tilespmem:v43+s19+$0x0], $0xffff  }
0x259: {  	v32 =	vsel vm6, $0x0, v32;
	v44 =	vsel vm3, $0x0, v48;
	v21 =	vadd.f32 v54, v21  }
0x25a: {  	v33 =	vsub.f32 v35, v33;
	v25 =	vadd.f32 v44, v38;
	v61 =	vld.idx.msk [tilespmem:v51+s19+$0x0], $0xffff;
	v38 =	vsel vm5, $0x0, v53  }
0x25b: {  	v55 =	vadd.f32 v60, v59;
	v41 =	vsel vm4, $0x0, v52;
	v21 =	vadd.f32 v38, v21  }
0x25c: {  	v30 =	vadd.f32 v31, v30;
	v31 =	vsel vm7, $0x0, v33;
	v25 =	vadd.f32 v41, v25  }
0x25d: {  	v59 =	vsel vm5, $0x0, v55;
	v21 =	vadd.f32 v34, v21;
	v63 =	vmul.u32 $0x3, v57  }
0x25e: {  	v30 =	vsel vm7, $0x0, v30;
	v1 =	vsub.f32 v1, v5;
	v25 =	vadd.f32 v59, v25  }
0x25f: {  	v42 =	vmul.u32 $0x3, v61;
	v41 =	vadd.f32 v31, v21;
	v21 =	vadd.s32 $0x1, v63  }
0x260: {  	v3 =	vadd.f32 v7, v3;
	v1 =	vsel vm8, $0x0, v1;
	v31 =	vadd.s32 $0x2, v63  }
0x261: {  	v9 =	vsub.f32 v9, v13;
	v25 =	vadd.f32 v32, v25;
	v44 =	vadd.s32 $0x1, v42  }
0x262: {  	v11 =	vadd.f32 v15, v11;
	v6 =	vsub.f32 v17, v6;
	v13 =	vld.idx.msk [tilespmem:v43+s20+$0x0], $0xffff;
	v15 =	vadd.s32 $0x2, v42  }
0x263: {  	v17 =	vld.idx.msk [tilespmem:v51+s20+$0x0], $0xffff;
	v25 =	vadd.f32 v30, v25;
	v1 =	vadd.f32 v1, v41  }
0x264: {  	v3 =	vsel vm8, $0x0, v3;
	v9 =	vsel vm9, $0x0, v9;
	v0 =	vadd.f32 v0, v19;
	v19 =	vld.idx.msk [tilespmem:v21+s7+$0x0], $0xffff  }
0x265: {  	v3 =	vadd.f32 v3, v25;
	v1 =	vadd.f32 v9, v1;
	v9 =	vld.idx.msk [tilespmem:v31+s7+$0x0], $0xffff  }
0x266: {  	v11 =	vsel vm9, $0x0, v11;
	v6 =	vsel vm10, $0x0, v6;
	v2 =	vadd.f32 v2, v4;
	v45 =	vld.idx.msk [tilespmem:v44+s7+$0x0], $0xffff  }
0x267: {  	v0 =	vsel vm10, $0x0, v0;
	v10 =	vsub.f32 v23, v10;
	v3 =	vadd.f32 v11, v3;
	v46 =	vld.idx.msk [tilespmem:v15+s7+$0x0], $0xffff  }
0x268: {  	v2 =	vsel vm11, $0x0, v2;
	v51 =	vadd.f32 v17, v13;
	v1 =	vadd.f32 v6, v1  }
0x269: {  	v48 =	vsel vm11, $0x0, v10;
	v49 =	vsub.f32 v27, v40;
	v0 =	vadd.f32 v0, v3  }
0x26a: {  	v50 =	vadd.f32 v12, v8;
	vm14 =	vgt.f32 v51, $0.0e+00;
	v1 =	vadd.f32 v48, v1  }
0x26b: {  	v6 =	vsel vm13, $0x0, v49;
	v0 =	vadd.f32 v2, v0;
	v4 =	vsub.f32 v19, v45  }
0x26c: {  	v2 =	vsel vm13, $0x0, v50;
	v1 =	vadd.f32 v6, v1;
	v3 =	vadd.f32 v46, v9  }
0x26d: {  	v0 =	vadd.f32 v2, v0;
	v52 =	vsel vm14, $0x0, v4  }
0x26e: {  	v53 =	vsel vm14, $0x0, v3;
	v1 =	vadd.f32 v52, v1  }
0x26f: {  	v0 =	vadd.f32 v53, v0  }
0x270: {  	v62 =	vld [tilespmem:$0x1FF40];
	(xrf2) =	vadd.scan.msk.f32 $0xffff, v1  }
0x271: {  	v23 =	vld [tilespmem:$0x1FF80];
	(xrf2) =	vadd.scan.msk.f32 $0xffff, v0  }
0x272: {  	v60 =	vld [tilespmem:$0x1FF50]  }
0x273: {  	v54 =	vld.idx.msk [tilespmem:v63+s7+$0x0], $0xffff  }
0x274: {  	v55 =	vld.idx.msk [tilespmem:v42+s7+$0x0], $0xffff  }
0x275: {  	v10 =	vld [tilespmem:$0x1FFB0]  }
0x276: {  	v56 =	vld [tilespmem:$0x1FF30]  }
0x277: {  	v27 =	vld [tilespmem:$0x1FFA0]  }
0x278: {  	v58 =	vld [tilespmem:$0x1FF20]  }
0x279: {  	p1 =	sne.s32 s12, $0xF;
	v12 =	vld [tilespmem:$0x1FFC0];
	v57 =	vadd.s32 s11, v47;
	v1 =	vsel vm14, $0x0, v55;
	v0 =	vsel vm14, $0x0, v54  }
.Ltmp1:
0x27a: {  	v17 =	vld [tilespmem:$0x1FF10];
	v1 =	vmul.f32 v1, v29;
	v0 =	vmul.f32 v0, v28;
	v59, _, _ =	vpop (xrf2);
	(pc) =	sbr.rel @p1 .LBB2_5-.Ltmp1, $4  }
0x27b: {  	v25 =	vld [tilespmem:$0x1FF90];
	v63 =	vmov s12;
	v9 =	vlaneseq.u32;
	v61, _, _ =	vpop (xrf2)  }
0x27c: {  	v21 =	vld [tilespmem:$0x1FF70];
	v0 =	vadd.f32 v1, v0;
	v3 =	vbroadcast v59, $0xF;
	v1 =	vbroadcast v61, $0xF  }
0x27d: {  	v15 =	vld [tilespmem:$0x1FF00];
	vm15 =	veq.s32 v63, v9  }
0x27e: {  	s10 =	sadd.s32 $0x1C2, s10;
	s11 =	sadd.s32 $0xE1, s11;
	s12 =	sadd.s32 $0x1, s12;
	v19 =	vld [tilespmem:$0x1FF60];
	[tilespmem:v57+s30+$0x0] =	vst.idx.msk $0xffff, v0;
	v37 =	vsel vm15, v3, v37;
	v36 =	vsel vm15, v1, v36  }
0x27f: {  	v4 =	vld [tilespmem:$0x1FE40]  }
0x280: {  	v5 =	vld [tilespmem:$0x1FE50];
	_ =	sdelay $0x6  }
0x281: {  	v0 =	vld.idx.msk [tilespmem:v4+s19+$0x0], $0xffff  }
0x282: {  	v1 =	vld.idx.msk [tilespmem:v5+s19+$0x0], $0xffff;
	_ =	sdelay $0x3  }
0x283: {  	v0 =	vmul.u32 $0x3, v0  }
0x284: {  	v1 =	vmul.u32 $0x3, v1;
	_ =	sdelay $0x1  }
0x285: {  	v61 =	vld [tilespmem:$0x1FE90];
	v2 =	vadd.s32 $0x1, v0  }
0x286: {  	v4 =	vld.idx.msk [tilespmem:v4+s20+$0x0], $0xffff;
	v3 =	vadd.s32 $0x1, v1  }
0x287: {  	v5 =	vld.idx.msk [tilespmem:v5+s20+$0x0], $0xffff;
	v6 =	vadd.s32 $0x2, v0  }
0x288: {  	v7 =	vadd.s32 $0x2, v1;
	v0 =	vld.idx.msk [tilespmem:v0+s7+$0x0], $0xffff  }
0x289: {  	v1 =	vld.idx.msk [tilespmem:v1+s7+$0x0], $0xffff  }
0x28a: {  	v2 =	vld.idx.msk [tilespmem:v2+s7+$0x0], $0xffff  }
0x28b: {  	v8 =	vmov s9;
	v3 =	vld.idx.msk [tilespmem:v3+s7+$0x0], $0xffff  }
0x28c: {  	v54 =	vld.idx.msk [tilespmem:v6+s7+$0x0], $0xffff;
	v6 =	vmul.u32 $0x3, v8  }
0x28d: {  	v55 =	vld.idx.msk [tilespmem:v7+s7+$0x0], $0xffff  }
0x28e: {  	v57 =	vbroadcast v6, $0x0;
	v6 =	vld [tilespmem:$0x1FE70]  }
0x28f: {  	v4 =	vadd.f32 v5, v4;
	v7 =	vld [tilespmem:$0x1FE60]  }
0x290: {  	v59 =	vld [tilespmem:$0x1FE80]  }
0x291: {  	vm0 =	vgt.f32 v4, $0.0e+00  }
0x292: {  	v0 =	vsel vm0, $0x0, v0;
	v1 =	vsel vm0, $0x0, v1;
	v2 =	vsub.f32 v2, v3  }
0x293: {  	v0 =	vmul.f32 v0, v28;
	v1 =	vmul.f32 v1, v29;
	v6 =	vadd.s32 v6, v57  }
0x294: {  	v7 =	vadd.s32 v7, v57;
	v3 =	vadd.f32 v55, v54;
	v2 =	vsel vm0, $0x0, v2  }
0x295: {  	v0 =	vadd.f32 v1, v0;
	v1 =	vadd.s32 v59, v57;
	v2 =	vadd.f32 v2, v37  }
0x296: {  	s4 =	sadd.s32 @!p0 s4, s14  }
0x297: {  	s4 =	smul.u32 @!p0 $0x1C2, s4;
	v3 =	vsel vm0, $0x0, v3;
	[tilespmem:v61+s30+$0x0] =	vst.idx.msk $0xffff, v0;
	v63 =	vsub.f32 $0.0e+00, v2  }
0x298: {  	v3 =	vadd.f32 v3, v36;
	[tilespmem:v6+s26+$0x0] =	vst.idx.msk $0xffff, v2  }
0x299: {  	s4 =	sshrl.u32 @!p0 s4, $0x3;
	[tilespmem:v7+s26+$0x0] =	vst.idx.msk $0xffff, v63  }
0x29a: {  	s10 =	simm.s32 @!p0 $0x0;
	s11 =	simm.s32 @!p0 $0x3980;
	s9 =	sadd.s32 @!p0 s0, s4;
	[tilespmem:v1+s26+$0x0] =	vst.idx.msk $0xffff, v3  }
0x29b: {  	[tilespmem:s11], [sflag:$0x2] =	stream.linear.gather @!p0 [hbm4b:s9+s10], $0x1C20, $0x38;
	[tilespmem:$0xAD80] =	vst v63  }
0x29c: {  	s3 =	sadd.s32 $0x1, s3;
	s4 =	sadd.s32 @!p0 s1, s4;
	s9 =	simm.s32 @!p0 $0x7280  }
0x29d: {  	[tilespmem:s9], [sflag:$0x4] =	stream.linear.gather @!p0 [hbm4b:s4+s10], $0x1C20, $0x38;
	[tilespmem:$0xAD80] =	vst v63  }
0x29e: {  	s12 =	smul.u32 $0xE1, s22;
	p0 =	sne.s32 s3, $0x4  }
.Ltmp2:
0x29f: {  	_ = 	snop;
	(pc) =	sbr.rel @p0 .LBB2_2-.Ltmp2, $4  }
0x2a0: {  	_ = 	snop  }
0x2a1: {  	s22 =	sshrl.u32 s12, $0x3  }
0x2a2: {  	s4 =	sadd.s32 s6, s22  }
0x2a3: {  	v22 =	vmov v47;
	v8 =	vld [tilespmem:$0x1FFF0];
	[hbm4b:s4+s7] =	stream.linear.scatter [tilespmem:s30], [sflag:$0x6], $0xE10, $0x38  }
0x2a4: {  	_ =	swait.ge [sflag:s31], $0xE10  }
0x2a5: {  	[sflag:s31] =	ssyncset.done $0x0  }
0x2a6: {  	[sflag:s31] =	ssyncadd.s32 $0xFFFFF1F0  }
0x2a7: {  	s2 =	sadd.s32 $0x1, s2;
	_ =	swait.ge [sflag:s5], $0xE10  }
0x2a8: {  	p0 =	sne.s32 s2, s16;
	[sflag:s5] =	ssyncset.done $0x0  }
.Ltmp3:
0x2a9: {  	[sflag:s5] =	ssyncadd.s32 $0xFFFFF1F0;
	(pc) =	sbr.rel @p0 .LBB2_1-.Ltmp3, $4  }
0x2aa: {  	[hbm4b:s15+s7] =	stream.linear.scatter [tilespmem:s26], [sflag:$0x7], $0x180, $0x38;
	[tilespmem:$0xAD80] =	vst v63  }
0x2ab: {  	_ =	swait.ge [sflag:s21], $0x180  }
0x2ac: {  	[sflag:s21] =	ssyncset.done $0x0  }
0x2ad: {  	[sflag:s21] =	ssyncadd.s32 $0xFFFFFE80  }
0x2ae: {  	_ =	sfence.sel $0x180000  }
0x2af: {  	[bflag:$0x0] =	sbarrier.arrive $0xFFFF  }
0x2b0: {  	_ =	strace $0x90000047  }
0x2b1: {  	s0 =	stileid.u32;
	[bflag:$0x2] =	sbarrier.arrive $0xFFFF  }
0x2b2: {  	p0 =	sne.s32 s0, $0x0;
	s0 =	rddreg [dreg:$0x6]  }
0x2b3: {  	s0 =	sadd.s32 @!p0 $0x100000, s0  }
0x2b4: {  	[sflag:s0] =	ssyncadd.tile.s32 @!p0 $0x1;
	_ =	shalt  }
.Lfunc_end2:
_tile_overlayer_lowered:
.L_overlay_start_2:
0x2b5: {  	(tag) =	ssettag $0x2  }
0x2b6: {  	s0 =	rddreg [dreg:$0x0];
	s2 =	stileid.u32  }
0x2b7: {  	s1 =	rddreg [dreg:$0x1];
	p0 =	sne.s32 s2, $0x0  }
0x2b8: {  	s3 =	rddreg [dreg:$0x2];
	[bflag:$0x3] =	sbarrier.arrive $0xFFFF;
	s2 =	simm.s32 @!p0 $0x1C07  }
0x2b9: {  	[timem:s3], [sflag:s2] =	dma.local @!p0 [hbm:s0], s1  }
0x2ba: {  	s0 =	simm.s32 @!p0 $0x7  }
0x2bb: {  	_ =	swait.ge @!p0 [sflag:s0], s1  }
0x2bc: {  	s1 =	ssub.s32 @!p0 $0x0, s1;
	[sflag:s0] =	ssyncset.done @!p0 $0x0  }
0x2bd: {  	[sflag:s0] =	ssyncadd.s32 @!p0 s1  }
0x2be: {  	[bflag:$0x3] =	sbarrier.arrive $0xFFFF  }
0x2bf: {  	_ =	shalt  }

</sc_bundles>
